<compile_context>
chip_gen: v7x
topology: tpu7x:2x2x1
jax: 0.10.2.dev20260603
libtpu: 0.0.44.dev20260713+nightly
codegen_flags: <defaults>
</compile_context>

<pallas_src>
import functools

import jax
import jax.numpy as jnp
from jax import lax
from jax.experimental import pallas as pl
from jax.experimental.pallas import tpu as pltpu
from jax.experimental.pallas import tpu_sc as plsc

N = 10000
E = 320000
D = 128
NB = 2048

NP = 10240
EBLK = 128
KPT = 80
EP = 32 * KPT * EBLK
ROWS_PT = NP // 16
NBUF = 2
CHUNK = 8

@functools.cache
def _mesh():
    return plsc.VectorSubcoreMesh(core_axis_name="c", subcore_axis_name="s")


def _seg_body(with_counts, ch, *refs):
    if with_counts:
        (vals, src2d, dst2d, zeros_hbm, out, cntout,
         src_c, dst_c, cnt_v, acc, *bufs) = refs
        fcnt = fcb = None
    else:
        (vals, src2d, dst2d, fcnt, zeros_hbm, out,
         src_c, dst_c, fcb, acc, *bufs) = refs
        cnt_v = cntout = None
    rows = bufs[:NBUF]
    gsem = bufs[NBUF:2 * NBUF]
    cid = lax.axis_index("c")
    sid = lax.axis_index("s")
    wid = sid * 2 + cid

    pltpu.sync_copy(zeros_hbm.at[pl.ds(sid * ROWS_PT, ROWS_PT)],
                    acc.at[pl.ds(sid * ROWS_PT, ROWS_PT)])
    if with_counts:
        zz = jnp.zeros((16,), jnp.float32)

        def zb(i, carry):
            cnt_v[pl.ds(i * 16, 16)] = zz
            return carry
        lax.fori_loop(0, NP // 16, zb, 0)
    plsc.subcore_barrier()

    ones = jnp.ones((16,), jnp.float32)

    def counts_for(j):
        if with_counts:
            def cb(i, c2):
                idx = dst_c[j, pl.ds(i * 16, 16)]
                plsc.addupdate_scatter(cnt_v, [idx], ones)
                return c2
            lax.fori_loop(0, EBLK // 16, cb, 0)

    if with_counts:
        nch = jnp.where(cid == 0, 17, 3)
    else:
        pltpu.sync_copy(fcnt.at[wid], fcb)
        ecnt = jnp.max(fcb[...])
        nch = (ecnt + ch * EBLK - 1) // (ch * EBLK)
    if with_counts:
        base_chunk = jnp.where(cid == 0, sid * 17, 16 * 17 + sid * 3)
    else:
        base_chunk = wid * (KPT // ch)

    def chunk(c, carry):
        blk0 = (base_chunk + c) * ch
        pltpu.sync_copy(src2d.at[pl.ds(blk0, ch)], src_c)
        pltpu.sync_copy(dst2d.at[pl.ds(blk0, ch)], dst_c)
        pltpu.async_copy(vals.at[src_c.at[0]], rows[0], gsem[0])
        T = ch // NBUF

        def step(t, c2, last=False):
            for b in range(NBUF):
                j = t * NBUF + b
                pltpu.make_async_copy(vals.at[src_c.at[j]], rows[b],
                                      gsem[b]).wait()
                if not (last and b == NBUF - 1):
                    nb = (b + 1) % NBUF
                    pltpu.async_copy(vals.at[src_c.at[j + 1]], rows[nb],
                                     gsem[nb])
                counts_for(j)
                pltpu.sync_copy(rows[b], acc.at[dst_c.at[j]], add=True)
            return c2
        lax.fori_loop(0, T - 1, step, 0)
        step(T - 1, 0, last=True)
        return carry
    lax.fori_loop(0, nch, chunk, 0)

    plsc.subcore_barrier()
    pltpu.sync_copy(acc.at[pl.ds(sid * ROWS_PT, ROWS_PT)],
                    out.at[cid].at[pl.ds(sid * ROWS_PT, ROWS_PT)])
    if with_counts:
        pltpu.sync_copy(cnt_v, cntout.at[wid])


@functools.cache
def _make_segsum(with_counts):
    ch = CHUNK
    outs = [jax.ShapeDtypeStruct((2, NP, D), jnp.float32)]
    scratch = [
        pltpu.VMEM((ch, EBLK), jnp.int32),
        pltpu.VMEM((ch, EBLK), jnp.int32),
        pltpu.VMEM_SHARED((NP, D), jnp.float32),
    ]
    if with_counts:
        outs.append(jax.ShapeDtypeStruct((32, NP), jnp.float32))
        scratch.insert(2, pltpu.VMEM((NP,), jnp.float32))
    else:
        scratch.insert(2, pltpu.VMEM((16,), jnp.int32))
    scratch += [pltpu.VMEM((EBLK, D), jnp.float32) for _ in range(NBUF)]
    scratch += [pltpu.SemaphoreType.DMA for _ in range(NBUF)]
    return pl.kernel(
        functools.partial(_seg_body, with_counts, ch),
        out_type=tuple(outs) if with_counts else outs[0],
        mesh=_mesh(),
        scratch_types=scratch,
        compiler_params=pltpu.CompilerParams(needs_layout_passes=False),
        name="sc_segsum_cnt" if with_counts else "sc_segsum",
    )


def _filter_body(src2d, dst2d, batch_hbm, fsrc, fdst, fcnt,
                 src_a, dst_a, mask_v, fsrc_v, fdst_v, batch_v, cbuf):
    cid = lax.axis_index("c")
    sid = lax.axis_index("s")
    wid = sid * 2 + cid
    base = wid * KPT
    pltpu.sync_copy(src2d.at[pl.ds(base, KPT)], src_a)
    pltpu.sync_copy(dst2d.at[pl.ds(base, KPT)], dst_a)
    pltpu.sync_copy(batch_hbm, batch_v)

    zz = jnp.zeros((16,), jnp.int32)
    ones = jnp.ones((16,), jnp.int32)

    def zb(i, c):
        mask_v[pl.ds(i * 16, 16)] = zz
        return c
    lax.fori_loop(0, NP // 16, zb, 0)

    def mb(i, c):
        plsc.store_scatter(mask_v, [batch_v[pl.ds(i * 16, 16)]], ones)
        return c
    lax.fori_loop(0, NB // 16, mb, 0)

    jdst = jnp.full((16,), NP - 1, jnp.int32)

    def jb(i, c):
        fsrc_v[pl.ds(i * 16, 16)] = zz
        fdst_v[pl.ds(i * 16, 16)] = jdst
        return c
    lax.fori_loop(0, (KPT * EBLK) // 16, jb, 0)

    def fb(j, off):
        def fbi(i, off2):
            d = dst_a[j, pl.ds(i * 16, 16)]
            s = src_a[j, pl.ds(i * 16, 16)]
            keep = plsc.load_gather(mask_v, [d]) == 1
            plsc.store_compressed(fsrc_v.at[pl.ds(off2, 16)], s, mask=keep)
            plsc.store_compressed(fdst_v.at[pl.ds(off2, 16)], d, mask=keep)
            return off2 + jnp.max(plsc.all_reduce_population_count(keep))
        return lax.fori_loop(0, EBLK // 16, fbi, off)
    cnt = lax.fori_loop(0, KPT, fb, jnp.int32(0))

    pltpu.sync_copy(fsrc_v, fsrc.at[pl.ds(wid * KPT * EBLK, KPT * EBLK)])
    pltpu.sync_copy(fdst_v, fdst.at[pl.ds(wid * KPT * EBLK, KPT * EBLK)])
    cbuf[...] = jnp.zeros((16,), jnp.int32) + cnt
    pltpu.sync_copy(cbuf, fcnt.at[wid])


@functools.cache
def _make_filter():
    return pl.kernel(
        _filter_body,
        out_type=(jax.ShapeDtypeStruct((EP,), jnp.int32),
                  jax.ShapeDtypeStruct((EP,), jnp.int32),
                  jax.ShapeDtypeStruct((32, 16), jnp.int32)),
        mesh=_mesh(),
        scratch_types=[
            pltpu.VMEM((KPT, EBLK), jnp.int32),
            pltpu.VMEM((KPT, EBLK), jnp.int32),
            pltpu.VMEM((NP,), jnp.int32),
            pltpu.VMEM((KPT * EBLK,), jnp.int32),
            pltpu.VMEM((KPT * EBLK,), jnp.int32),
            pltpu.VMEM((NB,), jnp.int32),
            pltpu.VMEM((16,), jnp.int32),
        ],
        compiler_params=pltpu.CompilerParams(needs_layout_passes=False),
        name="sc_edge_filter",
    )


BPT = NB // 32


def _gather_batch_body(h_hbm, lab_hbm, batch_hbm, hB, lbB,
                       bidx_v, rows_v, lab_v, lout_v, sem):
    cid = lax.axis_index("c")
    sid = lax.axis_index("s")
    wid = sid * 2 + cid
    pltpu.sync_copy(batch_hbm.at[pl.ds(wid * BPT, BPT)], bidx_v)
    pltpu.async_copy(h_hbm.at[bidx_v], rows_v, sem).wait()
    pltpu.sync_copy(rows_v, hB.at[pl.ds(wid * BPT, BPT)])
    pltpu.sync_copy(lab_hbm, lab_v)

    def gb(i, carry):
        idx = bidx_v[pl.ds(i * 16, 16)]
        lout_v[pl.ds(i * 16, 16)] = plsc.load_gather(lab_v, [idx])
        return carry
    lax.fori_loop(0, BPT // 16, gb, 0)
    pltpu.sync_copy(lout_v, lbB.at[pl.ds(wid * BPT, BPT)])


@functools.cache
def _make_gather_batch():
    return pl.kernel(
        _gather_batch_body,
        out_type=(jax.ShapeDtypeStruct((NB, D), jnp.float32),
                  jax.ShapeDtypeStruct((NB,), jnp.int32)),
        mesh=_mesh(),
        scratch_types=[
            pltpu.VMEM((BPT,), jnp.int32),
            pltpu.VMEM((BPT, D), jnp.float32),
            pltpu.VMEM((NP,), jnp.int32),
            pltpu.VMEM((BPT,), jnp.int32),
            pltpu.SemaphoreType.DMA,
        ],
        compiler_params=pltpu.CompilerParams(needs_layout_passes=False),
        name="sc_gather_batch",
    )

RB = 512
G = NP // RB


def _tc_layer_body(p_ref, inv_ref, x_ref, wl_ref, bl_ref, wr_ref, h_ref):
    agg = (p_ref[0] + p_ref[1]) * inv_ref[...]
    h = (jnp.dot(agg, wl_ref[...], preferred_element_type=jnp.float32)
         + bl_ref[...]
         + jnp.dot(x_ref[...], wr_ref[...], preferred_element_type=jnp.float32))
    h_ref[...] = jnp.maximum(h, 0.0)


def _tc_inv_body(c_ref, inv_ref):
    cnt = jnp.sum(c_ref[...], axis=1, keepdims=True)
    inv_ref[...] = jnp.broadcast_to(1.0 / jnp.maximum(cnt, 1.0), (RB, D))


_tc_inv = pl.pallas_call(
    _tc_inv_body,
    grid=(G,),
    in_specs=[pl.BlockSpec((RB, 32), lambda i: (i, 0))],
    out_specs=pl.BlockSpec((RB, D), lambda i: (i, 0)),
    out_shape=jax.ShapeDtypeStruct((NP, D), jnp.float32),
)

_tc_layer = pl.pallas_call(
    _tc_layer_body,
    grid=(G,),
    in_specs=[pl.BlockSpec((2, RB, D), lambda i: (0, i, 0)),
              pl.BlockSpec((RB, D), lambda i: (i, 0)),
              pl.BlockSpec((RB, D), lambda i: (i, 0)),
              pl.BlockSpec((D, D), lambda i: (0, 0)),
              pl.BlockSpec((1, D), lambda i: (0, 0)),
              pl.BlockSpec((D, D), lambda i: (0, 0))],
    out_specs=pl.BlockSpec((RB, D), lambda i: (i, 0)),
    out_shape=jax.ShapeDtypeStruct((NP, D), jnp.float32),
)


def _tc_mlp_loss_body(h_ref, lab_ref, wd1_ref, bd1_ref, w0_ref, w1_ref,
                      bd2_ref, out_ref):
    h2 = jnp.maximum(
        jnp.dot(h_ref[...], wd1_ref[...], preferred_element_type=jnp.float32)
        + bd1_ref[...], 0.0)
    z0 = jnp.sum(h2 * w0_ref[...], axis=1, keepdims=True) + bd2_ref[0]
    z1 = jnp.sum(h2 * w1_ref[...], axis=1, keepdims=True) + bd2_ref[1]
    m = jnp.maximum(z0, z1)
    e0 = jnp.exp(z0 - m)
    e1 = jnp.exp(z1 - m)
    s = e0 + e1
    p0 = e0 / s
    p1 = e1 / s
    m2 = jnp.maximum(p0, p1)
    ls = jnp.log(jnp.exp(p0 - m2) + jnp.exp(p1 - m2))
    l0 = p0 - m2 - ls
    l1 = p1 - m2 - ls
    v = jnp.where(lab_ref[...] == 0, l0, l1)
    loss = -jnp.sum(v) / NB
    out_ref[...] = jnp.broadcast_to(loss, (8, 128))


_tc_mlp_loss = pl.pallas_call(
    _tc_mlp_loss_body,
    grid=(1,),
    in_specs=[pl.BlockSpec((NB, D), lambda i: (0, 0)),
              pl.BlockSpec((NB, 1), lambda i: (0, 0)),
              pl.BlockSpec((D, D), lambda i: (0, 0)),
              pl.BlockSpec((1, D), lambda i: (0, 0)),
              pl.BlockSpec((1, D), lambda i: (0, 0)),
              pl.BlockSpec((1, D), lambda i: (0, 0)),
              pl.BlockSpec(memory_space=pltpu.SMEM)],
    out_specs=pl.BlockSpec((8, 128), lambda i: (0, 0)),
    out_shape=jax.ShapeDtypeStruct((8, 128), jnp.float32),
)


def kernel(x, ei, batch, labels, Wl1, bl1, Wr1, Wl2, bl2, Wr2, Wd1, bd1, Wd2, bd2):
    src, dst = ei[0], ei[1]
    padE = EP - E
    src2d = jnp.concatenate(
        [src, jnp.zeros((padE,), jnp.int32)]).reshape(EP // EBLK, EBLK)
    dst2d = jnp.concatenate(
        [dst, jnp.full((padE,), NP - 1, jnp.int32)]).reshape(EP // EBLK, EBLK)
    xp = jnp.concatenate([x, jnp.zeros((NP - N, D), jnp.float32)])
    labp = jnp.concatenate([labels, jnp.zeros((NP - N,), jnp.int32)])
    zerosNP = jnp.zeros((NP, D), jnp.float32)

    fsrc, fdst, fcnt = _make_filter()(src2d, dst2d, batch)
    p1, cntp = _make_segsum(True)(xp, src2d, dst2d, zerosNP)
    inv = _tc_inv(cntp.T)
    h1 = _tc_layer(p1, inv, xp, Wl1.T, bl1.reshape(1, D), Wr1.T)
    p2 = _make_segsum(False)(h1, fsrc.reshape(EP // EBLK, EBLK),
                             fdst.reshape(EP // EBLK, EBLK), fcnt, zerosNP)
    h2full = _tc_layer(p2, inv, h1, Wl2.T, bl2.reshape(1, D), Wr2.T)
    hB, lbB = _make_gather_batch()(h2full, labp, batch)
    out = _tc_mlp_loss(hB, lbB.reshape(NB, 1), Wd1.T, bd1.reshape(1, D),
                       Wd2[0].reshape(1, D), Wd2[1].reshape(1, D), bd2)
    return out[0, 0]

# --- scband reference (transcript-rebuilt; emitter-appended) ---
"""Pipeline reference for scband-simple-gnnclassifier-10677288698291 (READ-ONLY COPY).

The authoritative reference and input builder live on the scoring server;
editing this copy changes nothing except your own understanding.
"""

import jax, jax.numpy as jnp
import numpy as np

N, E, D, H = 10000, 320000, 128, 128


def setup_inputs(seed: int = 0):
    key = jax.random.key(seed)
    ks = jax.random.split(key, 12)
    x = jax.random.normal(ks[0], (N, D), dtype=jnp.float32)
    ei = jax.random.randint(ks[1], (2, E), 0, N, dtype=jnp.int32)
    batch = jax.random.randint(ks[2], (2048,), 0, N, dtype=jnp.int32)
    labels = jax.random.randint(ks[3], (N,), 0, 2, dtype=jnp.int32)

    def lin(k, o, i):
        return jax.random.normal(k, (o, i), dtype=jnp.float32) * (1.0 / np.sqrt(i))

    Wl1 = lin(ks[4], H, D)
    bl1 = jnp.zeros((H,), jnp.float32)
    Wr1 = lin(ks[5], H, D)
    Wl2 = lin(ks[6], H, H)
    bl2 = jnp.zeros((H,), jnp.float32)
    Wr2 = lin(ks[7], H, H)
    Wd1 = lin(ks[8], H, H)
    bd1 = jnp.zeros((H,), jnp.float32)
    Wd2 = lin(ks[9], 2, H)
    bd2 = jnp.zeros((2,), jnp.float32)
    return {"x": x, "ei": ei, "batch": batch, "labels": labels,
            "Wl1": Wl1, "bl1": bl1, "Wr1": Wr1,
            "Wl2": Wl2, "bl2": bl2, "Wr2": Wr2,
            "Wd1": Wd1, "bd1": bd1, "Wd2": Wd2, "bd2": bd2}


def _sage(x, src, dst, Wl, bl, Wr, n):
    # PyG SAGEConv: out = lin_l(mean_{j in N(i)} x_j) + lin_r(x_i)
    msg = x[src]
    agg = jax.ops.segment_sum(msg, dst, num_segments=n)
    cnt = jax.ops.segment_sum(jnp.ones((src.shape[0],), jnp.float32), dst, num_segments=n)
    agg = agg / jnp.clip(cnt, 1.0)[:, None]
    return agg @ Wl.T + bl + x @ Wr.T


def reference(x, ei, batch, labels, Wl1, bl1, Wr1, Wl2, bl2, Wr2, Wd1, bd1, Wd2, bd2):
    src, dst = ei[0], ei[1]
    h = jax.nn.relu(_sage(x, src, dst, Wl1, bl1, Wr1, N))
    h = jax.nn.relu(_sage(h, src, dst, Wl2, bl2, Wr2, N))
    # disc: Linear -> ReLU -> Linear -> Softmax
    h2 = jax.nn.relu(h @ Wd1.T + bd1)
    logits = h2 @ Wd2.T + bd2
    preds = jax.nn.softmax(logits, axis=1)
    # CrossEntropyLoss applied to softmax outputs (faithful to original)
    pb = preds[batch]
    lb = labels[batch]
    logp = jax.nn.log_softmax(pb, axis=1)
    loss = -jnp.mean(jnp.take_along_axis(logp, lb[:, None].astype(jnp.int32), axis=1))
    return loss

if __name__ == "__main__":
    import jax
    _d = setup_inputs()
    print(jax.jit(kernel)(*tuple(_d.values())))

</pallas_src>

<mosaic_0001>
#map = affine_map<(d0, d1) -> (0, 0)>
#map1 = affine_map<(d0, d1) -> (0, 0, 0)>
module attributes {stable_mosaic.version = 14 : i64} {
  func.func @sc_segsum_cnt(%arg0: i32, %arg1: i32, %arg2: memref<10240x128xf32, #tpu.memory_space<hbm>>, %arg3: memref<2560x128xi32, #tpu.memory_space<hbm>>, %arg4: memref<2560x128xi32, #tpu.memory_space<hbm>>, %arg5: memref<10240x128xf32, #tpu.memory_space<hbm>>, %arg6: memref<2x10240x128xf32, #tpu.memory_space<hbm>>, %arg7: memref<32x10240xf32, #tpu.memory_space<hbm>>, %arg8: memref<8x128xi32, #tpu.memory_space<vmem>>, %arg9: memref<8x128xi32, #tpu.memory_space<vmem>>, %arg10: memref<10240xf32, #tpu.memory_space<vmem>>, %arg11: memref<10240x128xf32, #tpu.memory_space<vmem_shared>>, %arg12: memref<128x128xf32, #tpu.memory_space<vmem>>, %arg13: memref<128x128xf32, #tpu.memory_space<vmem>>, %arg14: memref<!tpu.dma_semaphore, #tpu.memory_space<semaphore_mem>>, %arg15: memref<!tpu.dma_semaphore, #tpu.memory_space<semaphore_mem>>) attributes {dimension_semantics = [#tpu.dimension_semantics<core_parallel>, #tpu.dimension_semantics<subcore_parallel>], iteration_bounds = array<i64: 2, 16>, scalar_prefetch = 0 : i64, scratch_operands = 8 : i64, tpu.core_type = #tpu.core_type<sc_vector_subcore>, window_params = [{transform_indices = #map}, {transform_indices = #map}, {transform_indices = #map}, {transform_indices = #map}, {transform_indices = #map1}, {transform_indices = #map}]} {
    %mul3A = arith.constant 2 : i32
    %mul3A_0 = arith.muli %arg1, %mul3A : i32
    %add3A = arith.addi %mul3A_0, %arg0 : i32
    %mul3A_1 = arith.constant 640 : i32
    %mul3A_2 = arith.muli %arg1, %mul3A_1 : i32
    %mul3A_3 = arith.constant 640 : i32
    %mul3A_4 = arith.muli %arg1, %mul3A_3 : i32
    "tpu.region"() ({
      %run_scoped3A = tpu.sem_alloc : memref<!tpu.dma_semaphore, #tpu.memory_space<semaphore_mem>>
      %dma_start3A = arith.constant 0 : i32
      %dma_start3A_38 = tpu.memref_slice %arg11[%mul3A_4, %dma_start3A] : memref<10240x128xf32, #tpu.memory_space<vmem_shared>> -> memref<640x128xf32, #tpu.memory_space<vmem_shared>>
      %dma_start3A_39 = arith.constant 0 : i32
      %dma_start3A_40 = tpu.memref_slice %arg5[%mul3A_2, %dma_start3A_39] : memref<10240x128xf32, #tpu.memory_space<hbm>> -> memref<640x128xf32, #tpu.memory_space<hbm>>
      tpu.enqueue_dma source(%dma_start3A_40 : memref<640x128xf32, #tpu.memory_space<hbm>>) target(%dma_start3A_38 : memref<640x128xf32, #tpu.memory_space<vmem_shared>>) target_semaphore(%run_scoped3A : memref<!tpu.dma_semaphore, #tpu.memory_space<semaphore_mem>>)
      %dma_wait3A = arith.constant 0 : i32
      %dma_wait3A_41 = tpu.memref_slice %arg11[%mul3A_4, %dma_wait3A] : memref<10240x128xf32, #tpu.memory_space<vmem_shared>> -> memref<640x128xf32, #tpu.memory_space<vmem_shared>>
      %dma_wait3A_42 = arith.constant 0 : i32
      %dma_wait3A_43 = tpu.memref_slice %arg5[%mul3A_2, %dma_wait3A_42] : memref<10240x128xf32, #tpu.memory_space<hbm>> -> memref<640x128xf32, #tpu.memory_space<hbm>>
      tpu.wait_dma2 semaphore(%run_scoped3A : memref<!tpu.dma_semaphore, #tpu.memory_space<semaphore_mem>>) src(%dma_wait3A_43 : memref<640x128xf32, #tpu.memory_space<hbm>>) dst(%dma_wait3A_41 : memref<640x128xf32, #tpu.memory_space<vmem_shared>>)
      tpu.yield
    }) : () -> ()
    %broadcast_in_dim3A = arith.constant 0.000000e+00 : f32
    %broadcast_in_dim3A_5 = vector.broadcast %broadcast_in_dim3A : f32 to vector<16xf32>
    %scan3A = arith.constant 0 : i32
    %scan3A_6 = arith.constant 0 : i32
    %scan3A_7 = arith.constant 640 : i32
    %scan3A_8 = arith.addi %scan3A_6, %scan3A_7 : i32
    %scan3A_9 = arith.constant 1 : i32
    scf.for %scan3A_38 = %scan3A_6 to %scan3A_8 step %scan3A_9  : i32 {
      %mul3A_39 = arith.constant 16 : i32
      %mul3A_40 = arith.muli %scan3A_38, %mul3A_39 : i32
      %swap3A = arith.index_cast %mul3A_40 : i32 to index
      %swap3A_41 = tpu.vector_load %arg10[%swap3A] {strides = array<i32>} : memref<10240xf32, #tpu.memory_space<vmem>>, vector<16xf32>,
      tpu.vector_store %arg10[%swap3A], %broadcast_in_dim3A_5 {strides = array<i32>} : memref<10240xf32, #tpu.memory_space<vmem>>, vector<16xf32>,
    }
    %scan3A_10 = arith.constant 640 : i32
    %barrier3A = arith.constant 0 : index
    tpu.barrier barrier_id(%barrier3A)
    %broadcast_in_dim3A_11 = arith.constant 1.000000e+00 : f32
    %broadcast_in_dim3A_12 = vector.broadcast %broadcast_in_dim3A_11 : f32 to vector<16xf32>
    %eq3A = arith.constant 0 : i32
    %eq3A_13 = arith.cmpi eq, %arg0, %eq3A : i32
    %jit3A = arith.constant 17 : i32
    %jit3A_14 = arith.constant 3 : i32
    %select_n3A = arith.select %eq3A_13, %jit3A, %jit3A_14 : i32
    %eq3A_15 = arith.constant 0 : i32
    %eq3A_16 = arith.cmpi eq, %arg0, %eq3A_15 : i32
    %mul3A_17 = arith.constant 17 : i32
    %mul3A_18 = arith.muli %arg1, %mul3A_17 : i32
    %mul3A_19 = arith.constant 3 : i32
    %mul3A_20 = arith.muli %arg1, %mul3A_19 : i32
    %add3A_21 = arith.constant 272 : i32
    %add3A_22 = arith.addi %add3A_21, %mul3A_20 : i32
    %select_n3A_23 = arith.select %eq3A_16, %mul3A_18, %add3A_22 : i32
    %while3A = arith.constant 0 : i32
    %while3A_24 = arith.constant 0 : i32
    %while3A_25 = arith.subi %select_n3A, %while3A_24 : i32
    %while3A_26 = arith.addi %while3A_24, %while3A_25 : i32
    %while3A_27 = arith.constant 1 : i32
    %while3A_28 = arith.divsi %while3A_25, %while3A_27 : i32
    %while3A_29 = arith.muli %while3A_28, %while3A_27 : i32
    %while3A_30 = arith.addi %while3A_24, %while3A_29 : i32
    %while3A_31 = arith.constant 1 : i32
    scf.for %while3A_38 = %while3A_24 to %while3A_30 step %while3A_31  : i32 {
      %add3A_39 = arith.addi %select_n3A_23, %while3A_38 : i32
      %mul3A_40 = arith.constant 8 : i32
      %mul3A_41 = arith.muli %add3A_39, %mul3A_40 : i32
      "tpu.region"() ({
        %run_scoped3A_87 = tpu.sem_alloc : memref<!tpu.dma_semaphore, #tpu.memory_space<semaphore_mem>>
        %dma_start3A_88 = arith.constant 0 : i32
        %dma_start3A_89 = tpu.memref_slice %arg3[%mul3A_41, %dma_start3A_88] : memref<2560x128xi32, #tpu.memory_space<hbm>> -> memref<8x128xi32, #tpu.memory_space<hbm>>
        %dma_start3A_90 = arith.constant 0 : i32
        %dma_start3A_91 = tpu.memref_slice %arg3[%mul3A_41, %dma_start3A_90] : memref<2560x128xi32, #tpu.memory_space<hbm>> -> memref<8x128xi32, #tpu.memory_space<hbm>>
        tpu.enqueue_dma source(%dma_start3A_91 : memref<8x128xi32, #tpu.memory_space<hbm>>) target(%arg8 : memref<8x128xi32, #tpu.memory_space<vmem>>) target_semaphore(%run_scoped3A_87 : memref<!tpu.dma_semaphore, #tpu.memory_space<semaphore_mem>>)
        %dma_wait3A_92 = arith.constant 0 : i32
        %dma_wait3A_93 = tpu.memref_slice %arg3[%mul3A_41, %dma_wait3A_92] : memref<2560x128xi32, #tpu.memory_space<hbm>> -> memref<8x128xi32, #tpu.memory_space<hbm>>
        %dma_wait3A_94 = arith.constant 0 : i32
        %dma_wait3A_95 = tpu.memref_slice %arg3[%mul3A_41, %dma_wait3A_94] : memref<2560x128xi32, #tpu.memory_space<hbm>> -> memref<8x128xi32, #tpu.memory_space<hbm>>
        tpu.wait_dma2 semaphore(%run_scoped3A_87 : memref<!tpu.dma_semaphore, #tpu.memory_space<semaphore_mem>>) src(%dma_wait3A_95 : memref<8x128xi32, #tpu.memory_space<hbm>>) dst(%arg8 : memref<8x128xi32, #tpu.memory_space<vmem>>)
        tpu.yield
      }) : () -> ()
      "tpu.region"() ({
        %run_scoped3A_87 = tpu.sem_alloc : memref<!tpu.dma_semaphore, #tpu.memory_space<semaphore_mem>>
        %dma_start3A_88 = arith.constant 0 : i32
        %dma_start3A_89 = tpu.memref_slice %arg4[%mul3A_41, %dma_start3A_88] : memref<2560x128xi32, #tpu.memory_space<hbm>> -> memref<8x128xi32, #tpu.memory_space<hbm>>
        %dma_start3A_90 = arith.constant 0 : i32
        %dma_start3A_91 = tpu.memref_slice %arg4[%mul3A_41, %dma_start3A_90] : memref<2560x128xi32, #tpu.memory_space<hbm>> -> memref<8x128xi32, #tpu.memory_space<hbm>>
        tpu.enqueue_dma source(%dma_start3A_91 : memref<8x128xi32, #tpu.memory_space<hbm>>) target(%arg9 : memref<8x128xi32, #tpu.memory_space<vmem>>) target_semaphore(%run_scoped3A_87 : memref<!tpu.dma_semaphore, #tpu.memory_space<semaphore_mem>>)
        %dma_wait3A_92 = arith.constant 0 : i32
        %dma_wait3A_93 = tpu.memref_slice %arg4[%mul3A_41, %dma_wait3A_92] : memref<2560x128xi32, #tpu.memory_space<hbm>> -> memref<8x128xi32, #tpu.memory_space<hbm>>
        %dma_wait3A_94 = arith.constant 0 : i32
        %dma_wait3A_95 = tpu.memref_slice %arg4[%mul3A_41, %dma_wait3A_94] : memref<2560x128xi32, #tpu.memory_space<hbm>> -> memref<8x128xi32, #tpu.memory_space<hbm>>
        tpu.wait_dma2 semaphore(%run_scoped3A_87 : memref<!tpu.dma_semaphore, #tpu.memory_space<semaphore_mem>>) src(%dma_wait3A_95 : memref<8x128xi32, #tpu.memory_space<hbm>>) dst(%arg9 : memref<8x128xi32, #tpu.memory_space<vmem>>)
        tpu.yield
      }) : () -> ()
      %dma_start3A = arith.constant 0 : i32
      %dma_start3A_42 = arith.constant 0 : i32
      %dma_start3A_43 = tpu.memref_slice %arg8[%dma_start3A, %dma_start3A_42] : memref<8x128xi32, #tpu.memory_space<vmem>> -> memref<1x128xi32, #tpu.memory_space<vmem>>
      %dma_start3A_44 = tpu.memref_squeeze %dma_start3A_43 : memref<1x128xi32, #tpu.memory_space<vmem>> -> memref<128xi32, #tpu.memory_space<vmem>>
      %dma_start3A_45 = arith.constant 0 : i32
      %dma_start3A_46 = arith.constant 0 : i32
      %dma_start3A_47 = tpu.memref_slice %arg2[%dma_start3A_45, %dma_start3A_46] : memref<10240x128xf32, #tpu.memory_space<hbm>> -> memref<10240x128xf32, #tpu.memory_space<hbm>>
      tpu.enqueue_indirect_dma source(%dma_start3A_47 : memref<10240x128xf32, #tpu.memory_space<hbm>>) target(%arg12 : memref<128x128xf32, #tpu.memory_space<vmem>>) offsets(%dma_start3A_44 : memref<128xi32, #tpu.memory_space<vmem>>) semaphore(%arg14 : memref<!tpu.dma_semaphore, #tpu.memory_space<semaphore_mem>>)
      %scan3A_48 = arith.constant 0 : i32
      %scan3A_49 = arith.constant 0 : i32
      %scan3A_50 = arith.constant 3 : i32
      %scan3A_51 = arith.addi %scan3A_49, %scan3A_50 : i32
      %scan3A_52 = arith.constant 1 : i32
      scf.for %scan3A_87 = %scan3A_49 to %scan3A_51 step %scan3A_52  : i32 {
        %mul3A_88 = arith.constant 2 : i32
        %mul3A_89 = arith.muli %scan3A_87, %mul3A_88 : i32
        %add3A_90 = arith.constant 0 : i32
        %add3A_91 = arith.addi %mul3A_89, %add3A_90 : i32
        %dma_wait3A_92 = arith.constant 0 : i32
        %dma_wait3A_93 = tpu.memref_slice %arg8[%add3A_91, %dma_wait3A_92] : memref<8x128xi32, #tpu.memory_space<vmem>> -> memref<1x128xi32, #tpu.memory_space<vmem>>
        %dma_wait3A_94 = tpu.memref_squeeze %dma_wait3A_93 : memref<1x128xi32, #tpu.memory_space<vmem>> -> memref<128xi32, #tpu.memory_space<vmem>>
        %dma_wait3A_95 = arith.constant 0 : i32
        %dma_wait3A_96 = arith.constant 0 : i32
        %dma_wait3A_97 = tpu.memref_slice %arg2[%dma_wait3A_95, %dma_wait3A_96] : memref<10240x128xf32, #tpu.memory_space<hbm>> -> memref<10240x128xf32, #tpu.memory_space<hbm>>
        tpu.wait_indirect_dma semaphore(%arg14 : memref<!tpu.dma_semaphore, #tpu.memory_space<semaphore_mem>>) src(%dma_wait3A_97 : memref<10240x128xf32, #tpu.memory_space<hbm>>) dst(%arg12 : memref<128x128xf32, #tpu.memory_space<vmem>>)
        %add3A_98 = arith.constant 1 : i32
        %add3A_99 = arith.addi %add3A_91, %add3A_98 : i32
        %dma_start3A_100 = arith.constant 0 : i32
        %dma_start3A_101 = tpu.memref_slice %arg8[%add3A_99, %dma_start3A_100] : memref<8x128xi32, #tpu.memory_space<vmem>> -> memref<1x128xi32, #tpu.memory_space<vmem>>
        %dma_start3A_102 = tpu.memref_squeeze %dma_start3A_101 : memref<1x128xi32, #tpu.memory_space<vmem>> -> memref<128xi32, #tpu.memory_space<vmem>>
        %dma_start3A_103 = arith.constant 0 : i32
        %dma_start3A_104 = arith.constant 0 : i32
        %dma_start3A_105 = tpu.memref_slice %arg2[%dma_start3A_103, %dma_start3A_104] : memref<10240x128xf32, #tpu.memory_space<hbm>> -> memref<10240x128xf32, #tpu.memory_space<hbm>>
        tpu.enqueue_indirect_dma source(%dma_start3A_105 : memref<10240x128xf32, #tpu.memory_space<hbm>>) target(%arg13 : memref<128x128xf32, #tpu.memory_space<vmem>>) offsets(%dma_start3A_102 : memref<128xi32, #tpu.memory_space<vmem>>) semaphore(%arg15 : memref<!tpu.dma_semaphore, #tpu.memory_space<semaphore_mem>>)
        %scan3A_106 = arith.constant 0 : i32
        %scan3A_107 = arith.constant 0 : i32
        %scan3A_108 = arith.constant 8 : i32
        %scan3A_109 = arith.addi %scan3A_107, %scan3A_108 : i32
        %scan3A_110 = arith.constant 1 : i32
        scf.for %scan3A_136 = %scan3A_107 to %scan3A_109 step %scan3A_110  : i32 {
          %mul3A_137 = arith.constant 16 : i32
          %mul3A_138 = arith.muli %scan3A_136, %mul3A_137 : i32
          %get3A = arith.index_cast %add3A_91 : i32 to index
          %get3A_139 = arith.index_cast %mul3A_138 : i32 to index
          %get3A_140 = tpu.vector_load %arg9[%get3A, %get3A_139] {strides = array<i32>} : memref<8x128xi32, #tpu.memory_space<vmem>>, vector<16xi32>,
          tpu.vector_store_idx %arg10[%get3A_140], %broadcast_in_dim3A_12 {add = true} : memref<10240xf32, #tpu.memory_space<vmem>>[vector<16xi32>], vector<16xf32>,
        }
        %scan3A_111 = arith.constant 8 : i32
        "tpu.region"() ({
          %run_scoped3A_136 = tpu.sem_alloc : memref<!tpu.dma_semaphore, #tpu.memory_space<semaphore_mem>>
          %dma_start3A_137 = arith.constant 0 : i32
          %dma_start3A_138 = tpu.memref_slice %arg9[%add3A_91, %dma_start3A_137] : memref<8x128xi32, #tpu.memory_space<vmem>> -> memref<1x128xi32, #tpu.memory_space<vmem>>
          %dma_start3A_139 = tpu.memref_squeeze %dma_start3A_138 : memref<1x128xi32, #tpu.memory_space<vmem>> -> memref<128xi32, #tpu.memory_space<vmem>>
          %dma_start3A_140 = arith.constant 0 : i32
          %dma_start3A_141 = arith.constant 0 : i32
          %dma_start3A_142 = tpu.memref_slice %arg11[%dma_start3A_140, %dma_start3A_141] : memref<10240x128xf32, #tpu.memory_space<vmem_shared>> -> memref<10240x128xf32, #tpu.memory_space<vmem_shared>>
          tpu.enqueue_indirect_dma source(%arg12 : memref<128x128xf32, #tpu.memory_space<vmem>>) target(%dma_start3A_142 : memref<10240x128xf32, #tpu.memory_space<vmem_shared>>) offsets(%dma_start3A_139 : memref<128xi32, #tpu.memory_space<vmem>>) semaphore(%run_scoped3A_136 : memref<!tpu.dma_semaphore, #tpu.memory_space<semaphore_mem>>) {add = true}
          %dma_wait3A_143 = arith.constant 0 : i32
          %dma_wait3A_144 = tpu.memref_slice %arg9[%add3A_91, %dma_wait3A_143] : memref<8x128xi32, #tpu.memory_space<vmem>> -> memref<1x128xi32, #tpu.memory_space<vmem>>
          %dma_wait3A_145 = tpu.memref_squeeze %dma_wait3A_144 : memref<1x128xi32, #tpu.memory_space<vmem>> -> memref<128xi32, #tpu.memory_space<vmem>>
          %dma_wait3A_146 = arith.constant 0 : i32
          %dma_wait3A_147 = arith.constant 0 : i32
          %dma_wait3A_148 = tpu.memref_slice %arg11[%dma_wait3A_146, %dma_wait3A_147] : memref<10240x128xf32, #tpu.memory_space<vmem_shared>> -> memref<10240x128xf32, #tpu.memory_space<vmem_shared>>
          tpu.wait_indirect_dma semaphore(%run_scoped3A_136 : memref<!tpu.dma_semaphore, #tpu.memory_space<semaphore_mem>>) src(%arg12 : memref<128x128xf32, #tpu.memory_space<vmem>>) dst(%dma_wait3A_148 : memref<10240x128xf32, #tpu.memory_space<vmem_shared>>)
          tpu.yield
        }) : () -> ()
        %mul3A_112 = arith.constant 2 : i32
        %mul3A_113 = arith.muli %scan3A_87, %mul3A_112 : i32
        %add3A_114 = arith.constant 1 : i32
        %add3A_115 = arith.addi %mul3A_113, %add3A_114 : i32
        %dma_wait3A_116 = arith.constant 0 : i32
        %dma_wait3A_117 = tpu.memref_slice %arg8[%add3A_115, %dma_wait3A_116] : memref<8x128xi32, #tpu.memory_space<vmem>> -> memref<1x128xi32, #tpu.memory_space<vmem>>
        %dma_wait3A_118 = tpu.memref_squeeze %dma_wait3A_117 : memref<1x128xi32, #tpu.memory_space<vmem>> -> memref<128xi32, #tpu.memory_space<vmem>>
        %dma_wait3A_119 = arith.constant 0 : i32
        %dma_wait3A_120 = arith.constant 0 : i32
        %dma_wait3A_121 = tpu.memref_slice %arg2[%dma_wait3A_119, %dma_wait3A_120] : memref<10240x128xf32, #tpu.memory_space<hbm>> -> memref<10240x128xf32, #tpu.memory_space<hbm>>
        tpu.wait_indirect_dma semaphore(%arg15 : memref<!tpu.dma_semaphore, #tpu.memory_space<semaphore_mem>>) src(%dma_wait3A_121 : memref<10240x128xf32, #tpu.memory_space<hbm>>) dst(%arg13 : memref<128x128xf32, #tpu.memory_space<vmem>>)
        %add3A_122 = arith.constant 1 : i32
        %add3A_123 = arith.addi %add3A_115, %add3A_122 : i32
        %dma_start3A_124 = arith.constant 0 : i32
        %dma_start3A_125 = tpu.memref_slice %arg8[%add3A_123, %dma_start3A_124] : memref<8x128xi32, #tpu.memory_space<vmem>> -> memref<1x128xi32, #tpu.memory_space<vmem>>
        %dma_start3A_126 = tpu.memref_squeeze %dma_start3A_125 : memref<1x128xi32, #tpu.memory_space<vmem>> -> memref<128xi32, #tpu.memory_space<vmem>>
        %dma_start3A_127 = arith.constant 0 : i32
        %dma_start3A_128 = arith.constant 0 : i32
        %dma_start3A_129 = tpu.memref_slice %arg2[%dma_start3A_127, %dma_start3A_128] : memref<10240x128xf32, #tpu.memory_space<hbm>> -> memref<10240x128xf32, #tpu.memory_space<hbm>>
        tpu.enqueue_indirect_dma source(%dma_start3A_129 : memref<10240x128xf32, #tpu.memory_space<hbm>>) target(%arg12 : memref<128x128xf32, #tpu.memory_space<vmem>>) offsets(%dma_start3A_126 : memref<128xi32, #tpu.memory_space<vmem>>) semaphore(%arg14 : memref<!tpu.dma_semaphore, #tpu.memory_space<semaphore_mem>>)
        %scan3A_130 = arith.constant 0 : i32
        %scan3A_131 = arith.constant 0 : i32
        %scan3A_132 = arith.constant 8 : i32
        %scan3A_133 = arith.addi %scan3A_131, %scan3A_132 : i32
        %scan3A_134 = arith.constant 1 : i32
        scf.for %scan3A_136 = %scan3A_131 to %scan3A_133 step %scan3A_134  : i32 {
          %mul3A_137 = arith.constant 16 : i32
          %mul3A_138 = arith.muli %scan3A_136, %mul3A_137 : i32
          %get3A = arith.index_cast %add3A_115 : i32 to index
          %get3A_139 = arith.index_cast %mul3A_138 : i32 to index
          %get3A_140 = tpu.vector_load %arg9[%get3A, %get3A_139] {strides = array<i32>} : memref<8x128xi32, #tpu.memory_space<vmem>>, vector<16xi32>,
          tpu.vector_store_idx %arg10[%get3A_140], %broadcast_in_dim3A_12 {add = true} : memref<10240xf32, #tpu.memory_space<vmem>>[vector<16xi32>], vector<16xf32>,
        }
        %scan3A_135 = arith.constant 8 : i32
        "tpu.region"() ({
          %run_scoped3A_136 = tpu.sem_alloc : memref<!tpu.dma_semaphore, #tpu.memory_space<semaphore_mem>>
          %dma_start3A_137 = arith.constant 0 : i32
          %dma_start3A_138 = tpu.memref_slice %arg9[%add3A_115, %dma_start3A_137] : memref<8x128xi32, #tpu.memory_space<vmem>> -> memref<1x128xi32, #tpu.memory_space<vmem>>
          %dma_start3A_139 = tpu.memref_squeeze %dma_start3A_138 : memref<1x128xi32, #tpu.memory_space<vmem>> -> memref<128xi32, #tpu.memory_space<vmem>>
          %dma_start3A_140 = arith.constant 0 : i32
          %dma_start3A_141 = arith.constant 0 : i32
          %dma_start3A_142 = tpu.memref_slice %arg11[%dma_start3A_140, %dma_start3A_141] : memref<10240x128xf32, #tpu.memory_space<vmem_shared>> -> memref<10240x128xf32, #tpu.memory_space<vmem_shared>>
          tpu.enqueue_indirect_dma source(%arg13 : memref<128x128xf32, #tpu.memory_space<vmem>>) target(%dma_start3A_142 : memref<10240x128xf32, #tpu.memory_space<vmem_shared>>) offsets(%dma_start3A_139 : memref<128xi32, #tpu.memory_space<vmem>>) semaphore(%run_scoped3A_136 : memref<!tpu.dma_semaphore, #tpu.memory_space<semaphore_mem>>) {add = true}
          %dma_wait3A_143 = arith.constant 0 : i32
          %dma_wait3A_144 = tpu.memref_slice %arg9[%add3A_115, %dma_wait3A_143] : memref<8x128xi32, #tpu.memory_space<vmem>> -> memref<1x128xi32, #tpu.memory_space<vmem>>
          %dma_wait3A_145 = tpu.memref_squeeze %dma_wait3A_144 : memref<1x128xi32, #tpu.memory_space<vmem>> -> memref<128xi32, #tpu.memory_space<vmem>>
          %dma_wait3A_146 = arith.constant 0 : i32
          %dma_wait3A_147 = arith.constant 0 : i32
          %dma_wait3A_148 = tpu.memref_slice %arg11[%dma_wait3A_146, %dma_wait3A_147] : memref<10240x128xf32, #tpu.memory_space<vmem_shared>> -> memref<10240x128xf32, #tpu.memory_space<vmem_shared>>
          tpu.wait_indirect_dma semaphore(%run_scoped3A_136 : memref<!tpu.dma_semaphore, #tpu.memory_space<semaphore_mem>>) src(%arg13 : memref<128x128xf32, #tpu.memory_space<vmem>>) dst(%dma_wait3A_148 : memref<10240x128xf32, #tpu.memory_space<vmem_shared>>)
          tpu.yield
        }) : () -> ()
      }
      %scan3A_53 = arith.constant 3 : i32
      %dma_wait3A = arith.constant 6 : i32
      %dma_wait3A_54 = arith.constant 0 : i32
      %dma_wait3A_55 = tpu.memref_slice %arg8[%dma_wait3A, %dma_wait3A_54] : memref<8x128xi32, #tpu.memory_space<vmem>> -> memref<1x128xi32, #tpu.memory_space<vmem>>
      %dma_wait3A_56 = tpu.memref_squeeze %dma_wait3A_55 : memref<1x128xi32, #tpu.memory_space<vmem>> -> memref<128xi32, #tpu.memory_space<vmem>>
      %dma_wait3A_57 = arith.constant 0 : i32
      %dma_wait3A_58 = arith.constant 0 : i32
      %dma_wait3A_59 = tpu.memref_slice %arg2[%dma_wait3A_57, %dma_wait3A_58] : memref<10240x128xf32, #tpu.memory_space<hbm>> -> memref<10240x128xf32, #tpu.memory_space<hbm>>
      tpu.wait_indirect_dma semaphore(%arg14 : memref<!tpu.dma_semaphore, #tpu.memory_space<semaphore_mem>>) src(%dma_wait3A_59 : memref<10240x128xf32, #tpu.memory_space<hbm>>) dst(%arg12 : memref<128x128xf32, #tpu.memory_space<vmem>>)
      %dma_start3A_60 = arith.constant 7 : i32
      %dma_start3A_61 = arith.constant 0 : i32
      %dma_start3A_62 = tpu.memref_slice %arg8[%dma_start3A_60, %dma_start3A_61] : memref<8x128xi32, #tpu.memory_space<vmem>> -> memref<1x128xi32, #tpu.memory_space<vmem>>
      %dma_start3A_63 = tpu.memref_squeeze %dma_start3A_62 : memref<1x128xi32, #tpu.memory_space<vmem>> -> memref<128xi32, #tpu.memory_space<vmem>>
      %dma_start3A_64 = arith.constant 0 : i32
      %dma_start3A_65 = arith.constant 0 : i32
      %dma_start3A_66 = tpu.memref_slice %arg2[%dma_start3A_64, %dma_start3A_65] : memref<10240x128xf32, #tpu.memory_space<hbm>> -> memref<10240x128xf32, #tpu.memory_space<hbm>>
      tpu.enqueue_indirect_dma source(%dma_start3A_66 : memref<10240x128xf32, #tpu.memory_space<hbm>>) target(%arg13 : memref<128x128xf32, #tpu.memory_space<vmem>>) offsets(%dma_start3A_63 : memref<128xi32, #tpu.memory_space<vmem>>) semaphore(%arg15 : memref<!tpu.dma_semaphore, #tpu.memory_space<semaphore_mem>>)
      %scan3A_67 = arith.constant 0 : i32
      %scan3A_68 = arith.constant 0 : i32
      %scan3A_69 = arith.constant 8 : i32
      %scan3A_70 = arith.addi %scan3A_68, %scan3A_69 : i32
      %scan3A_71 = arith.constant 1 : i32
      scf.for %scan3A_87 = %scan3A_68 to %scan3A_70 step %scan3A_71  : i32 {
        %mul3A_88 = arith.constant 16 : i32
        %mul3A_89 = arith.muli %scan3A_87, %mul3A_88 : i32
        %get3A = arith.constant 6 : i32
        %get3A_90 = arith.index_cast %get3A : i32 to index
        %get3A_91 = arith.index_cast %mul3A_89 : i32 to index
        %get3A_92 = tpu.vector_load %arg9[%get3A_90, %get3A_91] {strides = array<i32>} : memref<8x128xi32, #tpu.memory_space<vmem>>, vector<16xi32>,
        tpu.vector_store_idx %arg10[%get3A_92], %broadcast_in_dim3A_12 {add = true} : memref<10240xf32, #tpu.memory_space<vmem>>[vector<16xi32>], vector<16xf32>,
      }
      %scan3A_72 = arith.constant 8 : i32
      %run_scoped3A = arith.constant 6 : i32
      "tpu.region"() ({
        %run_scoped3A_87 = tpu.sem_alloc : memref<!tpu.dma_semaphore, #tpu.memory_space<semaphore_mem>>
        %dma_start3A_88 = arith.constant 0 : i32
        %dma_start3A_89 = tpu.memref_slice %arg9[%run_scoped3A, %dma_start3A_88] : memref<8x128xi32, #tpu.memory_space<vmem>> -> memref<1x128xi32, #tpu.memory_space<vmem>>
        %dma_start3A_90 = tpu.memref_squeeze %dma_start3A_89 : memref<1x128xi32, #tpu.memory_space<vmem>> -> memref<128xi32, #tpu.memory_space<vmem>>
        %dma_start3A_91 = arith.constant 0 : i32
        %dma_start3A_92 = arith.constant 0 : i32
        %dma_start3A_93 = tpu.memref_slice %arg11[%dma_start3A_91, %dma_start3A_92] : memref<10240x128xf32, #tpu.memory_space<vmem_shared>> -> memref<10240x128xf32, #tpu.memory_space<vmem_shared>>
        tpu.enqueue_indirect_dma source(%arg12 : memref<128x128xf32, #tpu.memory_space<vmem>>) target(%dma_start3A_93 : memref<10240x128xf32, #tpu.memory_space<vmem_shared>>) offsets(%dma_start3A_90 : memref<128xi32, #tpu.memory_space<vmem>>) semaphore(%run_scoped3A_87 : memref<!tpu.dma_semaphore, #tpu.memory_space<semaphore_mem>>) {add = true}
        %dma_wait3A_94 = arith.constant 0 : i32
        %dma_wait3A_95 = tpu.memref_slice %arg9[%run_scoped3A, %dma_wait3A_94] : memref<8x128xi32, #tpu.memory_space<vmem>> -> memref<1x128xi32, #tpu.memory_space<vmem>>
        %dma_wait3A_96 = tpu.memref_squeeze %dma_wait3A_95 : memref<1x128xi32, #tpu.memory_space<vmem>> -> memref<128xi32, #tpu.memory_space<vmem>>
        %dma_wait3A_97 = arith.constant 0 : i32
        %dma_wait3A_98 = arith.constant 0 : i32
        %dma_wait3A_99 = tpu.memref_slice %arg11[%dma_wait3A_97, %dma_wait3A_98] : memref<10240x128xf32, #tpu.memory_space<vmem_shared>> -> memref<10240x128xf32, #tpu.memory_space<vmem_shared>>
        tpu.wait_indirect_dma semaphore(%run_scoped3A_87 : memref<!tpu.dma_semaphore, #tpu.memory_space<semaphore_mem>>) src(%arg12 : memref<128x128xf32, #tpu.memory_space<vmem>>) dst(%dma_wait3A_99 : memref<10240x128xf32, #tpu.memory_space<vmem_shared>>)
        tpu.yield
      }) : () -> ()
      %dma_wait3A_73 = arith.constant 7 : i32
      %dma_wait3A_74 = arith.constant 0 : i32
      %dma_wait3A_75 = tpu.memref_slice %arg8[%dma_wait3A_73, %dma_wait3A_74] : memref<8x128xi32, #tpu.memory_space<vmem>> -> memref<1x128xi32, #tpu.memory_space<vmem>>
      %dma_wait3A_76 = tpu.memref_squeeze %dma_wait3A_75 : memref<1x128xi32, #tpu.memory_space<vmem>> -> memref<128xi32, #tpu.memory_space<vmem>>
      %dma_wait3A_77 = arith.constant 0 : i32
      %dma_wait3A_78 = arith.constant 0 : i32
      %dma_wait3A_79 = tpu.memref_slice %arg2[%dma_wait3A_77, %dma_wait3A_78] : memref<10240x128xf32, #tpu.memory_space<hbm>> -> memref<10240x128xf32, #tpu.memory_space<hbm>>
      tpu.wait_indirect_dma semaphore(%arg15 : memref<!tpu.dma_semaphore, #tpu.memory_space<semaphore_mem>>) src(%dma_wait3A_79 : memref<10240x128xf32, #tpu.memory_space<hbm>>) dst(%arg13 : memref<128x128xf32, #tpu.memory_space<vmem>>)
      %scan3A_80 = arith.constant 0 : i32
      %scan3A_81 = arith.constant 0 : i32
      %scan3A_82 = arith.constant 8 : i32
      %scan3A_83 = arith.addi %scan3A_81, %scan3A_82 : i32
      %scan3A_84 = arith.constant 1 : i32
      scf.for %scan3A_87 = %scan3A_81 to %scan3A_83 step %scan3A_84  : i32 {
        %mul3A_88 = arith.constant 16 : i32
        %mul3A_89 = arith.muli %scan3A_87, %mul3A_88 : i32
        %get3A = arith.constant 7 : i32
        %get3A_90 = arith.index_cast %get3A : i32 to index
        %get3A_91 = arith.index_cast %mul3A_89 : i32 to index
        %get3A_92 = tpu.vector_load %arg9[%get3A_90, %get3A_91] {strides = array<i32>} : memref<8x128xi32, #tpu.memory_space<vmem>>, vector<16xi32>,
        tpu.vector_store_idx %arg10[%get3A_92], %broadcast_in_dim3A_12 {add = true} : memref<10240xf32, #tpu.memory_space<vmem>>[vector<16xi32>], vector<16xf32>,
      }
      %scan3A_85 = arith.constant 8 : i32
      %run_scoped3A_86 = arith.constant 7 : i32
      "tpu.region"() ({
        %run_scoped3A_87 = tpu.sem_alloc : memref<!tpu.dma_semaphore, #tpu.memory_space<semaphore_mem>>
        %dma_start3A_88 = arith.constant 0 : i32
        %dma_start3A_89 = tpu.memref_slice %arg9[%run_scoped3A_86, %dma_start3A_88] : memref<8x128xi32, #tpu.memory_space<vmem>> -> memref<1x128xi32, #tpu.memory_space<vmem>>
        %dma_start3A_90 = tpu.memref_squeeze %dma_start3A_89 : memref<1x128xi32, #tpu.memory_space<vmem>> -> memref<128xi32, #tpu.memory_space<vmem>>
        %dma_start3A_91 = arith.constant 0 : i32
        %dma_start3A_92 = arith.constant 0 : i32
        %dma_start3A_93 = tpu.memref_slice %arg11[%dma_start3A_91, %dma_start3A_92] : memref<10240x128xf32, #tpu.memory_space<vmem_shared>> -> memref<10240x128xf32, #tpu.memory_space<vmem_shared>>
        tpu.enqueue_indirect_dma source(%arg13 : memref<128x128xf32, #tpu.memory_space<vmem>>) target(%dma_start3A_93 : memref<10240x128xf32, #tpu.memory_space<vmem_shared>>) offsets(%dma_start3A_90 : memref<128xi32, #tpu.memory_space<vmem>>) semaphore(%run_scoped3A_87 : memref<!tpu.dma_semaphore, #tpu.memory_space<semaphore_mem>>) {add = true}
        %dma_wait3A_94 = arith.constant 0 : i32
        %dma_wait3A_95 = tpu.memref_slice %arg9[%run_scoped3A_86, %dma_wait3A_94] : memref<8x128xi32, #tpu.memory_space<vmem>> -> memref<1x128xi32, #tpu.memory_space<vmem>>
        %dma_wait3A_96 = tpu.memref_squeeze %dma_wait3A_95 : memref<1x128xi32, #tpu.memory_space<vmem>> -> memref<128xi32, #tpu.memory_space<vmem>>
        %dma_wait3A_97 = arith.constant 0 : i32
        %dma_wait3A_98 = arith.constant 0 : i32
        %dma_wait3A_99 = tpu.memref_slice %arg11[%dma_wait3A_97, %dma_wait3A_98] : memref<10240x128xf32, #tpu.memory_space<vmem_shared>> -> memref<10240x128xf32, #tpu.memory_space<vmem_shared>>
        tpu.wait_indirect_dma semaphore(%run_scoped3A_87 : memref<!tpu.dma_semaphore, #tpu.memory_space<semaphore_mem>>) src(%arg13 : memref<128x128xf32, #tpu.memory_space<vmem>>) dst(%dma_wait3A_99 : memref<10240x128xf32, #tpu.memory_space<vmem_shared>>)
        tpu.yield
      }) : () -> ()
    }
    %while3A_32 = arith.constant 1 : i32
    scf.for %while3A_38 = %while3A_30 to %while3A_26 step %while3A_32  : i32 {
      %add3A_39 = arith.addi %select_n3A_23, %while3A_38 : i32
      %mul3A_40 = arith.constant 8 : i32
      %mul3A_41 = arith.muli %add3A_39, %mul3A_40 : i32
      "tpu.region"() ({
        %run_scoped3A_87 = tpu.sem_alloc : memref<!tpu.dma_semaphore, #tpu.memory_space<semaphore_mem>>
        %dma_start3A_88 = arith.constant 0 : i32
        %dma_start3A_89 = tpu.memref_slice %arg3[%mul3A_41, %dma_start3A_88] : memref<2560x128xi32, #tpu.memory_space<hbm>> -> memref<8x128xi32, #tpu.memory_space<hbm>>
        %dma_start3A_90 = arith.constant 0 : i32
        %dma_start3A_91 = tpu.memref_slice %arg3[%mul3A_41, %dma_start3A_90] : memref<2560x128xi32, #tpu.memory_space<hbm>> -> memref<8x128xi32, #tpu.memory_space<hbm>>
        tpu.enqueue_dma source(%dma_start3A_91 : memref<8x128xi32, #tpu.memory_space<hbm>>) target(%arg8 : memref<8x128xi32, #tpu.memory_space<vmem>>) target_semaphore(%run_scoped3A_87 : memref<!tpu.dma_semaphore, #tpu.memory_space<semaphore_mem>>)
        %dma_wait3A_92 = arith.constant 0 : i32
        %dma_wait3A_93 = tpu.memref_slice %arg3[%mul3A_41, %dma_wait3A_92] : memref<2560x128xi32, #tpu.memory_space<hbm>> -> memref<8x128xi32, #tpu.memory_space<hbm>>
        %dma_wait3A_94 = arith.constant 0 : i32
        %dma_wait3A_95 = tpu.memref_slice %arg3[%mul3A_41, %dma_wait3A_94] : memref<2560x128xi32, #tpu.memory_space<hbm>> -> memref<8x128xi32, #tpu.memory_space<hbm>>
        tpu.wait_dma2 semaphore(%run_scoped3A_87 : memref<!tpu.dma_semaphore, #tpu.memory_space<semaphore_mem>>) src(%dma_wait3A_95 : memref<8x128xi32, #tpu.memory_space<hbm>>) dst(%arg8 : memref<8x128xi32, #tpu.memory_space<vmem>>)
        tpu.yield
      }) : () -> ()
      "tpu.region"() ({
        %run_scoped3A_87 = tpu.sem_alloc : memref<!tpu.dma_semaphore, #tpu.memory_space<semaphore_mem>>
        %dma_start3A_88 = arith.constant 0 : i32
        %dma_start3A_89 = tpu.memref_slice %arg4[%mul3A_41, %dma_start3A_88] : memref<2560x128xi32, #tpu.memory_space<hbm>> -> memref<8x128xi32, #tpu.memory_space<hbm>>
        %dma_start3A_90 = arith.constant 0 : i32
        %dma_start3A_91 = tpu.memref_slice %arg4[%mul3A_41, %dma_start3A_90] : memref<2560x128xi32, #tpu.memory_space<hbm>> -> memref<8x128xi32, #tpu.memory_space<hbm>>
        tpu.enqueue_dma source(%dma_start3A_91 : memref<8x128xi32, #tpu.memory_space<hbm>>) target(%arg9 : memref<8x128xi32, #tpu.memory_space<vmem>>) target_semaphore(%run_scoped3A_87 : memref<!tpu.dma_semaphore, #tpu.memory_space<semaphore_mem>>)
        %dma_wait3A_92 = arith.constant 0 : i32
        %dma_wait3A_93 = tpu.memref_slice %arg4[%mul3A_41, %dma_wait3A_92] : memref<2560x128xi32, #tpu.memory_space<hbm>> -> memref<8x128xi32, #tpu.memory_space<hbm>>
        %dma_wait3A_94 = arith.constant 0 : i32
        %dma_wait3A_95 = tpu.memref_slice %arg4[%mul3A_41, %dma_wait3A_94] : memref<2560x128xi32, #tpu.memory_space<hbm>> -> memref<8x128xi32, #tpu.memory_space<hbm>>
        tpu.wait_dma2 semaphore(%run_scoped3A_87 : memref<!tpu.dma_semaphore, #tpu.memory_space<semaphore_mem>>) src(%dma_wait3A_95 : memref<8x128xi32, #tpu.memory_space<hbm>>) dst(%arg9 : memref<8x128xi32, #tpu.memory_space<vmem>>)
        tpu.yield
      }) : () -> ()
      %dma_start3A = arith.constant 0 : i32
      %dma_start3A_42 = arith.constant 0 : i32
      %dma_start3A_43 = tpu.memref_slice %arg8[%dma_start3A, %dma_start3A_42] : memref<8x128xi32, #tpu.memory_space<vmem>> -> memref<1x128xi32, #tpu.memory_space<vmem>>
      %dma_start3A_44 = tpu.memref_squeeze %dma_start3A_43 : memref<1x128xi32, #tpu.memory_space<vmem>> -> memref<128xi32, #tpu.memory_space<vmem>>
      %dma_start3A_45 = arith.constant 0 : i32
      %dma_start3A_46 = arith.constant 0 : i32
      %dma_start3A_47 = tpu.memref_slice %arg2[%dma_start3A_45, %dma_start3A_46] : memref<10240x128xf32, #tpu.memory_space<hbm>> -> memref<10240x128xf32, #tpu.memory_space<hbm>>
      tpu.enqueue_indirect_dma source(%dma_start3A_47 : memref<10240x128xf32, #tpu.memory_space<hbm>>) target(%arg12 : memref<128x128xf32, #tpu.memory_space<vmem>>) offsets(%dma_start3A_44 : memref<128xi32, #tpu.memory_space<vmem>>) semaphore(%arg14 : memref<!tpu.dma_semaphore, #tpu.memory_space<semaphore_mem>>)
      %scan3A_48 = arith.constant 0 : i32
      %scan3A_49 = arith.constant 0 : i32
      %scan3A_50 = arith.constant 3 : i32
      %scan3A_51 = arith.addi %scan3A_49, %scan3A_50 : i32
      %scan3A_52 = arith.constant 1 : i32
      scf.for %scan3A_87 = %scan3A_49 to %scan3A_51 step %scan3A_52  : i32 {
        %mul3A_88 = arith.constant 2 : i32
        %mul3A_89 = arith.muli %scan3A_87, %mul3A_88 : i32
        %add3A_90 = arith.constant 0 : i32
        %add3A_91 = arith.addi %mul3A_89, %add3A_90 : i32
        %dma_wait3A_92 = arith.constant 0 : i32
        %dma_wait3A_93 = tpu.memref_slice %arg8[%add3A_91, %dma_wait3A_92] : memref<8x128xi32, #tpu.memory_space<vmem>> -> memref<1x128xi32, #tpu.memory_space<vmem>>
        %dma_wait3A_94 = tpu.memref_squeeze %dma_wait3A_93 : memref<1x128xi32, #tpu.memory_space<vmem>> -> memref<128xi32, #tpu.memory_space<vmem>>
        %dma_wait3A_95 = arith.constant 0 : i32
        %dma_wait3A_96 = arith.constant 0 : i32
        %dma_wait3A_97 = tpu.memref_slice %arg2[%dma_wait3A_95, %dma_wait3A_96] : memref<10240x128xf32, #tpu.memory_space<hbm>> -> memref<10240x128xf32, #tpu.memory_space<hbm>>
        tpu.wait_indirect_dma semaphore(%arg14 : memref<!tpu.dma_semaphore, #tpu.memory_space<semaphore_mem>>) src(%dma_wait3A_97 : memref<10240x128xf32, #tpu.memory_space<hbm>>) dst(%arg12 : memref<128x128xf32, #tpu.memory_space<vmem>>)
        %add3A_98 = arith.constant 1 : i32
        %add3A_99 = arith.addi %add3A_91, %add3A_98 : i32
        %dma_start3A_100 = arith.constant 0 : i32
        %dma_start3A_101 = tpu.memref_slice %arg8[%add3A_99, %dma_start3A_100] : memref<8x128xi32, #tpu.memory_space<vmem>> -> memref<1x128xi32, #tpu.memory_space<vmem>>
        %dma_start3A_102 = tpu.memref_squeeze %dma_start3A_101 : memref<1x128xi32, #tpu.memory_space<vmem>> -> memref<128xi32, #tpu.memory_space<vmem>>
        %dma_start3A_103 = arith.constant 0 : i32
        %dma_start3A_104 = arith.constant 0 : i32
        %dma_start3A_105 = tpu.memref_slice %arg2[%dma_start3A_103, %dma_start3A_104] : memref<10240x128xf32, #tpu.memory_space<hbm>> -> memref<10240x128xf32, #tpu.memory_space<hbm>>
        tpu.enqueue_indirect_dma source(%dma_start3A_105 : memref<10240x128xf32, #tpu.memory_space<hbm>>) target(%arg13 : memref<128x128xf32, #tpu.memory_space<vmem>>) offsets(%dma_start3A_102 : memref<128xi32, #tpu.memory_space<vmem>>) semaphore(%arg15 : memref<!tpu.dma_semaphore, #tpu.memory_space<semaphore_mem>>)
        %scan3A_106 = arith.constant 0 : i32
        %scan3A_107 = arith.constant 0 : i32
        %scan3A_108 = arith.constant 8 : i32
        %scan3A_109 = arith.addi %scan3A_107, %scan3A_108 : i32
        %scan3A_110 = arith.constant 1 : i32
        scf.for %scan3A_136 = %scan3A_107 to %scan3A_109 step %scan3A_110  : i32 {
          %mul3A_137 = arith.constant 16 : i32
          %mul3A_138 = arith.muli %scan3A_136, %mul3A_137 : i32
          %get3A = arith.index_cast %add3A_91 : i32 to index
          %get3A_139 = arith.index_cast %mul3A_138 : i32 to index
          %get3A_140 = tpu.vector_load %arg9[%get3A, %get3A_139] {strides = array<i32>} : memref<8x128xi32, #tpu.memory_space<vmem>>, vector<16xi32>,
          tpu.vector_store_idx %arg10[%get3A_140], %broadcast_in_dim3A_12 {add = true} : memref<10240xf32, #tpu.memory_space<vmem>>[vector<16xi32>], vector<16xf32>,
        }
        %scan3A_111 = arith.constant 8 : i32
        "tpu.region"() ({
          %run_scoped3A_136 = tpu.sem_alloc : memref<!tpu.dma_semaphore, #tpu.memory_space<semaphore_mem>>
          %dma_start3A_137 = arith.constant 0 : i32
          %dma_start3A_138 = tpu.memref_slice %arg9[%add3A_91, %dma_start3A_137] : memref<8x128xi32, #tpu.memory_space<vmem>> -> memref<1x128xi32, #tpu.memory_space<vmem>>
          %dma_start3A_139 = tpu.memref_squeeze %dma_start3A_138 : memref<1x128xi32, #tpu.memory_space<vmem>> -> memref<128xi32, #tpu.memory_space<vmem>>
          %dma_start3A_140 = arith.constant 0 : i32
          %dma_start3A_141 = arith.constant 0 : i32
          %dma_start3A_142 = tpu.memref_slice %arg11[%dma_start3A_140, %dma_start3A_141] : memref<10240x128xf32, #tpu.memory_space<vmem_shared>> -> memref<10240x128xf32, #tpu.memory_space<vmem_shared>>
          tpu.enqueue_indirect_dma source(%arg12 : memref<128x128xf32, #tpu.memory_space<vmem>>) target(%dma_start3A_142 : memref<10240x128xf32, #tpu.memory_space<vmem_shared>>) offsets(%dma_start3A_139 : memref<128xi32, #tpu.memory_space<vmem>>) semaphore(%run_scoped3A_136 : memref<!tpu.dma_semaphore, #tpu.memory_space<semaphore_mem>>) {add = true}
          %dma_wait3A_143 = arith.constant 0 : i32
          %dma_wait3A_144 = tpu.memref_slice %arg9[%add3A_91, %dma_wait3A_143] : memref<8x128xi32, #tpu.memory_space<vmem>> -> memref<1x128xi32, #tpu.memory_space<vmem>>
          %dma_wait3A_145 = tpu.memref_squeeze %dma_wait3A_144 : memref<1x128xi32, #tpu.memory_space<vmem>> -> memref<128xi32, #tpu.memory_space<vmem>>
          %dma_wait3A_146 = arith.constant 0 : i32
          %dma_wait3A_147 = arith.constant 0 : i32
          %dma_wait3A_148 = tpu.memref_slice %arg11[%dma_wait3A_146, %dma_wait3A_147] : memref<10240x128xf32, #tpu.memory_space<vmem_shared>> -> memref<10240x128xf32, #tpu.memory_space<vmem_shared>>
          tpu.wait_indirect_dma semaphore(%run_scoped3A_136 : memref<!tpu.dma_semaphore, #tpu.memory_space<semaphore_mem>>) src(%arg12 : memref<128x128xf32, #tpu.memory_space<vmem>>) dst(%dma_wait3A_148 : memref<10240x128xf32, #tpu.memory_space<vmem_shared>>)
          tpu.yield
        }) : () -> ()
        %mul3A_112 = arith.constant 2 : i32
        %mul3A_113 = arith.muli %scan3A_87, %mul3A_112 : i32
        %add3A_114 = arith.constant 1 : i32
        %add3A_115 = arith.addi %mul3A_113, %add3A_114 : i32
        %dma_wait3A_116 = arith.constant 0 : i32
        %dma_wait3A_117 = tpu.memref_slice %arg8[%add3A_115, %dma_wait3A_116] : memref<8x128xi32, #tpu.memory_space<vmem>> -> memref<1x128xi32, #tpu.memory_space<vmem>>
        %dma_wait3A_118 = tpu.memref_squeeze %dma_wait3A_117 : memref<1x128xi32, #tpu.memory_space<vmem>> -> memref<128xi32, #tpu.memory_space<vmem>>
        %dma_wait3A_119 = arith.constant 0 : i32
        %dma_wait3A_120 = arith.constant 0 : i32
        %dma_wait3A_121 = tpu.memref_slice %arg2[%dma_wait3A_119, %dma_wait3A_120] : memref<10240x128xf32, #tpu.memory_space<hbm>> -> memref<10240x128xf32, #tpu.memory_space<hbm>>
        tpu.wait_indirect_dma semaphore(%arg15 : memref<!tpu.dma_semaphore, #tpu.memory_space<semaphore_mem>>) src(%dma_wait3A_121 : memref<10240x128xf32, #tpu.memory_space<hbm>>) dst(%arg13 : memref<128x128xf32, #tpu.memory_space<vmem>>)
        %add3A_122 = arith.constant 1 : i32
        %add3A_123 = arith.addi %add3A_115, %add3A_122 : i32
        %dma_start3A_124 = arith.constant 0 : i32
        %dma_start3A_125 = tpu.memref_slice %arg8[%add3A_123, %dma_start3A_124] : memref<8x128xi32, #tpu.memory_space<vmem>> -> memref<1x128xi32, #tpu.memory_space<vmem>>
        %dma_start3A_126 = tpu.memref_squeeze %dma_start3A_125 : memref<1x128xi32, #tpu.memory_space<vmem>> -> memref<128xi32, #tpu.memory_space<vmem>>
        %dma_start3A_127 = arith.constant 0 : i32
        %dma_start3A_128 = arith.constant 0 : i32
        %dma_start3A_129 = tpu.memref_slice %arg2[%dma_start3A_127, %dma_start3A_128] : memref<10240x128xf32, #tpu.memory_space<hbm>> -> memref<10240x128xf32, #tpu.memory_space<hbm>>
        tpu.enqueue_indirect_dma source(%dma_start3A_129 : memref<10240x128xf32, #tpu.memory_space<hbm>>) target(%arg12 : memref<128x128xf32, #tpu.memory_space<vmem>>) offsets(%dma_start3A_126 : memref<128xi32, #tpu.memory_space<vmem>>) semaphore(%arg14 : memref<!tpu.dma_semaphore, #tpu.memory_space<semaphore_mem>>)
        %scan3A_130 = arith.constant 0 : i32
        %scan3A_131 = arith.constant 0 : i32
        %scan3A_132 = arith.constant 8 : i32
        %scan3A_133 = arith.addi %scan3A_131, %scan3A_132 : i32
        %scan3A_134 = arith.constant 1 : i32
        scf.for %scan3A_136 = %scan3A_131 to %scan3A_133 step %scan3A_134  : i32 {
          %mul3A_137 = arith.constant 16 : i32
          %mul3A_138 = arith.muli %scan3A_136, %mul3A_137 : i32
          %get3A = arith.index_cast %add3A_115 : i32 to index
          %get3A_139 = arith.index_cast %mul3A_138 : i32 to index
          %get3A_140 = tpu.vector_load %arg9[%get3A, %get3A_139] {strides = array<i32>} : memref<8x128xi32, #tpu.memory_space<vmem>>, vector<16xi32>,
          tpu.vector_store_idx %arg10[%get3A_140], %broadcast_in_dim3A_12 {add = true} : memref<10240xf32, #tpu.memory_space<vmem>>[vector<16xi32>], vector<16xf32>,
        }
        %scan3A_135 = arith.constant 8 : i32
        "tpu.region"() ({
          %run_scoped3A_136 = tpu.sem_alloc : memref<!tpu.dma_semaphore, #tpu.memory_space<semaphore_mem>>
          %dma_start3A_137 = arith.constant 0 : i32
          %dma_start3A_138 = tpu.memref_slice %arg9[%add3A_115, %dma_start3A_137] : memref<8x128xi32, #tpu.memory_space<vmem>> -> memref<1x128xi32, #tpu.memory_space<vmem>>
          %dma_start3A_139 = tpu.memref_squeeze %dma_start3A_138 : memref<1x128xi32, #tpu.memory_space<vmem>> -> memref<128xi32, #tpu.memory_space<vmem>>
          %dma_start3A_140 = arith.constant 0 : i32
          %dma_start3A_141 = arith.constant 0 : i32
          %dma_start3A_142 = tpu.memref_slice %arg11[%dma_start3A_140, %dma_start3A_141] : memref<10240x128xf32, #tpu.memory_space<vmem_shared>> -> memref<10240x128xf32, #tpu.memory_space<vmem_shared>>
          tpu.enqueue_indirect_dma source(%arg13 : memref<128x128xf32, #tpu.memory_space<vmem>>) target(%dma_start3A_142 : memref<10240x128xf32, #tpu.memory_space<vmem_shared>>) offsets(%dma_start3A_139 : memref<128xi32, #tpu.memory_space<vmem>>) semaphore(%run_scoped3A_136 : memref<!tpu.dma_semaphore, #tpu.memory_space<semaphore_mem>>) {add = true}
          %dma_wait3A_143 = arith.constant 0 : i32
          %dma_wait3A_144 = tpu.memref_slice %arg9[%add3A_115, %dma_wait3A_143] : memref<8x128xi32, #tpu.memory_space<vmem>> -> memref<1x128xi32, #tpu.memory_space<vmem>>
          %dma_wait3A_145 = tpu.memref_squeeze %dma_wait3A_144 : memref<1x128xi32, #tpu.memory_space<vmem>> -> memref<128xi32, #tpu.memory_space<vmem>>
          %dma_wait3A_146 = arith.constant 0 : i32
          %dma_wait3A_147 = arith.constant 0 : i32
          %dma_wait3A_148 = tpu.memref_slice %arg11[%dma_wait3A_146, %dma_wait3A_147] : memref<10240x128xf32, #tpu.memory_space<vmem_shared>> -> memref<10240x128xf32, #tpu.memory_space<vmem_shared>>
          tpu.wait_indirect_dma semaphore(%run_scoped3A_136 : memref<!tpu.dma_semaphore, #tpu.memory_space<semaphore_mem>>) src(%arg13 : memref<128x128xf32, #tpu.memory_space<vmem>>) dst(%dma_wait3A_148 : memref<10240x128xf32, #tpu.memory_space<vmem_shared>>)
          tpu.yield
        }) : () -> ()
      }
      %scan3A_53 = arith.constant 3 : i32
      %dma_wait3A = arith.constant 6 : i32
      %dma_wait3A_54 = arith.constant 0 : i32
      %dma_wait3A_55 = tpu.memref_slice %arg8[%dma_wait3A, %dma_wait3A_54] : memref<8x128xi32, #tpu.memory_space<vmem>> -> memref<1x128xi32, #tpu.memory_space<vmem>>
      %dma_wait3A_56 = tpu.memref_squeeze %dma_wait3A_55 : memref<1x128xi32, #tpu.memory_space<vmem>> -> memref<128xi32, #tpu.memory_space<vmem>>
      %dma_wait3A_57 = arith.constant 0 : i32
      %dma_wait3A_58 = arith.constant 0 : i32
      %dma_wait3A_59 = tpu.memref_slice %arg2[%dma_wait3A_57, %dma_wait3A_58] : memref<10240x128xf32, #tpu.memory_space<hbm>> -> memref<10240x128xf32, #tpu.memory_space<hbm>>
      tpu.wait_indirect_dma semaphore(%arg14 : memref<!tpu.dma_semaphore, #tpu.memory_space<semaphore_mem>>) src(%dma_wait3A_59 : memref<10240x128xf32, #tpu.memory_space<hbm>>) dst(%arg12 : memref<128x128xf32, #tpu.memory_space<vmem>>)
      %dma_start3A_60 = arith.constant 7 : i32
      %dma_start3A_61 = arith.constant 0 : i32
      %dma_start3A_62 = tpu.memref_slice %arg8[%dma_start3A_60, %dma_start3A_61] : memref<8x128xi32, #tpu.memory_space<vmem>> -> memref<1x128xi32, #tpu.memory_space<vmem>>
      %dma_start3A_63 = tpu.memref_squeeze %dma_start3A_62 : memref<1x128xi32, #tpu.memory_space<vmem>> -> memref<128xi32, #tpu.memory_space<vmem>>
      %dma_start3A_64 = arith.constant 0 : i32
      %dma_start3A_65 = arith.constant 0 : i32
      %dma_start3A_66 = tpu.memref_slice %arg2[%dma_start3A_64, %dma_start3A_65] : memref<10240x128xf32, #tpu.memory_space<hbm>> -> memref<10240x128xf32, #tpu.memory_space<hbm>>
      tpu.enqueue_indirect_dma source(%dma_start3A_66 : memref<10240x128xf32, #tpu.memory_space<hbm>>) target(%arg13 : memref<128x128xf32, #tpu.memory_space<vmem>>) offsets(%dma_start3A_63 : memref<128xi32, #tpu.memory_space<vmem>>) semaphore(%arg15 : memref<!tpu.dma_semaphore, #tpu.memory_space<semaphore_mem>>)
      %scan3A_67 = arith.constant 0 : i32
      %scan3A_68 = arith.constant 0 : i32
      %scan3A_69 = arith.constant 8 : i32
      %scan3A_70 = arith.addi %scan3A_68, %scan3A_69 : i32
      %scan3A_71 = arith.constant 1 : i32
      scf.for %scan3A_87 = %scan3A_68 to %scan3A_70 step %scan3A_71  : i32 {
        %mul3A_88 = arith.constant 16 : i32
        %mul3A_89 = arith.muli %scan3A_87, %mul3A_88 : i32
        %get3A = arith.constant 6 : i32
        %get3A_90 = arith.index_cast %get3A : i32 to index
        %get3A_91 = arith.index_cast %mul3A_89 : i32 to index
        %get3A_92 = tpu.vector_load %arg9[%get3A_90, %get3A_91] {strides = array<i32>} : memref<8x128xi32, #tpu.memory_space<vmem>>, vector<16xi32>,
        tpu.vector_store_idx %arg10[%get3A_92], %broadcast_in_dim3A_12 {add = true} : memref<10240xf32, #tpu.memory_space<vmem>>[vector<16xi32>], vector<16xf32>,
      }
      %scan3A_72 = arith.constant 8 : i32
      %run_scoped3A = arith.constant 6 : i32
      "tpu.region"() ({
        %run_scoped3A_87 = tpu.sem_alloc : memref<!tpu.dma_semaphore, #tpu.memory_space<semaphore_mem>>
        %dma_start3A_88 = arith.constant 0 : i32
        %dma_start3A_89 = tpu.memref_slice %arg9[%run_scoped3A, %dma_start3A_88] : memref<8x128xi32, #tpu.memory_space<vmem>> -> memref<1x128xi32, #tpu.memory_space<vmem>>
        %dma_start3A_90 = tpu.memref_squeeze %dma_start3A_89 : memref<1x128xi32, #tpu.memory_space<vmem>> -> memref<128xi32, #tpu.memory_space<vmem>>
        %dma_start3A_91 = arith.constant 0 : i32
        %dma_start3A_92 = arith.constant 0 : i32
        %dma_start3A_93 = tpu.memref_slice %arg11[%dma_start3A_91, %dma_start3A_92] : memref<10240x128xf32, #tpu.memory_space<vmem_shared>> -> memref<10240x128xf32, #tpu.memory_space<vmem_shared>>
        tpu.enqueue_indirect_dma source(%arg12 : memref<128x128xf32, #tpu.memory_space<vmem>>) target(%dma_start3A_93 : memref<10240x128xf32, #tpu.memory_space<vmem_shared>>) offsets(%dma_start3A_90 : memref<128xi32, #tpu.memory_space<vmem>>) semaphore(%run_scoped3A_87 : memref<!tpu.dma_semaphore, #tpu.memory_space<semaphore_mem>>) {add = true}
        %dma_wait3A_94 = arith.constant 0 : i32
        %dma_wait3A_95 = tpu.memref_slice %arg9[%run_scoped3A, %dma_wait3A_94] : memref<8x128xi32, #tpu.memory_space<vmem>> -> memref<1x128xi32, #tpu.memory_space<vmem>>
        %dma_wait3A_96 = tpu.memref_squeeze %dma_wait3A_95 : memref<1x128xi32, #tpu.memory_space<vmem>> -> memref<128xi32, #tpu.memory_space<vmem>>
        %dma_wait3A_97 = arith.constant 0 : i32
        %dma_wait3A_98 = arith.constant 0 : i32
        %dma_wait3A_99 = tpu.memref_slice %arg11[%dma_wait3A_97, %dma_wait3A_98] : memref<10240x128xf32, #tpu.memory_space<vmem_shared>> -> memref<10240x128xf32, #tpu.memory_space<vmem_shared>>
        tpu.wait_indirect_dma semaphore(%run_scoped3A_87 : memref<!tpu.dma_semaphore, #tpu.memory_space<semaphore_mem>>) src(%arg12 : memref<128x128xf32, #tpu.memory_space<vmem>>) dst(%dma_wait3A_99 : memref<10240x128xf32, #tpu.memory_space<vmem_shared>>)
        tpu.yield
      }) : () -> ()
      %dma_wait3A_73 = arith.constant 7 : i32
      %dma_wait3A_74 = arith.constant 0 : i32
      %dma_wait3A_75 = tpu.memref_slice %arg8[%dma_wait3A_73, %dma_wait3A_74] : memref<8x128xi32, #tpu.memory_space<vmem>> -> memref<1x128xi32, #tpu.memory_space<vmem>>
      %dma_wait3A_76 = tpu.memref_squeeze %dma_wait3A_75 : memref<1x128xi32, #tpu.memory_space<vmem>> -> memref<128xi32, #tpu.memory_space<vmem>>
      %dma_wait3A_77 = arith.constant 0 : i32
      %dma_wait3A_78 = arith.constant 0 : i32
      %dma_wait3A_79 = tpu.memref_slice %arg2[%dma_wait3A_77, %dma_wait3A_78] : memref<10240x128xf32, #tpu.memory_space<hbm>> -> memref<10240x128xf32, #tpu.memory_space<hbm>>
      tpu.wait_indirect_dma semaphore(%arg15 : memref<!tpu.dma_semaphore, #tpu.memory_space<semaphore_mem>>) src(%dma_wait3A_79 : memref<10240x128xf32, #tpu.memory_space<hbm>>) dst(%arg13 : memref<128x128xf32, #tpu.memory_space<vmem>>)
      %scan3A_80 = arith.constant 0 : i32
      %scan3A_81 = arith.constant 0 : i32
      %scan3A_82 = arith.constant 8 : i32
      %scan3A_83 = arith.addi %scan3A_81, %scan3A_82 : i32
      %scan3A_84 = arith.constant 1 : i32
      scf.for %scan3A_87 = %scan3A_81 to %scan3A_83 step %scan3A_84  : i32 {
        %mul3A_88 = arith.constant 16 : i32
        %mul3A_89 = arith.muli %scan3A_87, %mul3A_88 : i32
        %get3A = arith.constant 7 : i32
        %get3A_90 = arith.index_cast %get3A : i32 to index
        %get3A_91 = arith.index_cast %mul3A_89 : i32 to index
        %get3A_92 = tpu.vector_load %arg9[%get3A_90, %get3A_91] {strides = array<i32>} : memref<8x128xi32, #tpu.memory_space<vmem>>, vector<16xi32>,
        tpu.vector_store_idx %arg10[%get3A_92], %broadcast_in_dim3A_12 {add = true} : memref<10240xf32, #tpu.memory_space<vmem>>[vector<16xi32>], vector<16xf32>,
      }
      %scan3A_85 = arith.constant 8 : i32
      %run_scoped3A_86 = arith.constant 7 : i32
      "tpu.region"() ({
        %run_scoped3A_87 = tpu.sem_alloc : memref<!tpu.dma_semaphore, #tpu.memory_space<semaphore_mem>>
        %dma_start3A_88 = arith.constant 0 : i32
        %dma_start3A_89 = tpu.memref_slice %arg9[%run_scoped3A_86, %dma_start3A_88] : memref<8x128xi32, #tpu.memory_space<vmem>> -> memref<1x128xi32, #tpu.memory_space<vmem>>
        %dma_start3A_90 = tpu.memref_squeeze %dma_start3A_89 : memref<1x128xi32, #tpu.memory_space<vmem>> -> memref<128xi32, #tpu.memory_space<vmem>>
        %dma_start3A_91 = arith.constant 0 : i32
        %dma_start3A_92 = arith.constant 0 : i32
        %dma_start3A_93 = tpu.memref_slice %arg11[%dma_start3A_91, %dma_start3A_92] : memref<10240x128xf32, #tpu.memory_space<vmem_shared>> -> memref<10240x128xf32, #tpu.memory_space<vmem_shared>>
        tpu.enqueue_indirect_dma source(%arg13 : memref<128x128xf32, #tpu.memory_space<vmem>>) target(%dma_start3A_93 : memref<10240x128xf32, #tpu.memory_space<vmem_shared>>) offsets(%dma_start3A_90 : memref<128xi32, #tpu.memory_space<vmem>>) semaphore(%run_scoped3A_87 : memref<!tpu.dma_semaphore, #tpu.memory_space<semaphore_mem>>) {add = true}
        %dma_wait3A_94 = arith.constant 0 : i32
        %dma_wait3A_95 = tpu.memref_slice %arg9[%run_scoped3A_86, %dma_wait3A_94] : memref<8x128xi32, #tpu.memory_space<vmem>> -> memref<1x128xi32, #tpu.memory_space<vmem>>
        %dma_wait3A_96 = tpu.memref_squeeze %dma_wait3A_95 : memref<1x128xi32, #tpu.memory_space<vmem>> -> memref<128xi32, #tpu.memory_space<vmem>>
        %dma_wait3A_97 = arith.constant 0 : i32
        %dma_wait3A_98 = arith.constant 0 : i32
        %dma_wait3A_99 = tpu.memref_slice %arg11[%dma_wait3A_97, %dma_wait3A_98] : memref<10240x128xf32, #tpu.memory_space<vmem_shared>> -> memref<10240x128xf32, #tpu.memory_space<vmem_shared>>
        tpu.wait_indirect_dma semaphore(%run_scoped3A_87 : memref<!tpu.dma_semaphore, #tpu.memory_space<semaphore_mem>>) src(%arg13 : memref<128x128xf32, #tpu.memory_space<vmem>>) dst(%dma_wait3A_99 : memref<10240x128xf32, #tpu.memory_space<vmem_shared>>)
        tpu.yield
      }) : () -> ()
    }
    %barrier3A_33 = arith.constant 0 : index
    tpu.barrier barrier_id(%barrier3A_33)
    %mul3A_34 = arith.constant 640 : i32
    %mul3A_35 = arith.muli %arg1, %mul3A_34 : i32
    %mul3A_36 = arith.constant 640 : i32
    %mul3A_37 = arith.muli %arg1, %mul3A_36 : i32
    "tpu.region"() ({
      %run_scoped3A = tpu.sem_alloc : memref<!tpu.dma_semaphore, #tpu.memory_space<semaphore_mem>>
      %dma_start3A = arith.constant 0 : i32
      %dma_start3A_38 = arith.constant 0 : i32
      %dma_start3A_39 = tpu.memref_slice %arg6[%arg0, %dma_start3A, %dma_start3A_38] : memref<2x10240x128xf32, #tpu.memory_space<hbm>> -> memref<1x10240x128xf32, #tpu.memory_space<hbm>>
      %dma_start3A_40 = tpu.memref_squeeze %dma_start3A_39 : memref<1x10240x128xf32, #tpu.memory_space<hbm>> -> memref<10240x128xf32, #tpu.memory_space<hbm>>
      %dma_start3A_41 = arith.constant 0 : i32
      %dma_start3A_42 = tpu.memref_slice %dma_start3A_40[%mul3A_37, %dma_start3A_41] : memref<10240x128xf32, #tpu.memory_space<hbm>> -> memref<640x128xf32, #tpu.memory_space<hbm>>
      %dma_start3A_43 = arith.constant 0 : i32
      %dma_start3A_44 = tpu.memref_slice %arg11[%mul3A_35, %dma_start3A_43] : memref<10240x128xf32, #tpu.memory_space<vmem_shared>> -> memref<640x128xf32, #tpu.memory_space<vmem_shared>>
      tpu.enqueue_dma source(%dma_start3A_44 : memref<640x128xf32, #tpu.memory_space<vmem_shared>>) target(%dma_start3A_42 : memref<640x128xf32, #tpu.memory_space<hbm>>) target_semaphore(%run_scoped3A : memref<!tpu.dma_semaphore, #tpu.memory_space<semaphore_mem>>)
      %dma_wait3A = arith.constant 0 : i32
      %dma_wait3A_45 = arith.constant 0 : i32
      %dma_wait3A_46 = tpu.memref_slice %arg6[%arg0, %dma_wait3A, %dma_wait3A_45] : memref<2x10240x128xf32, #tpu.memory_space<hbm>> -> memref<1x10240x128xf32, #tpu.memory_space<hbm>>
      %dma_wait3A_47 = tpu.memref_squeeze %dma_wait3A_46 : memref<1x10240x128xf32, #tpu.memory_space<hbm>> -> memref<10240x128xf32, #tpu.memory_space<hbm>>
      %dma_wait3A_48 = arith.constant 0 : i32
      %dma_wait3A_49 = tpu.memref_slice %dma_wait3A_47[%mul3A_37, %dma_wait3A_48] : memref<10240x128xf32, #tpu.memory_space<hbm>> -> memref<640x128xf32, #tpu.memory_space<hbm>>
      %dma_wait3A_50 = arith.constant 0 : i32
      %dma_wait3A_51 = tpu.memref_slice %arg11[%mul3A_35, %dma_wait3A_50] : memref<10240x128xf32, #tpu.memory_space<vmem_shared>> -> memref<640x128xf32, #tpu.memory_space<vmem_shared>>
      tpu.wait_dma2 semaphore(%run_scoped3A : memref<!tpu.dma_semaphore, #tpu.memory_space<semaphore_mem>>) src(%dma_wait3A_51 : memref<640x128xf32, #tpu.memory_space<vmem_shared>>) dst(%dma_wait3A_49 : memref<640x128xf32, #tpu.memory_space<hbm>>)
      tpu.yield
    }) : () -> ()
    "tpu.region"() ({
      %run_scoped3A = tpu.sem_alloc : memref<!tpu.dma_semaphore, #tpu.memory_space<semaphore_mem>>
      %dma_start3A = arith.constant 0 : i32
      %dma_start3A_38 = tpu.memref_slice %arg7[%add3A, %dma_start3A] : memref<32x10240xf32, #tpu.memory_space<hbm>> -> memref<1x10240xf32, #tpu.memory_space<hbm>>
      %dma_start3A_39 = tpu.memref_squeeze %dma_start3A_38 : memref<1x10240xf32, #tpu.memory_space<hbm>> -> memref<10240xf32, #tpu.memory_space<hbm>>
      %dma_start3A_40 = arith.constant 0 : i32
      %dma_start3A_41 = tpu.memref_slice %arg7[%add3A, %dma_start3A_40] : memref<32x10240xf32, #tpu.memory_space<hbm>> -> memref<1x10240xf32, #tpu.memory_space<hbm>>
      %dma_start3A_42 = tpu.memref_squeeze %dma_start3A_41 : memref<1x10240xf32, #tpu.memory_space<hbm>> -> memref<10240xf32, #tpu.memory_space<hbm>>
      tpu.enqueue_dma source(%arg10 : memref<10240xf32, #tpu.memory_space<vmem>>) target(%dma_start3A_42 : memref<10240xf32, #tpu.memory_space<hbm>>) target_semaphore(%run_scoped3A : memref<!tpu.dma_semaphore, #tpu.memory_space<semaphore_mem>>)
      %dma_wait3A = arith.constant 0 : i32
      %dma_wait3A_43 = tpu.memref_slice %arg7[%add3A, %dma_wait3A] : memref<32x10240xf32, #tpu.memory_space<hbm>> -> memref<1x10240xf32, #tpu.memory_space<hbm>>
      %dma_wait3A_44 = tpu.memref_squeeze %dma_wait3A_43 : memref<1x10240xf32, #tpu.memory_space<hbm>> -> memref<10240xf32, #tpu.memory_space<hbm>>
      %dma_wait3A_45 = arith.constant 0 : i32
      %dma_wait3A_46 = tpu.memref_slice %arg7[%add3A, %dma_wait3A_45] : memref<32x10240xf32, #tpu.memory_space<hbm>> -> memref<1x10240xf32, #tpu.memory_space<hbm>>
      %dma_wait3A_47 = tpu.memref_squeeze %dma_wait3A_46 : memref<1x10240xf32, #tpu.memory_space<hbm>> -> memref<10240xf32, #tpu.memory_space<hbm>>
      tpu.wait_dma2 semaphore(%run_scoped3A : memref<!tpu.dma_semaphore, #tpu.memory_space<semaphore_mem>>) src(%arg10 : memref<10240xf32, #tpu.memory_space<vmem>>) dst(%dma_wait3A_47 : memref<10240xf32, #tpu.memory_space<hbm>>)
      tpu.yield
    }) : () -> ()
    return
  }
}

#map = affine_map<(d0, d1) -> (0, 0)>
#map1 = affine_map<(d0, d1) -> (0)>
module attributes {stable_mosaic.version = 14 : i64} {
  func.func @sc_edge_filter(%arg0: i32, %arg1: i32, %arg2: memref<2560x128xi32, #tpu.memory_space<hbm>>, %arg3: memref<2560x128xi32, #tpu.memory_space<hbm>>, %arg4: memref<2048xi32, #tpu.memory_space<hbm>>, %arg5: memref<327680xi32, #tpu.memory_space<hbm>>, %arg6: memref<327680xi32, #tpu.memory_space<hbm>>, %arg7: memref<32x16xi32, #tpu.memory_space<hbm>>, %arg8: memref<80x128xi32, #tpu.memory_space<vmem>>, %arg9: memref<80x128xi32, #tpu.memory_space<vmem>>, %arg10: memref<10240xi32, #tpu.memory_space<vmem>>, %arg11: memref<10240xi32, #tpu.memory_space<vmem>>, %arg12: memref<10240xi32, #tpu.memory_space<vmem>>, %arg13: memref<2048xi32, #tpu.memory_space<vmem>>, %arg14: memref<16xi32, #tpu.memory_space<vmem>>) attributes {dimension_semantics = [#tpu.dimension_semantics<core_parallel>, #tpu.dimension_semantics<subcore_parallel>], iteration_bounds = array<i64: 2, 16>, scalar_prefetch = 0 : i64, scratch_operands = 7 : i64, tpu.core_type = #tpu.core_type<sc_vector_subcore>, window_params = [{transform_indices = #map}, {transform_indices = #map}, {transform_indices = #map1}, {transform_indices = #map1}, {transform_indices = #map1}, {transform_indices = #map}]} {
    %mul3A = arith.constant 2 : i32
    %mul3A_0 = arith.muli %arg1, %mul3A : i32
    %add3A = arith.addi %mul3A_0, %arg0 : i32
    %mul3A_1 = arith.constant 80 : i32
    %mul3A_2 = arith.muli %add3A, %mul3A_1 : i32
    "tpu.region"() ({
      %run_scoped3A = tpu.sem_alloc : memref<!tpu.dma_semaphore, #tpu.memory_space<semaphore_mem>>
      %dma_start3A = arith.constant 0 : i32
      %dma_start3A_45 = tpu.memref_slice %arg2[%mul3A_2, %dma_start3A] : memref<2560x128xi32, #tpu.memory_space<hbm>> -> memref<80x128xi32, #tpu.memory_space<hbm>>
      %dma_start3A_46 = arith.constant 0 : i32
      %dma_start3A_47 = tpu.memref_slice %arg2[%mul3A_2, %dma_start3A_46] : memref<2560x128xi32, #tpu.memory_space<hbm>> -> memref<80x128xi32, #tpu.memory_space<hbm>>
      tpu.enqueue_dma source(%dma_start3A_47 : memref<80x128xi32, #tpu.memory_space<hbm>>) target(%arg8 : memref<80x128xi32, #tpu.memory_space<vmem>>) target_semaphore(%run_scoped3A : memref<!tpu.dma_semaphore, #tpu.memory_space<semaphore_mem>>)
      %dma_wait3A = arith.constant 0 : i32
      %dma_wait3A_48 = tpu.memref_slice %arg2[%mul3A_2, %dma_wait3A] : memref<2560x128xi32, #tpu.memory_space<hbm>> -> memref<80x128xi32, #tpu.memory_space<hbm>>
      %dma_wait3A_49 = arith.constant 0 : i32
      %dma_wait3A_50 = tpu.memref_slice %arg2[%mul3A_2, %dma_wait3A_49] : memref<2560x128xi32, #tpu.memory_space<hbm>> -> memref<80x128xi32, #tpu.memory_space<hbm>>
      tpu.wait_dma2 semaphore(%run_scoped3A : memref<!tpu.dma_semaphore, #tpu.memory_space<semaphore_mem>>) src(%dma_wait3A_50 : memref<80x128xi32, #tpu.memory_space<hbm>>) dst(%arg8 : memref<80x128xi32, #tpu.memory_space<vmem>>)
      tpu.yield
    }) : () -> ()
    "tpu.region"() ({
      %run_scoped3A = tpu.sem_alloc : memref<!tpu.dma_semaphore, #tpu.memory_space<semaphore_mem>>
      %dma_start3A = arith.constant 0 : i32
      %dma_start3A_45 = tpu.memref_slice %arg3[%mul3A_2, %dma_start3A] : memref<2560x128xi32, #tpu.memory_space<hbm>> -> memref<80x128xi32, #tpu.memory_space<hbm>>
      %dma_start3A_46 = arith.constant 0 : i32
      %dma_start3A_47 = tpu.memref_slice %arg3[%mul3A_2, %dma_start3A_46] : memref<2560x128xi32, #tpu.memory_space<hbm>> -> memref<80x128xi32, #tpu.memory_space<hbm>>
      tpu.enqueue_dma source(%dma_start3A_47 : memref<80x128xi32, #tpu.memory_space<hbm>>) target(%arg9 : memref<80x128xi32, #tpu.memory_space<vmem>>) target_semaphore(%run_scoped3A : memref<!tpu.dma_semaphore, #tpu.memory_space<semaphore_mem>>)
      %dma_wait3A = arith.constant 0 : i32
      %dma_wait3A_48 = tpu.memref_slice %arg3[%mul3A_2, %dma_wait3A] : memref<2560x128xi32, #tpu.memory_space<hbm>> -> memref<80x128xi32, #tpu.memory_space<hbm>>
      %dma_wait3A_49 = arith.constant 0 : i32
      %dma_wait3A_50 = tpu.memref_slice %arg3[%mul3A_2, %dma_wait3A_49] : memref<2560x128xi32, #tpu.memory_space<hbm>> -> memref<80x128xi32, #tpu.memory_space<hbm>>
      tpu.wait_dma2 semaphore(%run_scoped3A : memref<!tpu.dma_semaphore, #tpu.memory_space<semaphore_mem>>) src(%dma_wait3A_50 : memref<80x128xi32, #tpu.memory_space<hbm>>) dst(%arg9 : memref<80x128xi32, #tpu.memory_space<vmem>>)
      tpu.yield
    }) : () -> ()
    "tpu.region"() ({
      %run_scoped3A = tpu.sem_alloc : memref<!tpu.dma_semaphore, #tpu.memory_space<semaphore_mem>>
      tpu.enqueue_dma source(%arg4 : memref<2048xi32, #tpu.memory_space<hbm>>) target(%arg13 : memref<2048xi32, #tpu.memory_space<vmem>>) target_semaphore(%run_scoped3A : memref<!tpu.dma_semaphore, #tpu.memory_space<semaphore_mem>>)
      tpu.wait_dma2 semaphore(%run_scoped3A : memref<!tpu.dma_semaphore, #tpu.memory_space<semaphore_mem>>) src(%arg4 : memref<2048xi32, #tpu.memory_space<hbm>>) dst(%arg13 : memref<2048xi32, #tpu.memory_space<vmem>>)
      tpu.yield
    }) : () -> ()
    %broadcast_in_dim3A = arith.constant 0 : i32
    %broadcast_in_dim3A_3 = vector.broadcast %broadcast_in_dim3A : i32 to vector<16xi32>
    %broadcast_in_dim3A_4 = arith.constant 1 : i32
    %broadcast_in_dim3A_5 = vector.broadcast %broadcast_in_dim3A_4 : i32 to vector<16xi32>
    %scan3A = arith.constant 0 : i32
    %scan3A_6 = arith.constant 0 : i32
    %scan3A_7 = arith.constant 640 : i32
    %scan3A_8 = arith.addi %scan3A_6, %scan3A_7 : i32
    %scan3A_9 = arith.constant 1 : i32
    scf.for %scan3A_45 = %scan3A_6 to %scan3A_8 step %scan3A_9  : i32 {
      %mul3A_46 = arith.constant 16 : i32
      %mul3A_47 = arith.muli %scan3A_45, %mul3A_46 : i32
      %swap3A_48 = arith.index_cast %mul3A_47 : i32 to index
      %swap3A_49 = tpu.vector_load %arg10[%swap3A_48] {strides = array<i32>} : memref<10240xi32, #tpu.memory_space<vmem>>, vector<16xi32>,
      tpu.vector_store %arg10[%swap3A_48], %broadcast_in_dim3A_3 {strides = array<i32>} : memref<10240xi32, #tpu.memory_space<vmem>>, vector<16xi32>,
    }
    %scan3A_10 = arith.constant 640 : i32
    %scan3A_11 = arith.constant 0 : i32
    %scan3A_12 = arith.constant 0 : i32
    %scan3A_13 = arith.constant 128 : i32
    %scan3A_14 = arith.addi %scan3A_12, %scan3A_13 : i32
    %scan3A_15 = arith.constant 1 : i32
    scf.for %scan3A_45 = %scan3A_12 to %scan3A_14 step %scan3A_15  : i32 {
      %mul3A_46 = arith.constant 16 : i32
      %mul3A_47 = arith.muli %scan3A_45, %mul3A_46 : i32
      %get3A = arith.index_cast %mul3A_47 : i32 to index
      %get3A_48 = tpu.vector_load %arg13[%get3A] {strides = array<i32>} : memref<2048xi32, #tpu.memory_space<vmem>>, vector<16xi32>,
      tpu.vector_store_idx %arg10[%get3A_48], %broadcast_in_dim3A_5 : memref<10240xi32, #tpu.memory_space<vmem>>[vector<16xi32>], vector<16xi32>,
    }
    %scan3A_16 = arith.constant 128 : i32
    %broadcast_in_dim3A_17 = arith.constant 10239 : i32
    %broadcast_in_dim3A_18 = vector.broadcast %broadcast_in_dim3A_17 : i32 to vector<16xi32>
    %scan3A_19 = arith.constant 0 : i32
    %scan3A_20 = arith.constant 0 : i32
    %scan3A_21 = arith.constant 640 : i32
    %scan3A_22 = arith.addi %scan3A_20, %scan3A_21 : i32
    %scan3A_23 = arith.constant 1 : i32
    scf.for %scan3A_45 = %scan3A_20 to %scan3A_22 step %scan3A_23  : i32 {
      %mul3A_46 = arith.constant 16 : i32
      %mul3A_47 = arith.muli %scan3A_45, %mul3A_46 : i32
      %swap3A_48 = arith.index_cast %mul3A_47 : i32 to index
      %swap3A_49 = tpu.vector_load %arg11[%swap3A_48] {strides = array<i32>} : memref<10240xi32, #tpu.memory_space<vmem>>, vector<16xi32>,
      tpu.vector_store %arg11[%swap3A_48], %broadcast_in_dim3A_3 {strides = array<i32>} : memref<10240xi32, #tpu.memory_space<vmem>>, vector<16xi32>,
      %mul3A_50 = arith.constant 16 : i32
      %mul3A_51 = arith.muli %scan3A_45, %mul3A_50 : i32
      %swap3A_52 = arith.index_cast %mul3A_51 : i32 to index
      %swap3A_53 = tpu.vector_load %arg12[%swap3A_52] {strides = array<i32>} : memref<10240xi32, #tpu.memory_space<vmem>>, vector<16xi32>,
      tpu.vector_store %arg12[%swap3A_52], %broadcast_in_dim3A_18 {strides = array<i32>} : memref<10240xi32, #tpu.memory_space<vmem>>, vector<16xi32>,
    }
    %scan3A_24 = arith.constant 640 : i32
    %scan3A_25 = arith.constant 0 : i32
    %scan3A_26 = arith.constant 0 : i32
    %scan3A_27 = arith.constant 80 : i32
    %scan3A_28 = arith.addi %scan3A_26, %scan3A_27 : i32
    %scan3A_29 = arith.constant 1 : i32
    %scan3A_30 = scf.for %scan3A_45 = %scan3A_26 to %scan3A_28 step %scan3A_29 iter_args(%scan3A_46 = %scan3A_25) -> (i32)  : i32 {
      %scan3A_47 = arith.constant 0 : i32
      %scan3A_48 = arith.constant 8 : i32
      %scan3A_49 = arith.addi %scan3A_47, %scan3A_48 : i32
      %scan3A_50 = arith.constant 1 : i32
      %scan3A_51 = scf.for %scan3A_53 = %scan3A_47 to %scan3A_49 step %scan3A_50 iter_args(%scan3A_54 = %scan3A_46) -> (i32)  : i32 {
        %mul3A_55 = arith.constant 16 : i32
        %mul3A_56 = arith.muli %scan3A_53, %mul3A_55 : i32
        %get3A = arith.index_cast %scan3A_45 : i32 to index
        %get3A_57 = arith.index_cast %mul3A_56 : i32 to index
        %get3A_58 = tpu.vector_load %arg9[%get3A, %get3A_57] {strides = array<i32>} : memref<80x128xi32, #tpu.memory_space<vmem>>, vector<16xi32>,
        %mul3A_59 = arith.constant 16 : i32
        %mul3A_60 = arith.muli %scan3A_53, %mul3A_59 : i32
        %get3A_61 = arith.index_cast %scan3A_45 : i32 to index
        %get3A_62 = arith.index_cast %mul3A_60 : i32 to index
        %get3A_63 = tpu.vector_load %arg8[%get3A_61, %get3A_62] {strides = array<i32>} : memref<80x128xi32, #tpu.memory_space<vmem>>, vector<16xi32>,
        %gather3A = tpu.vector_load_idx %arg10[%get3A_58] : memref<10240xi32, #tpu.memory_space<vmem>>[vector<16xi32>], vector<16xi32>,
        %eq3A = arith.constant 1 : i32
        %eq3A_64 = vector.broadcast %eq3A : i32 to vector<16xi32>
        %eq3A_65 = arith.cmpi eq, %gather3A, %eq3A_64 : vector<16xi32>
        %swap3A_66 = arith.index_cast %scan3A_54 : i32 to index
        %swap3A_67 = tpu.vector_load %arg11[%swap3A_66] masked %eq3A_65 {strides = array<i32>} : memref<10240xi32, #tpu.memory_space<vmem>>, vector<16xi32>, vector<16xi1>
        tpu.vector_store %arg11[%swap3A_66], %get3A_63 masked %eq3A_65 {strides = array<i32>} : memref<10240xi32, #tpu.memory_space<vmem>>, vector<16xi32>, vector<16xi1>
        %swap3A_68 = arith.index_cast %scan3A_54 : i32 to index
        %swap3A_69 = tpu.vector_load %arg12[%swap3A_68] masked %eq3A_65 {strides = array<i32>} : memref<10240xi32, #tpu.memory_space<vmem>>, vector<16xi32>, vector<16xi1>
        tpu.vector_store %arg12[%swap3A_68], %get3A_58 masked %eq3A_65 {strides = array<i32>} : memref<10240xi32, #tpu.memory_space<vmem>>, vector<16xi32>, vector<16xi1>
        %all_reduce_population_count3A = tpu.all_reduce %eq3A_65 {dim = 0 : i64, kind = #tpu.reduction_kind<sum>} : vector<16xi1> -> vector<16xi32>
        %reduce_max3A = arith.constant true
        %reduce_max3A_70 = vector.broadcast %reduce_max3A : i1 to vector<16xi1>
        %reduce_max3A_71 = arith.constant -2147483648 : i32
        %reduce_max3A_72 = vector.broadcast %reduce_max3A_71 : i32 to vector<16xi32>
        %reduce_max3A_73 = arith.xori %all_reduce_population_count3A, %reduce_max3A_72 : vector<16xi32>
        %reduce_max3A_74 = tpu.scan <max>, %reduce_max3A_73 masked %reduce_max3A_70 : vector<16xi32>, vector<16xi1> -> vector<16xi32>
        %reduce_max3A_75 = arith.xori %reduce_max3A_74, %reduce_max3A_72 : vector<16xi32>
        %reduce_max3A_76 = vector.extract %reduce_max3A_75[15] : i32 from vector<16xi32>
        %add3A_77 = arith.addi %scan3A_54, %reduce_max3A_76 : i32
        scf.yield %add3A_77 : i32
      }
      %scan3A_52 = arith.constant 8 : i32
      scf.yield %scan3A_51 : i32
    }
    %scan3A_31 = arith.constant 80 : i32
    %mul3A_32 = arith.constant 80 : i32
    %mul3A_33 = arith.muli %add3A, %mul3A_32 : i32
    %mul3A_34 = arith.constant 128 : i32
    %mul3A_35 = arith.muli %mul3A_33, %mul3A_34 : i32
    "tpu.region"() ({
      %run_scoped3A = tpu.sem_alloc : memref<!tpu.dma_semaphore, #tpu.memory_space<semaphore_mem>>
      %dma_start3A = tpu.memref_slice %arg5[%mul3A_35] : memref<327680xi32, #tpu.memory_space<hbm>> -> memref<10240xi32, #tpu.memory_space<hbm>>
      %dma_start3A_45 = tpu.memref_slice %arg5[%mul3A_35] : memref<327680xi32, #tpu.memory_space<hbm>> -> memref<10240xi32, #tpu.memory_space<hbm>>
      tpu.enqueue_dma source(%arg11 : memref<10240xi32, #tpu.memory_space<vmem>>) target(%dma_start3A_45 : memref<10240xi32, #tpu.memory_space<hbm>>) target_semaphore(%run_scoped3A : memref<!tpu.dma_semaphore, #tpu.memory_space<semaphore_mem>>)
      %dma_wait3A = tpu.memref_slice %arg5[%mul3A_35] : memref<327680xi32, #tpu.memory_space<hbm>> -> memref<10240xi32, #tpu.memory_space<hbm>>
      %dma_wait3A_46 = tpu.memref_slice %arg5[%mul3A_35] : memref<327680xi32, #tpu.memory_space<hbm>> -> memref<10240xi32, #tpu.memory_space<hbm>>
      tpu.wait_dma2 semaphore(%run_scoped3A : memref<!tpu.dma_semaphore, #tpu.memory_space<semaphore_mem>>) src(%arg11 : memref<10240xi32, #tpu.memory_space<vmem>>) dst(%dma_wait3A_46 : memref<10240xi32, #tpu.memory_space<hbm>>)
      tpu.yield
    }) : () -> ()
    %mul3A_36 = arith.constant 80 : i32
    %mul3A_37 = arith.muli %add3A, %mul3A_36 : i32
    %mul3A_38 = arith.constant 128 : i32
    %mul3A_39 = arith.muli %mul3A_37, %mul3A_38 : i32
    "tpu.region"() ({
      %run_scoped3A = tpu.sem_alloc : memref<!tpu.dma_semaphore, #tpu.memory_space<semaphore_mem>>
      %dma_start3A = tpu.memref_slice %arg6[%mul3A_39] : memref<327680xi32, #tpu.memory_space<hbm>> -> memref<10240xi32, #tpu.memory_space<hbm>>
      %dma_start3A_45 = tpu.memref_slice %arg6[%mul3A_39] : memref<327680xi32, #tpu.memory_space<hbm>> -> memref<10240xi32, #tpu.memory_space<hbm>>
      tpu.enqueue_dma source(%arg12 : memref<10240xi32, #tpu.memory_space<vmem>>) target(%dma_start3A_45 : memref<10240xi32, #tpu.memory_space<hbm>>) target_semaphore(%run_scoped3A : memref<!tpu.dma_semaphore, #tpu.memory_space<semaphore_mem>>)
      %dma_wait3A = tpu.memref_slice %arg6[%mul3A_39] : memref<327680xi32, #tpu.memory_space<hbm>> -> memref<10240xi32, #tpu.memory_space<hbm>>
      %dma_wait3A_46 = tpu.memref_slice %arg6[%mul3A_39] : memref<327680xi32, #tpu.memory_space<hbm>> -> memref<10240xi32, #tpu.memory_space<hbm>>
      tpu.wait_dma2 semaphore(%run_scoped3A : memref<!tpu.dma_semaphore, #tpu.memory_space<semaphore_mem>>) src(%arg12 : memref<10240xi32, #tpu.memory_space<vmem>>) dst(%dma_wait3A_46 : memref<10240xi32, #tpu.memory_space<hbm>>)
      tpu.yield
    }) : () -> ()
    %broadcast_in_dim3A_40 = arith.constant 0 : i32
    %broadcast_in_dim3A_41 = vector.broadcast %broadcast_in_dim3A_40 : i32 to vector<16xi32>
    %add3A_42 = vector.broadcast %scan3A_30 : i32 to vector<16xi32>
    %add3A_43 = arith.addi %broadcast_in_dim3A_41, %add3A_42 : vector<16xi32>
    %swap3A = arith.constant 0 : index
    %swap3A_44 = tpu.vector_load %arg14[%swap3A] {strides = array<i32>} : memref<16xi32, #tpu.memory_space<vmem>>, vector<16xi32>,
    tpu.vector_store %arg14[%swap3A], %add3A_43 {strides = array<i32>} : memref<16xi32, #tpu.memory_space<vmem>>, vector<16xi32>,
    "tpu.region"() ({
      %run_scoped3A = tpu.sem_alloc : memref<!tpu.dma_semaphore, #tpu.memory_space<semaphore_mem>>
      %dma_start3A = arith.constant 0 : i32
      %dma_start3A_45 = tpu.memref_slice %arg7[%add3A, %dma_start3A] : memref<32x16xi32, #tpu.memory_space<hbm>> -> memref<1x16xi32, #tpu.memory_space<hbm>>
      %dma_start3A_46 = tpu.memref_squeeze %dma_start3A_45 : memref<1x16xi32, #tpu.memory_space<hbm>> -> memref<16xi32, #tpu.memory_space<hbm>>
      %dma_start3A_47 = arith.constant 0 : i32
      %dma_start3A_48 = tpu.memref_slice %arg7[%add3A, %dma_start3A_47] : memref<32x16xi32, #tpu.memory_space<hbm>> -> memref<1x16xi32, #tpu.memory_space<hbm>>
      %dma_start3A_49 = tpu.memref_squeeze %dma_start3A_48 : memref<1x16xi32, #tpu.memory_space<hbm>> -> memref<16xi32, #tpu.memory_space<hbm>>
      tpu.enqueue_dma source(%arg14 : memref<16xi32, #tpu.memory_space<vmem>>) target(%dma_start3A_49 : memref<16xi32, #tpu.memory_space<hbm>>) target_semaphore(%run_scoped3A : memref<!tpu.dma_semaphore, #tpu.memory_space<semaphore_mem>>)
      %dma_wait3A = arith.constant 0 : i32
      %dma_wait3A_50 = tpu.memref_slice %arg7[%add3A, %dma_wait3A] : memref<32x16xi32, #tpu.memory_space<hbm>> -> memref<1x16xi32, #tpu.memory_space<hbm>>
      %dma_wait3A_51 = tpu.memref_squeeze %dma_wait3A_50 : memref<1x16xi32, #tpu.memory_space<hbm>> -> memref<16xi32, #tpu.memory_space<hbm>>
      %dma_wait3A_52 = arith.constant 0 : i32
      %dma_wait3A_53 = tpu.memref_slice %arg7[%add3A, %dma_wait3A_52] : memref<32x16xi32, #tpu.memory_space<hbm>> -> memref<1x16xi32, #tpu.memory_space<hbm>>
      %dma_wait3A_54 = tpu.memref_squeeze %dma_wait3A_53 : memref<1x16xi32, #tpu.memory_space<hbm>> -> memref<16xi32, #tpu.memory_space<hbm>>
      tpu.wait_dma2 semaphore(%run_scoped3A : memref<!tpu.dma_semaphore, #tpu.memory_space<semaphore_mem>>) src(%arg14 : memref<16xi32, #tpu.memory_space<vmem>>) dst(%dma_wait3A_54 : memref<16xi32, #tpu.memory_space<hbm>>)
      tpu.yield
    }) : () -> ()
    return
  }
}

#map = affine_map<(d0, d1) -> (0, 0)>
#map1 = affine_map<(d0, d1) -> (0)>
module attributes {stable_mosaic.version = 14 : i64} {
  func.func @sc_gather_batch(%arg0: i32, %arg1: i32, %arg2: memref<10240x128xf32, #tpu.memory_space<hbm>>, %arg3: memref<10240xi32, #tpu.memory_space<hbm>>, %arg4: memref<2048xi32, #tpu.memory_space<hbm>>, %arg5: memref<2048x128xf32, #tpu.memory_space<hbm>>, %arg6: memref<2048xi32, #tpu.memory_space<hbm>>, %arg7: memref<64xi32, #tpu.memory_space<vmem>>, %arg8: memref<64x128xf32, #tpu.memory_space<vmem>>, %arg9: memref<10240xi32, #tpu.memory_space<vmem>>, %arg10: memref<64xi32, #tpu.memory_space<vmem>>, %arg11: memref<!tpu.dma_semaphore, #tpu.memory_space<semaphore_mem>>) attributes {dimension_semantics = [#tpu.dimension_semantics<core_parallel>, #tpu.dimension_semantics<subcore_parallel>], iteration_bounds = array<i64: 2, 16>, scalar_prefetch = 0 : i64, scratch_operands = 5 : i64, tpu.core_type = #tpu.core_type<sc_vector_subcore>, window_params = [{transform_indices = #map}, {transform_indices = #map1}, {transform_indices = #map1}, {transform_indices = #map}, {transform_indices = #map1}]} {
    %mul3A = arith.constant 2 : i32
    %mul3A_0 = arith.muli %arg1, %mul3A : i32
    %add3A = arith.addi %mul3A_0, %arg0 : i32
    %mul3A_1 = arith.constant 64 : i32
    %mul3A_2 = arith.muli %add3A, %mul3A_1 : i32
    "tpu.region"() ({
      %run_scoped3A = tpu.sem_alloc : memref<!tpu.dma_semaphore, #tpu.memory_space<semaphore_mem>>
      %dma_start3A_16 = tpu.memref_slice %arg4[%mul3A_2] : memref<2048xi32, #tpu.memory_space<hbm>> -> memref<64xi32, #tpu.memory_space<hbm>>
      %dma_start3A_17 = tpu.memref_slice %arg4[%mul3A_2] : memref<2048xi32, #tpu.memory_space<hbm>> -> memref<64xi32, #tpu.memory_space<hbm>>
      tpu.enqueue_dma source(%dma_start3A_17 : memref<64xi32, #tpu.memory_space<hbm>>) target(%arg7 : memref<64xi32, #tpu.memory_space<vmem>>) target_semaphore(%run_scoped3A : memref<!tpu.dma_semaphore, #tpu.memory_space<semaphore_mem>>)
      %dma_wait3A_18 = tpu.memref_slice %arg4[%mul3A_2] : memref<2048xi32, #tpu.memory_space<hbm>> -> memref<64xi32, #tpu.memory_space<hbm>>
      %dma_wait3A_19 = tpu.memref_slice %arg4[%mul3A_2] : memref<2048xi32, #tpu.memory_space<hbm>> -> memref<64xi32, #tpu.memory_space<hbm>>
      tpu.wait_dma2 semaphore(%run_scoped3A : memref<!tpu.dma_semaphore, #tpu.memory_space<semaphore_mem>>) src(%dma_wait3A_19 : memref<64xi32, #tpu.memory_space<hbm>>) dst(%arg7 : memref<64xi32, #tpu.memory_space<vmem>>)
      tpu.yield
    }) : () -> ()
    %dma_start3A = arith.constant 0 : i32
    %dma_start3A_3 = arith.constant 0 : i32
    %dma_start3A_4 = tpu.memref_slice %arg2[%dma_start3A, %dma_start3A_3] : memref<10240x128xf32, #tpu.memory_space<hbm>> -> memref<10240x128xf32, #tpu.memory_space<hbm>>
    tpu.enqueue_indirect_dma source(%dma_start3A_4 : memref<10240x128xf32, #tpu.memory_space<hbm>>) target(%arg8 : memref<64x128xf32, #tpu.memory_space<vmem>>) offsets(%arg7 : memref<64xi32, #tpu.memory_space<vmem>>) semaphore(%arg11 : memref<!tpu.dma_semaphore, #tpu.memory_space<semaphore_mem>>)
    %dma_wait3A = arith.constant 0 : i32
    %dma_wait3A_5 = arith.constant 0 : i32
    %dma_wait3A_6 = tpu.memref_slice %arg2[%dma_wait3A, %dma_wait3A_5] : memref<10240x128xf32, #tpu.memory_space<hbm>> -> memref<10240x128xf32, #tpu.memory_space<hbm>>
    tpu.wait_indirect_dma semaphore(%arg11 : memref<!tpu.dma_semaphore, #tpu.memory_space<semaphore_mem>>) src(%dma_wait3A_6 : memref<10240x128xf32, #tpu.memory_space<hbm>>) dst(%arg8 : memref<64x128xf32, #tpu.memory_space<vmem>>)
    %mul3A_7 = arith.constant 64 : i32
    %mul3A_8 = arith.muli %add3A, %mul3A_7 : i32
    "tpu.region"() ({
      %run_scoped3A = tpu.sem_alloc : memref<!tpu.dma_semaphore, #tpu.memory_space<semaphore_mem>>
      %dma_start3A_16 = arith.constant 0 : i32
      %dma_start3A_17 = tpu.memref_slice %arg5[%mul3A_8, %dma_start3A_16] : memref<2048x128xf32, #tpu.memory_space<hbm>> -> memref<64x128xf32, #tpu.memory_space<hbm>>
      %dma_start3A_18 = arith.constant 0 : i32
      %dma_start3A_19 = tpu.memref_slice %arg5[%mul3A_8, %dma_start3A_18] : memref<2048x128xf32, #tpu.memory_space<hbm>> -> memref<64x128xf32, #tpu.memory_space<hbm>>
      tpu.enqueue_dma source(%arg8 : memref<64x128xf32, #tpu.memory_space<vmem>>) target(%dma_start3A_19 : memref<64x128xf32, #tpu.memory_space<hbm>>) target_semaphore(%run_scoped3A : memref<!tpu.dma_semaphore, #tpu.memory_space<semaphore_mem>>)
      %dma_wait3A_20 = arith.constant 0 : i32
      %dma_wait3A_21 = tpu.memref_slice %arg5[%mul3A_8, %dma_wait3A_20] : memref<2048x128xf32, #tpu.memory_space<hbm>> -> memref<64x128xf32, #tpu.memory_space<hbm>>
      %dma_wait3A_22 = arith.constant 0 : i32
      %dma_wait3A_23 = tpu.memref_slice %arg5[%mul3A_8, %dma_wait3A_22] : memref<2048x128xf32, #tpu.memory_space<hbm>> -> memref<64x128xf32, #tpu.memory_space<hbm>>
      tpu.wait_dma2 semaphore(%run_scoped3A : memref<!tpu.dma_semaphore, #tpu.memory_space<semaphore_mem>>) src(%arg8 : memref<64x128xf32, #tpu.memory_space<vmem>>) dst(%dma_wait3A_23 : memref<64x128xf32, #tpu.memory_space<hbm>>)
      tpu.yield
    }) : () -> ()
    "tpu.region"() ({
      %run_scoped3A = tpu.sem_alloc : memref<!tpu.dma_semaphore, #tpu.memory_space<semaphore_mem>>
      tpu.enqueue_dma source(%arg3 : memref<10240xi32, #tpu.memory_space<hbm>>) target(%arg9 : memref<10240xi32, #tpu.memory_space<vmem>>) target_semaphore(%run_scoped3A : memref<!tpu.dma_semaphore, #tpu.memory_space<semaphore_mem>>)
      tpu.wait_dma2 semaphore(%run_scoped3A : memref<!tpu.dma_semaphore, #tpu.memory_space<semaphore_mem>>) src(%arg3 : memref<10240xi32, #tpu.memory_space<hbm>>) dst(%arg9 : memref<10240xi32, #tpu.memory_space<vmem>>)
      tpu.yield
    }) : () -> ()
    %scan3A = arith.constant 0 : i32
    %scan3A_9 = arith.constant 0 : i32
    %scan3A_10 = arith.constant 4 : i32
    %scan3A_11 = arith.addi %scan3A_9, %scan3A_10 : i32
    %scan3A_12 = arith.constant 1 : i32
    scf.for %scan3A_16 = %scan3A_9 to %scan3A_11 step %scan3A_12  : i32 {
      %mul3A_17 = arith.constant 16 : i32
      %mul3A_18 = arith.muli %scan3A_16, %mul3A_17 : i32
      %get3A = arith.index_cast %mul3A_18 : i32 to index
      %get3A_19 = tpu.vector_load %arg7[%get3A] {strides = array<i32>} : memref<64xi32, #tpu.memory_space<vmem>>, vector<16xi32>,
      %gather3A = tpu.vector_load_idx %arg9[%get3A_19] : memref<10240xi32, #tpu.memory_space<vmem>>[vector<16xi32>], vector<16xi32>,
      %mul3A_20 = arith.constant 16 : i32
      %mul3A_21 = arith.muli %scan3A_16, %mul3A_20 : i32
      %swap3A = arith.index_cast %mul3A_21 : i32 to index
      %swap3A_22 = tpu.vector_load %arg10[%swap3A] {strides = array<i32>} : memref<64xi32, #tpu.memory_space<vmem>>, vector<16xi32>,
      tpu.vector_store %arg10[%swap3A], %gather3A {strides = array<i32>} : memref<64xi32, #tpu.memory_space<vmem>>, vector<16xi32>,
    }
    %scan3A_13 = arith.constant 4 : i32
    %mul3A_14 = arith.constant 64 : i32
    %mul3A_15 = arith.muli %add3A, %mul3A_14 : i32
    "tpu.region"() ({
      %run_scoped3A = tpu.sem_alloc : memref<!tpu.dma_semaphore, #tpu.memory_space<semaphore_mem>>
      %dma_start3A_16 = tpu.memref_slice %arg6[%mul3A_15] : memref<2048xi32, #tpu.memory_space<hbm>> -> memref<64xi32, #tpu.memory_space<hbm>>
      %dma_start3A_17 = tpu.memref_slice %arg6[%mul3A_15] : memref<2048xi32, #tpu.memory_space<hbm>> -> memref<64xi32, #tpu.memory_space<hbm>>
      tpu.enqueue_dma source(%arg10 : memref<64xi32, #tpu.memory_space<vmem>>) target(%dma_start3A_17 : memref<64xi32, #tpu.memory_space<hbm>>) target_semaphore(%run_scoped3A : memref<!tpu.dma_semaphore, #tpu.memory_space<semaphore_mem>>)
      %dma_wait3A_18 = tpu.memref_slice %arg6[%mul3A_15] : memref<2048xi32, #tpu.memory_space<hbm>> -> memref<64xi32, #tpu.memory_space<hbm>>
      %dma_wait3A_19 = tpu.memref_slice %arg6[%mul3A_15] : memref<2048xi32, #tpu.memory_space<hbm>> -> memref<64xi32, #tpu.memory_space<hbm>>
      tpu.wait_dma2 semaphore(%run_scoped3A : memref<!tpu.dma_semaphore, #tpu.memory_space<semaphore_mem>>) src(%arg10 : memref<64xi32, #tpu.memory_space<vmem>>) dst(%dma_wait3A_19 : memref<64xi32, #tpu.memory_space<hbm>>)
      tpu.yield
    }) : () -> ()
    return
  }
}

#map = affine_map<(d0, d1) -> (0, 0)>
#map1 = affine_map<(d0, d1) -> (0, 0, 0)>
module attributes {stable_mosaic.version = 14 : i64} {
  func.func @sc_segsum(%arg0: i32, %arg1: i32, %arg2: memref<10240x128xf32, #tpu.memory_space<hbm>>, %arg3: memref<2560x128xi32, #tpu.memory_space<hbm>>, %arg4: memref<2560x128xi32, #tpu.memory_space<hbm>>, %arg5: memref<32x16xi32, #tpu.memory_space<hbm>>, %arg6: memref<10240x128xf32, #tpu.memory_space<hbm>>, %arg7: memref<2x10240x128xf32, #tpu.memory_space<hbm>>, %arg8: memref<8x128xi32, #tpu.memory_space<vmem>>, %arg9: memref<8x128xi32, #tpu.memory_space<vmem>>, %arg10: memref<16xi32, #tpu.memory_space<vmem>>, %arg11: memref<10240x128xf32, #tpu.memory_space<vmem_shared>>, %arg12: memref<128x128xf32, #tpu.memory_space<vmem>>, %arg13: memref<128x128xf32, #tpu.memory_space<vmem>>, %arg14: memref<!tpu.dma_semaphore, #tpu.memory_space<semaphore_mem>>, %arg15: memref<!tpu.dma_semaphore, #tpu.memory_space<semaphore_mem>>) attributes {dimension_semantics = [#tpu.dimension_semantics<core_parallel>, #tpu.dimension_semantics<subcore_parallel>], iteration_bounds = array<i64: 2, 16>, scalar_prefetch = 0 : i64, scratch_operands = 8 : i64, tpu.core_type = #tpu.core_type<sc_vector_subcore>, window_params = [{transform_indices = #map}, {transform_indices = #map}, {transform_indices = #map}, {transform_indices = #map}, {transform_indices = #map}, {transform_indices = #map1}]} {
    %mul3A = arith.constant 2 : i32
    %mul3A_0 = arith.muli %arg1, %mul3A : i32
    %add3A = arith.addi %mul3A_0, %arg0 : i32
    %mul3A_1 = arith.constant 640 : i32
    %mul3A_2 = arith.muli %arg1, %mul3A_1 : i32
    %mul3A_3 = arith.constant 640 : i32
    %mul3A_4 = arith.muli %arg1, %mul3A_3 : i32
    "tpu.region"() ({
      %run_scoped3A = tpu.sem_alloc : memref<!tpu.dma_semaphore, #tpu.memory_space<semaphore_mem>>
      %dma_start3A = arith.constant 0 : i32
      %dma_start3A_50 = tpu.memref_slice %arg11[%mul3A_4, %dma_start3A] : memref<10240x128xf32, #tpu.memory_space<vmem_shared>> -> memref<640x128xf32, #tpu.memory_space<vmem_shared>>
      %dma_start3A_51 = arith.constant 0 : i32
      %dma_start3A_52 = tpu.memref_slice %arg6[%mul3A_2, %dma_start3A_51] : memref<10240x128xf32, #tpu.memory_space<hbm>> -> memref<640x128xf32, #tpu.memory_space<hbm>>
      tpu.enqueue_dma source(%dma_start3A_52 : memref<640x128xf32, #tpu.memory_space<hbm>>) target(%dma_start3A_50 : memref<640x128xf32, #tpu.memory_space<vmem_shared>>) target_semaphore(%run_scoped3A : memref<!tpu.dma_semaphore, #tpu.memory_space<semaphore_mem>>)
      %dma_wait3A = arith.constant 0 : i32
      %dma_wait3A_53 = tpu.memref_slice %arg11[%mul3A_4, %dma_wait3A] : memref<10240x128xf32, #tpu.memory_space<vmem_shared>> -> memref<640x128xf32, #tpu.memory_space<vmem_shared>>
      %dma_wait3A_54 = arith.constant 0 : i32
      %dma_wait3A_55 = tpu.memref_slice %arg6[%mul3A_2, %dma_wait3A_54] : memref<10240x128xf32, #tpu.memory_space<hbm>> -> memref<640x128xf32, #tpu.memory_space<hbm>>
      tpu.wait_dma2 semaphore(%run_scoped3A : memref<!tpu.dma_semaphore, #tpu.memory_space<semaphore_mem>>) src(%dma_wait3A_55 : memref<640x128xf32, #tpu.memory_space<hbm>>) dst(%dma_wait3A_53 : memref<640x128xf32, #tpu.memory_space<vmem_shared>>)
      tpu.yield
    }) : () -> ()
    %barrier3A = arith.constant 0 : index
    tpu.barrier barrier_id(%barrier3A)
    %broadcast_in_dim3A = arith.constant 1.000000e+00 : f32
    %broadcast_in_dim3A_5 = vector.broadcast %broadcast_in_dim3A : f32 to vector<16xf32>
    "tpu.region"() ({
      %run_scoped3A = tpu.sem_alloc : memref<!tpu.dma_semaphore, #tpu.memory_space<semaphore_mem>>
      %dma_start3A = arith.constant 0 : i32
      %dma_start3A_50 = tpu.memref_slice %arg5[%add3A, %dma_start3A] : memref<32x16xi32, #tpu.memory_space<hbm>> -> memref<1x16xi32, #tpu.memory_space<hbm>>
      %dma_start3A_51 = tpu.memref_squeeze %dma_start3A_50 : memref<1x16xi32, #tpu.memory_space<hbm>> -> memref<16xi32, #tpu.memory_space<hbm>>
      %dma_start3A_52 = arith.constant 0 : i32
      %dma_start3A_53 = tpu.memref_slice %arg5[%add3A, %dma_start3A_52] : memref<32x16xi32, #tpu.memory_space<hbm>> -> memref<1x16xi32, #tpu.memory_space<hbm>>
      %dma_start3A_54 = tpu.memref_squeeze %dma_start3A_53 : memref<1x16xi32, #tpu.memory_space<hbm>> -> memref<16xi32, #tpu.memory_space<hbm>>
      tpu.enqueue_dma source(%dma_start3A_54 : memref<16xi32, #tpu.memory_space<hbm>>) target(%arg10 : memref<16xi32, #tpu.memory_space<vmem>>) target_semaphore(%run_scoped3A : memref<!tpu.dma_semaphore, #tpu.memory_space<semaphore_mem>>)
      %dma_wait3A = arith.constant 0 : i32
      %dma_wait3A_55 = tpu.memref_slice %arg5[%add3A, %dma_wait3A] : memref<32x16xi32, #tpu.memory_space<hbm>> -> memref<1x16xi32, #tpu.memory_space<hbm>>
      %dma_wait3A_56 = tpu.memref_squeeze %dma_wait3A_55 : memref<1x16xi32, #tpu.memory_space<hbm>> -> memref<16xi32, #tpu.memory_space<hbm>>
      %dma_wait3A_57 = arith.constant 0 : i32
      %dma_wait3A_58 = tpu.memref_slice %arg5[%add3A, %dma_wait3A_57] : memref<32x16xi32, #tpu.memory_space<hbm>> -> memref<1x16xi32, #tpu.memory_space<hbm>>
      %dma_wait3A_59 = tpu.memref_squeeze %dma_wait3A_58 : memref<1x16xi32, #tpu.memory_space<hbm>> -> memref<16xi32, #tpu.memory_space<hbm>>
      tpu.wait_dma2 semaphore(%run_scoped3A : memref<!tpu.dma_semaphore, #tpu.memory_space<semaphore_mem>>) src(%dma_wait3A_59 : memref<16xi32, #tpu.memory_space<hbm>>) dst(%arg10 : memref<16xi32, #tpu.memory_space<vmem>>)
      tpu.yield
    }) : () -> ()
    %get3A = arith.constant 0 : index
    %get3A_6 = tpu.vector_load %arg10[%get3A] {strides = array<i32>} : memref<16xi32, #tpu.memory_space<vmem>>, vector<16xi32>,
    %reduce_max3A = arith.constant true
    %reduce_max3A_7 = vector.broadcast %reduce_max3A : i1 to vector<16xi1>
    %reduce_max3A_8 = arith.constant -2147483648 : i32
    %reduce_max3A_9 = vector.broadcast %reduce_max3A_8 : i32 to vector<16xi32>
    %reduce_max3A_10 = arith.xori %get3A_6, %reduce_max3A_9 : vector<16xi32>
    %reduce_max3A_11 = tpu.scan <max>, %reduce_max3A_10 masked %reduce_max3A_7 : vector<16xi32>, vector<16xi1> -> vector<16xi32>
    %reduce_max3A_12 = arith.xori %reduce_max3A_11, %reduce_max3A_9 : vector<16xi32>
    %reduce_max3A_13 = vector.extract %reduce_max3A_12[15] : i32 from vector<16xi32>
    %add3A_14 = arith.constant 1024 : i32
    %add3A_15 = arith.addi %reduce_max3A_13, %add3A_14 : i32
    %sub3A = arith.constant 1 : i32
    %sub3A_16 = arith.subi %add3A_15, %sub3A : i32
    %jit3A = arith.constant 1024 : i32
    %div3A = arith.divsi %sub3A_16, %jit3A : i32
    %sign3A = arith.constant 0 : i32
    %sign3A_17 = arith.cmpi sgt, %sub3A_16, %sign3A : i32
    %sign3A_18 = arith.extui %sign3A_17 : i1 to i32
    %sign3A_19 = arith.constant 0 : i32
    %sign3A_20 = arith.cmpi slt, %sub3A_16, %sign3A_19 : i32
    %sign3A_21 = arith.extui %sign3A_20 : i1 to i32
    %sign3A_22 = arith.subi %sign3A_18, %sign3A_21 : i32
    %sign3A_23 = arith.constant 0 : i32
    %sign3A_24 = arith.cmpi sgt, %jit3A, %sign3A_23 : i32
    %sign3A_25 = arith.extui %sign3A_24 : i1 to i32
    %sign3A_26 = arith.constant 0 : i32
    %sign3A_27 = arith.cmpi slt, %jit3A, %sign3A_26 : i32
    %sign3A_28 = arith.extui %sign3A_27 : i1 to i32
    %sign3A_29 = arith.subi %sign3A_25, %sign3A_28 : i32
    %ne3A = arith.cmpi ne, %sign3A_22, %sign3A_29 : i32
    %rem3A = arith.remsi %sub3A_16, %jit3A : i32
    %ne3A_30 = arith.constant 0 : i32
    %ne3A_31 = arith.cmpi ne, %rem3A, %ne3A_30 : i32
    %and3A = arith.andi %ne3A, %ne3A_31 : i1
    %sub3A_32 = arith.constant 1 : i32
    %sub3A_33 = arith.subi %div3A, %sub3A_32 : i32
    %select_n3A = arith.select %and3A, %sub3A_33, %div3A : i32
    %mul3A_34 = arith.constant 10 : i32
    %mul3A_35 = arith.muli %add3A, %mul3A_34 : i32
    %while3A = arith.constant 0 : i32
    %while3A_36 = arith.constant 0 : i32
    %while3A_37 = arith.subi %select_n3A, %while3A_36 : i32
    %while3A_38 = arith.addi %while3A_36, %while3A_37 : i32
    %while3A_39 = arith.constant 1 : i32
    %while3A_40 = arith.divsi %while3A_37, %while3A_39 : i32
    %while3A_41 = arith.muli %while3A_40, %while3A_39 : i32
    %while3A_42 = arith.addi %while3A_36, %while3A_41 : i32
    %while3A_43 = arith.constant 1 : i32
    scf.for %while3A_50 = %while3A_36 to %while3A_42 step %while3A_43  : i32 {
      %add3A_51 = arith.addi %mul3A_35, %while3A_50 : i32
      %mul3A_52 = arith.constant 8 : i32
      %mul3A_53 = arith.muli %add3A_51, %mul3A_52 : i32
      "tpu.region"() ({
        %run_scoped3A_86 = tpu.sem_alloc : memref<!tpu.dma_semaphore, #tpu.memory_space<semaphore_mem>>
        %dma_start3A_87 = arith.constant 0 : i32
        %dma_start3A_88 = tpu.memref_slice %arg3[%mul3A_53, %dma_start3A_87] : memref<2560x128xi32, #tpu.memory_space<hbm>> -> memref<8x128xi32, #tpu.memory_space<hbm>>
        %dma_start3A_89 = arith.constant 0 : i32
        %dma_start3A_90 = tpu.memref_slice %arg3[%mul3A_53, %dma_start3A_89] : memref<2560x128xi32, #tpu.memory_space<hbm>> -> memref<8x128xi32, #tpu.memory_space<hbm>>
        tpu.enqueue_dma source(%dma_start3A_90 : memref<8x128xi32, #tpu.memory_space<hbm>>) target(%arg8 : memref<8x128xi32, #tpu.memory_space<vmem>>) target_semaphore(%run_scoped3A_86 : memref<!tpu.dma_semaphore, #tpu.memory_space<semaphore_mem>>)
        %dma_wait3A_91 = arith.constant 0 : i32
        %dma_wait3A_92 = tpu.memref_slice %arg3[%mul3A_53, %dma_wait3A_91] : memref<2560x128xi32, #tpu.memory_space<hbm>> -> memref<8x128xi32, #tpu.memory_space<hbm>>
        %dma_wait3A_93 = arith.constant 0 : i32
        %dma_wait3A_94 = tpu.memref_slice %arg3[%mul3A_53, %dma_wait3A_93] : memref<2560x128xi32, #tpu.memory_space<hbm>> -> memref<8x128xi32, #tpu.memory_space<hbm>>
        tpu.wait_dma2 semaphore(%run_scoped3A_86 : memref<!tpu.dma_semaphore, #tpu.memory_space<semaphore_mem>>) src(%dma_wait3A_94 : memref<8x128xi32, #tpu.memory_space<hbm>>) dst(%arg8 : memref<8x128xi32, #tpu.memory_space<vmem>>)
        tpu.yield
      }) : () -> ()
      "tpu.region"() ({
        %run_scoped3A_86 = tpu.sem_alloc : memref<!tpu.dma_semaphore, #tpu.memory_space<semaphore_mem>>
        %dma_start3A_87 = arith.constant 0 : i32
        %dma_start3A_88 = tpu.memref_slice %arg4[%mul3A_53, %dma_start3A_87] : memref<2560x128xi32, #tpu.memory_space<hbm>> -> memref<8x128xi32, #tpu.memory_space<hbm>>
        %dma_start3A_89 = arith.constant 0 : i32
        %dma_start3A_90 = tpu.memref_slice %arg4[%mul3A_53, %dma_start3A_89] : memref<2560x128xi32, #tpu.memory_space<hbm>> -> memref<8x128xi32, #tpu.memory_space<hbm>>
        tpu.enqueue_dma source(%dma_start3A_90 : memref<8x128xi32, #tpu.memory_space<hbm>>) target(%arg9 : memref<8x128xi32, #tpu.memory_space<vmem>>) target_semaphore(%run_scoped3A_86 : memref<!tpu.dma_semaphore, #tpu.memory_space<semaphore_mem>>)
        %dma_wait3A_91 = arith.constant 0 : i32
        %dma_wait3A_92 = tpu.memref_slice %arg4[%mul3A_53, %dma_wait3A_91] : memref<2560x128xi32, #tpu.memory_space<hbm>> -> memref<8x128xi32, #tpu.memory_space<hbm>>
        %dma_wait3A_93 = arith.constant 0 : i32
        %dma_wait3A_94 = tpu.memref_slice %arg4[%mul3A_53, %dma_wait3A_93] : memref<2560x128xi32, #tpu.memory_space<hbm>> -> memref<8x128xi32, #tpu.memory_space<hbm>>
        tpu.wait_dma2 semaphore(%run_scoped3A_86 : memref<!tpu.dma_semaphore, #tpu.memory_space<semaphore_mem>>) src(%dma_wait3A_94 : memref<8x128xi32, #tpu.memory_space<hbm>>) dst(%arg9 : memref<8x128xi32, #tpu.memory_space<vmem>>)
        tpu.yield
      }) : () -> ()
      %dma_start3A = arith.constant 0 : i32
      %dma_start3A_54 = arith.constant 0 : i32
      %dma_start3A_55 = tpu.memref_slice %arg8[%dma_start3A, %dma_start3A_54] : memref<8x128xi32, #tpu.memory_space<vmem>> -> memref<1x128xi32, #tpu.memory_space<vmem>>
      %dma_start3A_56 = tpu.memref_squeeze %dma_start3A_55 : memref<1x128xi32, #tpu.memory_space<vmem>> -> memref<128xi32, #tpu.memory_space<vmem>>
      %dma_start3A_57 = arith.constant 0 : i32
      %dma_start3A_58 = arith.constant 0 : i32
      %dma_start3A_59 = tpu.memref_slice %arg2[%dma_start3A_57, %dma_start3A_58] : memref<10240x128xf32, #tpu.memory_space<hbm>> -> memref<10240x128xf32, #tpu.memory_space<hbm>>
      tpu.enqueue_indirect_dma source(%dma_start3A_59 : memref<10240x128xf32, #tpu.memory_space<hbm>>) target(%arg12 : memref<128x128xf32, #tpu.memory_space<vmem>>) offsets(%dma_start3A_56 : memref<128xi32, #tpu.memory_space<vmem>>) semaphore(%arg14 : memref<!tpu.dma_semaphore, #tpu.memory_space<semaphore_mem>>)
      %scan3A = arith.constant 0 : i32
      %scan3A_60 = arith.constant 0 : i32
      %scan3A_61 = arith.constant 3 : i32
      %scan3A_62 = arith.addi %scan3A_60, %scan3A_61 : i32
      %scan3A_63 = arith.constant 1 : i32
      scf.for %scan3A_86 = %scan3A_60 to %scan3A_62 step %scan3A_63  : i32 {
        %mul3A_87 = arith.constant 2 : i32
        %mul3A_88 = arith.muli %scan3A_86, %mul3A_87 : i32
        %add3A_89 = arith.constant 0 : i32
        %add3A_90 = arith.addi %mul3A_88, %add3A_89 : i32
        %dma_wait3A_91 = arith.constant 0 : i32
        %dma_wait3A_92 = tpu.memref_slice %arg8[%add3A_90, %dma_wait3A_91] : memref<8x128xi32, #tpu.memory_space<vmem>> -> memref<1x128xi32, #tpu.memory_space<vmem>>
        %dma_wait3A_93 = tpu.memref_squeeze %dma_wait3A_92 : memref<1x128xi32, #tpu.memory_space<vmem>> -> memref<128xi32, #tpu.memory_space<vmem>>
        %dma_wait3A_94 = arith.constant 0 : i32
        %dma_wait3A_95 = arith.constant 0 : i32
        %dma_wait3A_96 = tpu.memref_slice %arg2[%dma_wait3A_94, %dma_wait3A_95] : memref<10240x128xf32, #tpu.memory_space<hbm>> -> memref<10240x128xf32, #tpu.memory_space<hbm>>
        tpu.wait_indirect_dma semaphore(%arg14 : memref<!tpu.dma_semaphore, #tpu.memory_space<semaphore_mem>>) src(%dma_wait3A_96 : memref<10240x128xf32, #tpu.memory_space<hbm>>) dst(%arg12 : memref<128x128xf32, #tpu.memory_space<vmem>>)
        %add3A_97 = arith.constant 1 : i32
        %add3A_98 = arith.addi %add3A_90, %add3A_97 : i32
        %dma_start3A_99 = arith.constant 0 : i32
        %dma_start3A_100 = tpu.memref_slice %arg8[%add3A_98, %dma_start3A_99] : memref<8x128xi32, #tpu.memory_space<vmem>> -> memref<1x128xi32, #tpu.memory_space<vmem>>
        %dma_start3A_101 = tpu.memref_squeeze %dma_start3A_100 : memref<1x128xi32, #tpu.memory_space<vmem>> -> memref<128xi32, #tpu.memory_space<vmem>>
        %dma_start3A_102 = arith.constant 0 : i32
        %dma_start3A_103 = arith.constant 0 : i32
        %dma_start3A_104 = tpu.memref_slice %arg2[%dma_start3A_102, %dma_start3A_103] : memref<10240x128xf32, #tpu.memory_space<hbm>> -> memref<10240x128xf32, #tpu.memory_space<hbm>>
        tpu.enqueue_indirect_dma source(%dma_start3A_104 : memref<10240x128xf32, #tpu.memory_space<hbm>>) target(%arg13 : memref<128x128xf32, #tpu.memory_space<vmem>>) offsets(%dma_start3A_101 : memref<128xi32, #tpu.memory_space<vmem>>) semaphore(%arg15 : memref<!tpu.dma_semaphore, #tpu.memory_space<semaphore_mem>>)
        "tpu.region"() ({
          %run_scoped3A_123 = tpu.sem_alloc : memref<!tpu.dma_semaphore, #tpu.memory_space<semaphore_mem>>
          %dma_start3A_124 = arith.constant 0 : i32
          %dma_start3A_125 = tpu.memref_slice %arg9[%add3A_90, %dma_start3A_124] : memref<8x128xi32, #tpu.memory_space<vmem>> -> memref<1x128xi32, #tpu.memory_space<vmem>>
          %dma_start3A_126 = tpu.memref_squeeze %dma_start3A_125 : memref<1x128xi32, #tpu.memory_space<vmem>> -> memref<128xi32, #tpu.memory_space<vmem>>
          %dma_start3A_127 = arith.constant 0 : i32
          %dma_start3A_128 = arith.constant 0 : i32
          %dma_start3A_129 = tpu.memref_slice %arg11[%dma_start3A_127, %dma_start3A_128] : memref<10240x128xf32, #tpu.memory_space<vmem_shared>> -> memref<10240x128xf32, #tpu.memory_space<vmem_shared>>
          tpu.enqueue_indirect_dma source(%arg12 : memref<128x128xf32, #tpu.memory_space<vmem>>) target(%dma_start3A_129 : memref<10240x128xf32, #tpu.memory_space<vmem_shared>>) offsets(%dma_start3A_126 : memref<128xi32, #tpu.memory_space<vmem>>) semaphore(%run_scoped3A_123 : memref<!tpu.dma_semaphore, #tpu.memory_space<semaphore_mem>>) {add = true}
          %dma_wait3A_130 = arith.constant 0 : i32
          %dma_wait3A_131 = tpu.memref_slice %arg9[%add3A_90, %dma_wait3A_130] : memref<8x128xi32, #tpu.memory_space<vmem>> -> memref<1x128xi32, #tpu.memory_space<vmem>>
          %dma_wait3A_132 = tpu.memref_squeeze %dma_wait3A_131 : memref<1x128xi32, #tpu.memory_space<vmem>> -> memref<128xi32, #tpu.memory_space<vmem>>
          %dma_wait3A_133 = arith.constant 0 : i32
          %dma_wait3A_134 = arith.constant 0 : i32
          %dma_wait3A_135 = tpu.memref_slice %arg11[%dma_wait3A_133, %dma_wait3A_134] : memref<10240x128xf32, #tpu.memory_space<vmem_shared>> -> memref<10240x128xf32, #tpu.memory_space<vmem_shared>>
          tpu.wait_indirect_dma semaphore(%run_scoped3A_123 : memref<!tpu.dma_semaphore, #tpu.memory_space<semaphore_mem>>) src(%arg12 : memref<128x128xf32, #tpu.memory_space<vmem>>) dst(%dma_wait3A_135 : memref<10240x128xf32, #tpu.memory_space<vmem_shared>>)
          tpu.yield
        }) : () -> ()
        %mul3A_105 = arith.constant 2 : i32
        %mul3A_106 = arith.muli %scan3A_86, %mul3A_105 : i32
        %add3A_107 = arith.constant 1 : i32
        %add3A_108 = arith.addi %mul3A_106, %add3A_107 : i32
        %dma_wait3A_109 = arith.constant 0 : i32
        %dma_wait3A_110 = tpu.memref_slice %arg8[%add3A_108, %dma_wait3A_109] : memref<8x128xi32, #tpu.memory_space<vmem>> -> memref<1x128xi32, #tpu.memory_space<vmem>>
        %dma_wait3A_111 = tpu.memref_squeeze %dma_wait3A_110 : memref<1x128xi32, #tpu.memory_space<vmem>> -> memref<128xi32, #tpu.memory_space<vmem>>
        %dma_wait3A_112 = arith.constant 0 : i32
        %dma_wait3A_113 = arith.constant 0 : i32
        %dma_wait3A_114 = tpu.memref_slice %arg2[%dma_wait3A_112, %dma_wait3A_113] : memref<10240x128xf32, #tpu.memory_space<hbm>> -> memref<10240x128xf32, #tpu.memory_space<hbm>>
        tpu.wait_indirect_dma semaphore(%arg15 : memref<!tpu.dma_semaphore, #tpu.memory_space<semaphore_mem>>) src(%dma_wait3A_114 : memref<10240x128xf32, #tpu.memory_space<hbm>>) dst(%arg13 : memref<128x128xf32, #tpu.memory_space<vmem>>)
        %add3A_115 = arith.constant 1 : i32
        %add3A_116 = arith.addi %add3A_108, %add3A_115 : i32
        %dma_start3A_117 = arith.constant 0 : i32
        %dma_start3A_118 = tpu.memref_slice %arg8[%add3A_116, %dma_start3A_117] : memref<8x128xi32, #tpu.memory_space<vmem>> -> memref<1x128xi32, #tpu.memory_space<vmem>>
        %dma_start3A_119 = tpu.memref_squeeze %dma_start3A_118 : memref<1x128xi32, #tpu.memory_space<vmem>> -> memref<128xi32, #tpu.memory_space<vmem>>
        %dma_start3A_120 = arith.constant 0 : i32
        %dma_start3A_121 = arith.constant 0 : i32
        %dma_start3A_122 = tpu.memref_slice %arg2[%dma_start3A_120, %dma_start3A_121] : memref<10240x128xf32, #tpu.memory_space<hbm>> -> memref<10240x128xf32, #tpu.memory_space<hbm>>
        tpu.enqueue_indirect_dma source(%dma_start3A_122 : memref<10240x128xf32, #tpu.memory_space<hbm>>) target(%arg12 : memref<128x128xf32, #tpu.memory_space<vmem>>) offsets(%dma_start3A_119 : memref<128xi32, #tpu.memory_space<vmem>>) semaphore(%arg14 : memref<!tpu.dma_semaphore, #tpu.memory_space<semaphore_mem>>)
        "tpu.region"() ({
          %run_scoped3A_123 = tpu.sem_alloc : memref<!tpu.dma_semaphore, #tpu.memory_space<semaphore_mem>>
          %dma_start3A_124 = arith.constant 0 : i32
          %dma_start3A_125 = tpu.memref_slice %arg9[%add3A_108, %dma_start3A_124] : memref<8x128xi32, #tpu.memory_space<vmem>> -> memref<1x128xi32, #tpu.memory_space<vmem>>
          %dma_start3A_126 = tpu.memref_squeeze %dma_start3A_125 : memref<1x128xi32, #tpu.memory_space<vmem>> -> memref<128xi32, #tpu.memory_space<vmem>>
          %dma_start3A_127 = arith.constant 0 : i32
          %dma_start3A_128 = arith.constant 0 : i32
          %dma_start3A_129 = tpu.memref_slice %arg11[%dma_start3A_127, %dma_start3A_128] : memref<10240x128xf32, #tpu.memory_space<vmem_shared>> -> memref<10240x128xf32, #tpu.memory_space<vmem_shared>>
          tpu.enqueue_indirect_dma source(%arg13 : memref<128x128xf32, #tpu.memory_space<vmem>>) target(%dma_start3A_129 : memref<10240x128xf32, #tpu.memory_space<vmem_shared>>) offsets(%dma_start3A_126 : memref<128xi32, #tpu.memory_space<vmem>>) semaphore(%run_scoped3A_123 : memref<!tpu.dma_semaphore, #tpu.memory_space<semaphore_mem>>) {add = true}
          %dma_wait3A_130 = arith.constant 0 : i32
          %dma_wait3A_131 = tpu.memref_slice %arg9[%add3A_108, %dma_wait3A_130] : memref<8x128xi32, #tpu.memory_space<vmem>> -> memref<1x128xi32, #tpu.memory_space<vmem>>
          %dma_wait3A_132 = tpu.memref_squeeze %dma_wait3A_131 : memref<1x128xi32, #tpu.memory_space<vmem>> -> memref<128xi32, #tpu.memory_space<vmem>>
          %dma_wait3A_133 = arith.constant 0 : i32
          %dma_wait3A_134 = arith.constant 0 : i32
          %dma_wait3A_135 = tpu.memref_slice %arg11[%dma_wait3A_133, %dma_wait3A_134] : memref<10240x128xf32, #tpu.memory_space<vmem_shared>> -> memref<10240x128xf32, #tpu.memory_space<vmem_shared>>
          tpu.wait_indirect_dma semaphore(%run_scoped3A_123 : memref<!tpu.dma_semaphore, #tpu.memory_space<semaphore_mem>>) src(%arg13 : memref<128x128xf32, #tpu.memory_space<vmem>>) dst(%dma_wait3A_135 : memref<10240x128xf32, #tpu.memory_space<vmem_shared>>)
          tpu.yield
        }) : () -> ()
      }
      %scan3A_64 = arith.constant 3 : i32
      %dma_wait3A = arith.constant 6 : i32
      %dma_wait3A_65 = arith.constant 0 : i32
      %dma_wait3A_66 = tpu.memref_slice %arg8[%dma_wait3A, %dma_wait3A_65] : memref<8x128xi32, #tpu.memory_space<vmem>> -> memref<1x128xi32, #tpu.memory_space<vmem>>
      %dma_wait3A_67 = tpu.memref_squeeze %dma_wait3A_66 : memref<1x128xi32, #tpu.memory_space<vmem>> -> memref<128xi32, #tpu.memory_space<vmem>>
      %dma_wait3A_68 = arith.constant 0 : i32
      %dma_wait3A_69 = arith.constant 0 : i32
      %dma_wait3A_70 = tpu.memref_slice %arg2[%dma_wait3A_68, %dma_wait3A_69] : memref<10240x128xf32, #tpu.memory_space<hbm>> -> memref<10240x128xf32, #tpu.memory_space<hbm>>
      tpu.wait_indirect_dma semaphore(%arg14 : memref<!tpu.dma_semaphore, #tpu.memory_space<semaphore_mem>>) src(%dma_wait3A_70 : memref<10240x128xf32, #tpu.memory_space<hbm>>) dst(%arg12 : memref<128x128xf32, #tpu.memory_space<vmem>>)
      %dma_start3A_71 = arith.constant 7 : i32
      %dma_start3A_72 = arith.constant 0 : i32
      %dma_start3A_73 = tpu.memref_slice %arg8[%dma_start3A_71, %dma_start3A_72] : memref<8x128xi32, #tpu.memory_space<vmem>> -> memref<1x128xi32, #tpu.memory_space<vmem>>
      %dma_start3A_74 = tpu.memref_squeeze %dma_start3A_73 : memref<1x128xi32, #tpu.memory_space<vmem>> -> memref<128xi32, #tpu.memory_space<vmem>>
      %dma_start3A_75 = arith.constant 0 : i32
      %dma_start3A_76 = arith.constant 0 : i32
      %dma_start3A_77 = tpu.memref_slice %arg2[%dma_start3A_75, %dma_start3A_76] : memref<10240x128xf32, #tpu.memory_space<hbm>> -> memref<10240x128xf32, #tpu.memory_space<hbm>>
      tpu.enqueue_indirect_dma source(%dma_start3A_77 : memref<10240x128xf32, #tpu.memory_space<hbm>>) target(%arg13 : memref<128x128xf32, #tpu.memory_space<vmem>>) offsets(%dma_start3A_74 : memref<128xi32, #tpu.memory_space<vmem>>) semaphore(%arg15 : memref<!tpu.dma_semaphore, #tpu.memory_space<semaphore_mem>>)
      %run_scoped3A = arith.constant 6 : i32
      "tpu.region"() ({
        %run_scoped3A_86 = tpu.sem_alloc : memref<!tpu.dma_semaphore, #tpu.memory_space<semaphore_mem>>
        %dma_start3A_87 = arith.constant 0 : i32
        %dma_start3A_88 = tpu.memref_slice %arg9[%run_scoped3A, %dma_start3A_87] : memref<8x128xi32, #tpu.memory_space<vmem>> -> memref<1x128xi32, #tpu.memory_space<vmem>>
        %dma_start3A_89 = tpu.memref_squeeze %dma_start3A_88 : memref<1x128xi32, #tpu.memory_space<vmem>> -> memref<128xi32, #tpu.memory_space<vmem>>
        %dma_start3A_90 = arith.constant 0 : i32
        %dma_start3A_91 = arith.constant 0 : i32
        %dma_start3A_92 = tpu.memref_slice %arg11[%dma_start3A_90, %dma_start3A_91] : memref<10240x128xf32, #tpu.memory_space<vmem_shared>> -> memref<10240x128xf32, #tpu.memory_space<vmem_shared>>
        tpu.enqueue_indirect_dma source(%arg12 : memref<128x128xf32, #tpu.memory_space<vmem>>) target(%dma_start3A_92 : memref<10240x128xf32, #tpu.memory_space<vmem_shared>>) offsets(%dma_start3A_89 : memref<128xi32, #tpu.memory_space<vmem>>) semaphore(%run_scoped3A_86 : memref<!tpu.dma_semaphore, #tpu.memory_space<semaphore_mem>>) {add = true}
        %dma_wait3A_93 = arith.constant 0 : i32
        %dma_wait3A_94 = tpu.memref_slice %arg9[%run_scoped3A, %dma_wait3A_93] : memref<8x128xi32, #tpu.memory_space<vmem>> -> memref<1x128xi32, #tpu.memory_space<vmem>>
        %dma_wait3A_95 = tpu.memref_squeeze %dma_wait3A_94 : memref<1x128xi32, #tpu.memory_space<vmem>> -> memref<128xi32, #tpu.memory_space<vmem>>
        %dma_wait3A_96 = arith.constant 0 : i32
        %dma_wait3A_97 = arith.constant 0 : i32
        %dma_wait3A_98 = tpu.memref_slice %arg11[%dma_wait3A_96, %dma_wait3A_97] : memref<10240x128xf32, #tpu.memory_space<vmem_shared>> -> memref<10240x128xf32, #tpu.memory_space<vmem_shared>>
        tpu.wait_indirect_dma semaphore(%run_scoped3A_86 : memref<!tpu.dma_semaphore, #tpu.memory_space<semaphore_mem>>) src(%arg12 : memref<128x128xf32, #tpu.memory_space<vmem>>) dst(%dma_wait3A_98 : memref<10240x128xf32, #tpu.memory_space<vmem_shared>>)
        tpu.yield
      }) : () -> ()
      %dma_wait3A_78 = arith.constant 7 : i32
      %dma_wait3A_79 = arith.constant 0 : i32
      %dma_wait3A_80 = tpu.memref_slice %arg8[%dma_wait3A_78, %dma_wait3A_79] : memref<8x128xi32, #tpu.memory_space<vmem>> -> memref<1x128xi32, #tpu.memory_space<vmem>>
      %dma_wait3A_81 = tpu.memref_squeeze %dma_wait3A_80 : memref<1x128xi32, #tpu.memory_space<vmem>> -> memref<128xi32, #tpu.memory_space<vmem>>
      %dma_wait3A_82 = arith.constant 0 : i32
      %dma_wait3A_83 = arith.constant 0 : i32
      %dma_wait3A_84 = tpu.memref_slice %arg2[%dma_wait3A_82, %dma_wait3A_83] : memref<10240x128xf32, #tpu.memory_space<hbm>> -> memref<10240x128xf32, #tpu.memory_space<hbm>>
      tpu.wait_indirect_dma semaphore(%arg15 : memref<!tpu.dma_semaphore, #tpu.memory_space<semaphore_mem>>) src(%dma_wait3A_84 : memref<10240x128xf32, #tpu.memory_space<hbm>>) dst(%arg13 : memref<128x128xf32, #tpu.memory_space<vmem>>)
      %run_scoped3A_85 = arith.constant 7 : i32
      "tpu.region"() ({
        %run_scoped3A_86 = tpu.sem_alloc : memref<!tpu.dma_semaphore, #tpu.memory_space<semaphore_mem>>
        %dma_start3A_87 = arith.constant 0 : i32
        %dma_start3A_88 = tpu.memref_slice %arg9[%run_scoped3A_85, %dma_start3A_87] : memref<8x128xi32, #tpu.memory_space<vmem>> -> memref<1x128xi32, #tpu.memory_space<vmem>>
        %dma_start3A_89 = tpu.memref_squeeze %dma_start3A_88 : memref<1x128xi32, #tpu.memory_space<vmem>> -> memref<128xi32, #tpu.memory_space<vmem>>
        %dma_start3A_90 = arith.constant 0 : i32
        %dma_start3A_91 = arith.constant 0 : i32
        %dma_start3A_92 = tpu.memref_slice %arg11[%dma_start3A_90, %dma_start3A_91] : memref<10240x128xf32, #tpu.memory_space<vmem_shared>> -> memref<10240x128xf32, #tpu.memory_space<vmem_shared>>
        tpu.enqueue_indirect_dma source(%arg13 : memref<128x128xf32, #tpu.memory_space<vmem>>) target(%dma_start3A_92 : memref<10240x128xf32, #tpu.memory_space<vmem_shared>>) offsets(%dma_start3A_89 : memref<128xi32, #tpu.memory_space<vmem>>) semaphore(%run_scoped3A_86 : memref<!tpu.dma_semaphore, #tpu.memory_space<semaphore_mem>>) {add = true}
        %dma_wait3A_93 = arith.constant 0 : i32
        %dma_wait3A_94 = tpu.memref_slice %arg9[%run_scoped3A_85, %dma_wait3A_93] : memref<8x128xi32, #tpu.memory_space<vmem>> -> memref<1x128xi32, #tpu.memory_space<vmem>>
        %dma_wait3A_95 = tpu.memref_squeeze %dma_wait3A_94 : memref<1x128xi32, #tpu.memory_space<vmem>> -> memref<128xi32, #tpu.memory_space<vmem>>
        %dma_wait3A_96 = arith.constant 0 : i32
        %dma_wait3A_97 = arith.constant 0 : i32
        %dma_wait3A_98 = tpu.memref_slice %arg11[%dma_wait3A_96, %dma_wait3A_97] : memref<10240x128xf32, #tpu.memory_space<vmem_shared>> -> memref<10240x128xf32, #tpu.memory_space<vmem_shared>>
        tpu.wait_indirect_dma semaphore(%run_scoped3A_86 : memref<!tpu.dma_semaphore, #tpu.memory_space<semaphore_mem>>) src(%arg13 : memref<128x128xf32, #tpu.memory_space<vmem>>) dst(%dma_wait3A_98 : memref<10240x128xf32, #tpu.memory_space<vmem_shared>>)
        tpu.yield
      }) : () -> ()
    }
    %while3A_44 = arith.constant 1 : i32
    scf.for %while3A_50 = %while3A_42 to %while3A_38 step %while3A_44  : i32 {
      %add3A_51 = arith.addi %mul3A_35, %while3A_50 : i32
      %mul3A_52 = arith.constant 8 : i32
      %mul3A_53 = arith.muli %add3A_51, %mul3A_52 : i32
      "tpu.region"() ({
        %run_scoped3A_86 = tpu.sem_alloc : memref<!tpu.dma_semaphore, #tpu.memory_space<semaphore_mem>>
        %dma_start3A_87 = arith.constant 0 : i32
        %dma_start3A_88 = tpu.memref_slice %arg3[%mul3A_53, %dma_start3A_87] : memref<2560x128xi32, #tpu.memory_space<hbm>> -> memref<8x128xi32, #tpu.memory_space<hbm>>
        %dma_start3A_89 = arith.constant 0 : i32
        %dma_start3A_90 = tpu.memref_slice %arg3[%mul3A_53, %dma_start3A_89] : memref<2560x128xi32, #tpu.memory_space<hbm>> -> memref<8x128xi32, #tpu.memory_space<hbm>>
        tpu.enqueue_dma source(%dma_start3A_90 : memref<8x128xi32, #tpu.memory_space<hbm>>) target(%arg8 : memref<8x128xi32, #tpu.memory_space<vmem>>) target_semaphore(%run_scoped3A_86 : memref<!tpu.dma_semaphore, #tpu.memory_space<semaphore_mem>>)
        %dma_wait3A_91 = arith.constant 0 : i32
        %dma_wait3A_92 = tpu.memref_slice %arg3[%mul3A_53, %dma_wait3A_91] : memref<2560x128xi32, #tpu.memory_space<hbm>> -> memref<8x128xi32, #tpu.memory_space<hbm>>
        %dma_wait3A_93 = arith.constant 0 : i32
        %dma_wait3A_94 = tpu.memref_slice %arg3[%mul3A_53, %dma_wait3A_93] : memref<2560x128xi32, #tpu.memory_space<hbm>> -> memref<8x128xi32, #tpu.memory_space<hbm>>
        tpu.wait_dma2 semaphore(%run_scoped3A_86 : memref<!tpu.dma_semaphore, #tpu.memory_space<semaphore_mem>>) src(%dma_wait3A_94 : memref<8x128xi32, #tpu.memory_space<hbm>>) dst(%arg8 : memref<8x128xi32, #tpu.memory_space<vmem>>)
        tpu.yield
      }) : () -> ()
      "tpu.region"() ({
        %run_scoped3A_86 = tpu.sem_alloc : memref<!tpu.dma_semaphore, #tpu.memory_space<semaphore_mem>>
        %dma_start3A_87 = arith.constant 0 : i32
        %dma_start3A_88 = tpu.memref_slice %arg4[%mul3A_53, %dma_start3A_87] : memref<2560x128xi32, #tpu.memory_space<hbm>> -> memref<8x128xi32, #tpu.memory_space<hbm>>
        %dma_start3A_89 = arith.constant 0 : i32
        %dma_start3A_90 = tpu.memref_slice %arg4[%mul3A_53, %dma_start3A_89] : memref<2560x128xi32, #tpu.memory_space<hbm>> -> memref<8x128xi32, #tpu.memory_space<hbm>>
        tpu.enqueue_dma source(%dma_start3A_90 : memref<8x128xi32, #tpu.memory_space<hbm>>) target(%arg9 : memref<8x128xi32, #tpu.memory_space<vmem>>) target_semaphore(%run_scoped3A_86 : memref<!tpu.dma_semaphore, #tpu.memory_space<semaphore_mem>>)
        %dma_wait3A_91 = arith.constant 0 : i32
        %dma_wait3A_92 = tpu.memref_slice %arg4[%mul3A_53, %dma_wait3A_91] : memref<2560x128xi32, #tpu.memory_space<hbm>> -> memref<8x128xi32, #tpu.memory_space<hbm>>
        %dma_wait3A_93 = arith.constant 0 : i32
        %dma_wait3A_94 = tpu.memref_slice %arg4[%mul3A_53, %dma_wait3A_93] : memref<2560x128xi32, #tpu.memory_space<hbm>> -> memref<8x128xi32, #tpu.memory_space<hbm>>
        tpu.wait_dma2 semaphore(%run_scoped3A_86 : memref<!tpu.dma_semaphore, #tpu.memory_space<semaphore_mem>>) src(%dma_wait3A_94 : memref<8x128xi32, #tpu.memory_space<hbm>>) dst(%arg9 : memref<8x128xi32, #tpu.memory_space<vmem>>)
        tpu.yield
      }) : () -> ()
      %dma_start3A = arith.constant 0 : i32
      %dma_start3A_54 = arith.constant 0 : i32
      %dma_start3A_55 = tpu.memref_slice %arg8[%dma_start3A, %dma_start3A_54] : memref<8x128xi32, #tpu.memory_space<vmem>> -> memref<1x128xi32, #tpu.memory_space<vmem>>
      %dma_start3A_56 = tpu.memref_squeeze %dma_start3A_55 : memref<1x128xi32, #tpu.memory_space<vmem>> -> memref<128xi32, #tpu.memory_space<vmem>>
      %dma_start3A_57 = arith.constant 0 : i32
      %dma_start3A_58 = arith.constant 0 : i32
      %dma_start3A_59 = tpu.memref_slice %arg2[%dma_start3A_57, %dma_start3A_58] : memref<10240x128xf32, #tpu.memory_space<hbm>> -> memref<10240x128xf32, #tpu.memory_space<hbm>>
      tpu.enqueue_indirect_dma source(%dma_start3A_59 : memref<10240x128xf32, #tpu.memory_space<hbm>>) target(%arg12 : memref<128x128xf32, #tpu.memory_space<vmem>>) offsets(%dma_start3A_56 : memref<128xi32, #tpu.memory_space<vmem>>) semaphore(%arg14 : memref<!tpu.dma_semaphore, #tpu.memory_space<semaphore_mem>>)
      %scan3A = arith.constant 0 : i32
      %scan3A_60 = arith.constant 0 : i32
      %scan3A_61 = arith.constant 3 : i32
      %scan3A_62 = arith.addi %scan3A_60, %scan3A_61 : i32
      %scan3A_63 = arith.constant 1 : i32
      scf.for %scan3A_86 = %scan3A_60 to %scan3A_62 step %scan3A_63  : i32 {
        %mul3A_87 = arith.constant 2 : i32
        %mul3A_88 = arith.muli %scan3A_86, %mul3A_87 : i32
        %add3A_89 = arith.constant 0 : i32
        %add3A_90 = arith.addi %mul3A_88, %add3A_89 : i32
        %dma_wait3A_91 = arith.constant 0 : i32
        %dma_wait3A_92 = tpu.memref_slice %arg8[%add3A_90, %dma_wait3A_91] : memref<8x128xi32, #tpu.memory_space<vmem>> -> memref<1x128xi32, #tpu.memory_space<vmem>>
        %dma_wait3A_93 = tpu.memref_squeeze %dma_wait3A_92 : memref<1x128xi32, #tpu.memory_space<vmem>> -> memref<128xi32, #tpu.memory_space<vmem>>
        %dma_wait3A_94 = arith.constant 0 : i32
        %dma_wait3A_95 = arith.constant 0 : i32
        %dma_wait3A_96 = tpu.memref_slice %arg2[%dma_wait3A_94, %dma_wait3A_95] : memref<10240x128xf32, #tpu.memory_space<hbm>> -> memref<10240x128xf32, #tpu.memory_space<hbm>>
        tpu.wait_indirect_dma semaphore(%arg14 : memref<!tpu.dma_semaphore, #tpu.memory_space<semaphore_mem>>) src(%dma_wait3A_96 : memref<10240x128xf32, #tpu.memory_space<hbm>>) dst(%arg12 : memref<128x128xf32, #tpu.memory_space<vmem>>)
        %add3A_97 = arith.constant 1 : i32
        %add3A_98 = arith.addi %add3A_90, %add3A_97 : i32
        %dma_start3A_99 = arith.constant 0 : i32
        %dma_start3A_100 = tpu.memref_slice %arg8[%add3A_98, %dma_start3A_99] : memref<8x128xi32, #tpu.memory_space<vmem>> -> memref<1x128xi32, #tpu.memory_space<vmem>>
        %dma_start3A_101 = tpu.memref_squeeze %dma_start3A_100 : memref<1x128xi32, #tpu.memory_space<vmem>> -> memref<128xi32, #tpu.memory_space<vmem>>
        %dma_start3A_102 = arith.constant 0 : i32
        %dma_start3A_103 = arith.constant 0 : i32
        %dma_start3A_104 = tpu.memref_slice %arg2[%dma_start3A_102, %dma_start3A_103] : memref<10240x128xf32, #tpu.memory_space<hbm>> -> memref<10240x128xf32, #tpu.memory_space<hbm>>
        tpu.enqueue_indirect_dma source(%dma_start3A_104 : memref<10240x128xf32, #tpu.memory_space<hbm>>) target(%arg13 : memref<128x128xf32, #tpu.memory_space<vmem>>) offsets(%dma_start3A_101 : memref<128xi32, #tpu.memory_space<vmem>>) semaphore(%arg15 : memref<!tpu.dma_semaphore, #tpu.memory_space<semaphore_mem>>)
        "tpu.region"() ({
          %run_scoped3A_123 = tpu.sem_alloc : memref<!tpu.dma_semaphore, #tpu.memory_space<semaphore_mem>>
          %dma_start3A_124 = arith.constant 0 : i32
          %dma_start3A_125 = tpu.memref_slice %arg9[%add3A_90, %dma_start3A_124] : memref<8x128xi32, #tpu.memory_space<vmem>> -> memref<1x128xi32, #tpu.memory_space<vmem>>
          %dma_start3A_126 = tpu.memref_squeeze %dma_start3A_125 : memref<1x128xi32, #tpu.memory_space<vmem>> -> memref<128xi32, #tpu.memory_space<vmem>>
          %dma_start3A_127 = arith.constant 0 : i32
          %dma_start3A_128 = arith.constant 0 : i32
          %dma_start3A_129 = tpu.memref_slice %arg11[%dma_start3A_127, %dma_start3A_128] : memref<10240x128xf32, #tpu.memory_space<vmem_shared>> -> memref<10240x128xf32, #tpu.memory_space<vmem_shared>>
          tpu.enqueue_indirect_dma source(%arg12 : memref<128x128xf32, #tpu.memory_space<vmem>>) target(%dma_start3A_129 : memref<10240x128xf32, #tpu.memory_space<vmem_shared>>) offsets(%dma_start3A_126 : memref<128xi32, #tpu.memory_space<vmem>>) semaphore(%run_scoped3A_123 : memref<!tpu.dma_semaphore, #tpu.memory_space<semaphore_mem>>) {add = true}
          %dma_wait3A_130 = arith.constant 0 : i32
          %dma_wait3A_131 = tpu.memref_slice %arg9[%add3A_90, %dma_wait3A_130] : memref<8x128xi32, #tpu.memory_space<vmem>> -> memref<1x128xi32, #tpu.memory_space<vmem>>
          %dma_wait3A_132 = tpu.memref_squeeze %dma_wait3A_131 : memref<1x128xi32, #tpu.memory_space<vmem>> -> memref<128xi32, #tpu.memory_space<vmem>>
          %dma_wait3A_133 = arith.constant 0 : i32
          %dma_wait3A_134 = arith.constant 0 : i32
          %dma_wait3A_135 = tpu.memref_slice %arg11[%dma_wait3A_133, %dma_wait3A_134] : memref<10240x128xf32, #tpu.memory_space<vmem_shared>> -> memref<10240x128xf32, #tpu.memory_space<vmem_shared>>
          tpu.wait_indirect_dma semaphore(%run_scoped3A_123 : memref<!tpu.dma_semaphore, #tpu.memory_space<semaphore_mem>>) src(%arg12 : memref<128x128xf32, #tpu.memory_space<vmem>>) dst(%dma_wait3A_135 : memref<10240x128xf32, #tpu.memory_space<vmem_shared>>)
          tpu.yield
        }) : () -> ()
        %mul3A_105 = arith.constant 2 : i32
        %mul3A_106 = arith.muli %scan3A_86, %mul3A_105 : i32
        %add3A_107 = arith.constant 1 : i32
        %add3A_108 = arith.addi %mul3A_106, %add3A_107 : i32
        %dma_wait3A_109 = arith.constant 0 : i32
        %dma_wait3A_110 = tpu.memref_slice %arg8[%add3A_108, %dma_wait3A_109] : memref<8x128xi32, #tpu.memory_space<vmem>> -> memref<1x128xi32, #tpu.memory_space<vmem>>
        %dma_wait3A_111 = tpu.memref_squeeze %dma_wait3A_110 : memref<1x128xi32, #tpu.memory_space<vmem>> -> memref<128xi32, #tpu.memory_space<vmem>>
        %dma_wait3A_112 = arith.constant 0 : i32
        %dma_wait3A_113 = arith.constant 0 : i32
        %dma_wait3A_114 = tpu.memref_slice %arg2[%dma_wait3A_112, %dma_wait3A_113] : memref<10240x128xf32, #tpu.memory_space<hbm>> -> memref<10240x128xf32, #tpu.memory_space<hbm>>
        tpu.wait_indirect_dma semaphore(%arg15 : memref<!tpu.dma_semaphore, #tpu.memory_space<semaphore_mem>>) src(%dma_wait3A_114 : memref<10240x128xf32, #tpu.memory_space<hbm>>) dst(%arg13 : memref<128x128xf32, #tpu.memory_space<vmem>>)
        %add3A_115 = arith.constant 1 : i32
        %add3A_116 = arith.addi %add3A_108, %add3A_115 : i32
        %dma_start3A_117 = arith.constant 0 : i32
        %dma_start3A_118 = tpu.memref_slice %arg8[%add3A_116, %dma_start3A_117] : memref<8x128xi32, #tpu.memory_space<vmem>> -> memref<1x128xi32, #tpu.memory_space<vmem>>
        %dma_start3A_119 = tpu.memref_squeeze %dma_start3A_118 : memref<1x128xi32, #tpu.memory_space<vmem>> -> memref<128xi32, #tpu.memory_space<vmem>>
        %dma_start3A_120 = arith.constant 0 : i32
        %dma_start3A_121 = arith.constant 0 : i32
        %dma_start3A_122 = tpu.memref_slice %arg2[%dma_start3A_120, %dma_start3A_121] : memref<10240x128xf32, #tpu.memory_space<hbm>> -> memref<10240x128xf32, #tpu.memory_space<hbm>>
        tpu.enqueue_indirect_dma source(%dma_start3A_122 : memref<10240x128xf32, #tpu.memory_space<hbm>>) target(%arg12 : memref<128x128xf32, #tpu.memory_space<vmem>>) offsets(%dma_start3A_119 : memref<128xi32, #tpu.memory_space<vmem>>) semaphore(%arg14 : memref<!tpu.dma_semaphore, #tpu.memory_space<semaphore_mem>>)
        "tpu.region"() ({
          %run_scoped3A_123 = tpu.sem_alloc : memref<!tpu.dma_semaphore, #tpu.memory_space<semaphore_mem>>
          %dma_start3A_124 = arith.constant 0 : i32
          %dma_start3A_125 = tpu.memref_slice %arg9[%add3A_108, %dma_start3A_124] : memref<8x128xi32, #tpu.memory_space<vmem>> -> memref<1x128xi32, #tpu.memory_space<vmem>>
          %dma_start3A_126 = tpu.memref_squeeze %dma_start3A_125 : memref<1x128xi32, #tpu.memory_space<vmem>> -> memref<128xi32, #tpu.memory_space<vmem>>
          %dma_start3A_127 = arith.constant 0 : i32
          %dma_start3A_128 = arith.constant 0 : i32
          %dma_start3A_129 = tpu.memref_slice %arg11[%dma_start3A_127, %dma_start3A_128] : memref<10240x128xf32, #tpu.memory_space<vmem_shared>> -> memref<10240x128xf32, #tpu.memory_space<vmem_shared>>
          tpu.enqueue_indirect_dma source(%arg13 : memref<128x128xf32, #tpu.memory_space<vmem>>) target(%dma_start3A_129 : memref<10240x128xf32, #tpu.memory_space<vmem_shared>>) offsets(%dma_start3A_126 : memref<128xi32, #tpu.memory_space<vmem>>) semaphore(%run_scoped3A_123 : memref<!tpu.dma_semaphore, #tpu.memory_space<semaphore_mem>>) {add = true}
          %dma_wait3A_130 = arith.constant 0 : i32
          %dma_wait3A_131 = tpu.memref_slice %arg9[%add3A_108, %dma_wait3A_130] : memref<8x128xi32, #tpu.memory_space<vmem>> -> memref<1x128xi32, #tpu.memory_space<vmem>>
          %dma_wait3A_132 = tpu.memref_squeeze %dma_wait3A_131 : memref<1x128xi32, #tpu.memory_space<vmem>> -> memref<128xi32, #tpu.memory_space<vmem>>
          %dma_wait3A_133 = arith.constant 0 : i32
          %dma_wait3A_134 = arith.constant 0 : i32
          %dma_wait3A_135 = tpu.memref_slice %arg11[%dma_wait3A_133, %dma_wait3A_134] : memref<10240x128xf32, #tpu.memory_space<vmem_shared>> -> memref<10240x128xf32, #tpu.memory_space<vmem_shared>>
          tpu.wait_indirect_dma semaphore(%run_scoped3A_123 : memref<!tpu.dma_semaphore, #tpu.memory_space<semaphore_mem>>) src(%arg13 : memref<128x128xf32, #tpu.memory_space<vmem>>) dst(%dma_wait3A_135 : memref<10240x128xf32, #tpu.memory_space<vmem_shared>>)
          tpu.yield
        }) : () -> ()
      }
      %scan3A_64 = arith.constant 3 : i32
      %dma_wait3A = arith.constant 6 : i32
      %dma_wait3A_65 = arith.constant 0 : i32
      %dma_wait3A_66 = tpu.memref_slice %arg8[%dma_wait3A, %dma_wait3A_65] : memref<8x128xi32, #tpu.memory_space<vmem>> -> memref<1x128xi32, #tpu.memory_space<vmem>>
      %dma_wait3A_67 = tpu.memref_squeeze %dma_wait3A_66 : memref<1x128xi32, #tpu.memory_space<vmem>> -> memref<128xi32, #tpu.memory_space<vmem>>
      %dma_wait3A_68 = arith.constant 0 : i32
      %dma_wait3A_69 = arith.constant 0 : i32
      %dma_wait3A_70 = tpu.memref_slice %arg2[%dma_wait3A_68, %dma_wait3A_69] : memref<10240x128xf32, #tpu.memory_space<hbm>> -> memref<10240x128xf32, #tpu.memory_space<hbm>>
      tpu.wait_indirect_dma semaphore(%arg14 : memref<!tpu.dma_semaphore, #tpu.memory_space<semaphore_mem>>) src(%dma_wait3A_70 : memref<10240x128xf32, #tpu.memory_space<hbm>>) dst(%arg12 : memref<128x128xf32, #tpu.memory_space<vmem>>)
      %dma_start3A_71 = arith.constant 7 : i32
      %dma_start3A_72 = arith.constant 0 : i32
      %dma_start3A_73 = tpu.memref_slice %arg8[%dma_start3A_71, %dma_start3A_72] : memref<8x128xi32, #tpu.memory_space<vmem>> -> memref<1x128xi32, #tpu.memory_space<vmem>>
      %dma_start3A_74 = tpu.memref_squeeze %dma_start3A_73 : memref<1x128xi32, #tpu.memory_space<vmem>> -> memref<128xi32, #tpu.memory_space<vmem>>
      %dma_start3A_75 = arith.constant 0 : i32
      %dma_start3A_76 = arith.constant 0 : i32
      %dma_start3A_77 = tpu.memref_slice %arg2[%dma_start3A_75, %dma_start3A_76] : memref<10240x128xf32, #tpu.memory_space<hbm>> -> memref<10240x128xf32, #tpu.memory_space<hbm>>
      tpu.enqueue_indirect_dma source(%dma_start3A_77 : memref<10240x128xf32, #tpu.memory_space<hbm>>) target(%arg13 : memref<128x128xf32, #tpu.memory_space<vmem>>) offsets(%dma_start3A_74 : memref<128xi32, #tpu.memory_space<vmem>>) semaphore(%arg15 : memref<!tpu.dma_semaphore, #tpu.memory_space<semaphore_mem>>)
      %run_scoped3A = arith.constant 6 : i32
      "tpu.region"() ({
        %run_scoped3A_86 = tpu.sem_alloc : memref<!tpu.dma_semaphore, #tpu.memory_space<semaphore_mem>>
        %dma_start3A_87 = arith.constant 0 : i32
        %dma_start3A_88 = tpu.memref_slice %arg9[%run_scoped3A, %dma_start3A_87] : memref<8x128xi32, #tpu.memory_space<vmem>> -> memref<1x128xi32, #tpu.memory_space<vmem>>
        %dma_start3A_89 = tpu.memref_squeeze %dma_start3A_88 : memref<1x128xi32, #tpu.memory_space<vmem>> -> memref<128xi32, #tpu.memory_space<vmem>>
        %dma_start3A_90 = arith.constant 0 : i32
        %dma_start3A_91 = arith.constant 0 : i32
        %dma_start3A_92 = tpu.memref_slice %arg11[%dma_start3A_90, %dma_start3A_91] : memref<10240x128xf32, #tpu.memory_space<vmem_shared>> -> memref<10240x128xf32, #tpu.memory_space<vmem_shared>>
        tpu.enqueue_indirect_dma source(%arg12 : memref<128x128xf32, #tpu.memory_space<vmem>>) target(%dma_start3A_92 : memref<10240x128xf32, #tpu.memory_space<vmem_shared>>) offsets(%dma_start3A_89 : memref<128xi32, #tpu.memory_space<vmem>>) semaphore(%run_scoped3A_86 : memref<!tpu.dma_semaphore, #tpu.memory_space<semaphore_mem>>) {add = true}
        %dma_wait3A_93 = arith.constant 0 : i32
        %dma_wait3A_94 = tpu.memref_slice %arg9[%run_scoped3A, %dma_wait3A_93] : memref<8x128xi32, #tpu.memory_space<vmem>> -> memref<1x128xi32, #tpu.memory_space<vmem>>
        %dma_wait3A_95 = tpu.memref_squeeze %dma_wait3A_94 : memref<1x128xi32, #tpu.memory_space<vmem>> -> memref<128xi32, #tpu.memory_space<vmem>>
        %dma_wait3A_96 = arith.constant 0 : i32
        %dma_wait3A_97 = arith.constant 0 : i32
        %dma_wait3A_98 = tpu.memref_slice %arg11[%dma_wait3A_96, %dma_wait3A_97] : memref<10240x128xf32, #tpu.memory_space<vmem_shared>> -> memref<10240x128xf32, #tpu.memory_space<vmem_shared>>
        tpu.wait_indirect_dma semaphore(%run_scoped3A_86 : memref<!tpu.dma_semaphore, #tpu.memory_space<semaphore_mem>>) src(%arg12 : memref<128x128xf32, #tpu.memory_space<vmem>>) dst(%dma_wait3A_98 : memref<10240x128xf32, #tpu.memory_space<vmem_shared>>)
        tpu.yield
      }) : () -> ()
      %dma_wait3A_78 = arith.constant 7 : i32
      %dma_wait3A_79 = arith.constant 0 : i32
      %dma_wait3A_80 = tpu.memref_slice %arg8[%dma_wait3A_78, %dma_wait3A_79] : memref<8x128xi32, #tpu.memory_space<vmem>> -> memref<1x128xi32, #tpu.memory_space<vmem>>
      %dma_wait3A_81 = tpu.memref_squeeze %dma_wait3A_80 : memref<1x128xi32, #tpu.memory_space<vmem>> -> memref<128xi32, #tpu.memory_space<vmem>>
      %dma_wait3A_82 = arith.constant 0 : i32
      %dma_wait3A_83 = arith.constant 0 : i32
      %dma_wait3A_84 = tpu.memref_slice %arg2[%dma_wait3A_82, %dma_wait3A_83] : memref<10240x128xf32, #tpu.memory_space<hbm>> -> memref<10240x128xf32, #tpu.memory_space<hbm>>
      tpu.wait_indirect_dma semaphore(%arg15 : memref<!tpu.dma_semaphore, #tpu.memory_space<semaphore_mem>>) src(%dma_wait3A_84 : memref<10240x128xf32, #tpu.memory_space<hbm>>) dst(%arg13 : memref<128x128xf32, #tpu.memory_space<vmem>>)
      %run_scoped3A_85 = arith.constant 7 : i32
      "tpu.region"() ({
        %run_scoped3A_86 = tpu.sem_alloc : memref<!tpu.dma_semaphore, #tpu.memory_space<semaphore_mem>>
        %dma_start3A_87 = arith.constant 0 : i32
        %dma_start3A_88 = tpu.memref_slice %arg9[%run_scoped3A_85, %dma_start3A_87] : memref<8x128xi32, #tpu.memory_space<vmem>> -> memref<1x128xi32, #tpu.memory_space<vmem>>
        %dma_start3A_89 = tpu.memref_squeeze %dma_start3A_88 : memref<1x128xi32, #tpu.memory_space<vmem>> -> memref<128xi32, #tpu.memory_space<vmem>>
        %dma_start3A_90 = arith.constant 0 : i32
        %dma_start3A_91 = arith.constant 0 : i32
        %dma_start3A_92 = tpu.memref_slice %arg11[%dma_start3A_90, %dma_start3A_91] : memref<10240x128xf32, #tpu.memory_space<vmem_shared>> -> memref<10240x128xf32, #tpu.memory_space<vmem_shared>>
        tpu.enqueue_indirect_dma source(%arg13 : memref<128x128xf32, #tpu.memory_space<vmem>>) target(%dma_start3A_92 : memref<10240x128xf32, #tpu.memory_space<vmem_shared>>) offsets(%dma_start3A_89 : memref<128xi32, #tpu.memory_space<vmem>>) semaphore(%run_scoped3A_86 : memref<!tpu.dma_semaphore, #tpu.memory_space<semaphore_mem>>) {add = true}
        %dma_wait3A_93 = arith.constant 0 : i32
        %dma_wait3A_94 = tpu.memref_slice %arg9[%run_scoped3A_85, %dma_wait3A_93] : memref<8x128xi32, #tpu.memory_space<vmem>> -> memref<1x128xi32, #tpu.memory_space<vmem>>
        %dma_wait3A_95 = tpu.memref_squeeze %dma_wait3A_94 : memref<1x128xi32, #tpu.memory_space<vmem>> -> memref<128xi32, #tpu.memory_space<vmem>>
        %dma_wait3A_96 = arith.constant 0 : i32
        %dma_wait3A_97 = arith.constant 0 : i32
        %dma_wait3A_98 = tpu.memref_slice %arg11[%dma_wait3A_96, %dma_wait3A_97] : memref<10240x128xf32, #tpu.memory_space<vmem_shared>> -> memref<10240x128xf32, #tpu.memory_space<vmem_shared>>
        tpu.wait_indirect_dma semaphore(%run_scoped3A_86 : memref<!tpu.dma_semaphore, #tpu.memory_space<semaphore_mem>>) src(%arg13 : memref<128x128xf32, #tpu.memory_space<vmem>>) dst(%dma_wait3A_98 : memref<10240x128xf32, #tpu.memory_space<vmem_shared>>)
        tpu.yield
      }) : () -> ()
    }
    %barrier3A_45 = arith.constant 0 : index
    tpu.barrier barrier_id(%barrier3A_45)
    %mul3A_46 = arith.constant 640 : i32
    %mul3A_47 = arith.muli %arg1, %mul3A_46 : i32
    %mul3A_48 = arith.constant 640 : i32
    %mul3A_49 = arith.muli %arg1, %mul3A_48 : i32
    "tpu.region"() ({
      %run_scoped3A = tpu.sem_alloc : memref<!tpu.dma_semaphore, #tpu.memory_space<semaphore_mem>>
      %dma_start3A = arith.constant 0 : i32
      %dma_start3A_50 = arith.constant 0 : i32
      %dma_start3A_51 = tpu.memref_slice %arg7[%arg0, %dma_start3A, %dma_start3A_50] : memref<2x10240x128xf32, #tpu.memory_space<hbm>> -> memref<1x10240x128xf32, #tpu.memory_space<hbm>>
      %dma_start3A_52 = tpu.memref_squeeze %dma_start3A_51 : memref<1x10240x128xf32, #tpu.memory_space<hbm>> -> memref<10240x128xf32, #tpu.memory_space<hbm>>
      %dma_start3A_53 = arith.constant 0 : i32
      %dma_start3A_54 = tpu.memref_slice %dma_start3A_52[%mul3A_49, %dma_start3A_53] : memref<10240x128xf32, #tpu.memory_space<hbm>> -> memref<640x128xf32, #tpu.memory_space<hbm>>
      %dma_start3A_55 = arith.constant 0 : i32
      %dma_start3A_56 = tpu.memref_slice %arg11[%mul3A_47, %dma_start3A_55] : memref<10240x128xf32, #tpu.memory_space<vmem_shared>> -> memref<640x128xf32, #tpu.memory_space<vmem_shared>>
      tpu.enqueue_dma source(%dma_start3A_56 : memref<640x128xf32, #tpu.memory_space<vmem_shared>>) target(%dma_start3A_54 : memref<640x128xf32, #tpu.memory_space<hbm>>) target_semaphore(%run_scoped3A : memref<!tpu.dma_semaphore, #tpu.memory_space<semaphore_mem>>)
      %dma_wait3A = arith.constant 0 : i32
      %dma_wait3A_57 = arith.constant 0 : i32
      %dma_wait3A_58 = tpu.memref_slice %arg7[%arg0, %dma_wait3A, %dma_wait3A_57] : memref<2x10240x128xf32, #tpu.memory_space<hbm>> -> memref<1x10240x128xf32, #tpu.memory_space<hbm>>
      %dma_wait3A_59 = tpu.memref_squeeze %dma_wait3A_58 : memref<1x10240x128xf32, #tpu.memory_space<hbm>> -> memref<10240x128xf32, #tpu.memory_space<hbm>>
      %dma_wait3A_60 = arith.constant 0 : i32
      %dma_wait3A_61 = tpu.memref_slice %dma_wait3A_59[%mul3A_49, %dma_wait3A_60] : memref<10240x128xf32, #tpu.memory_space<hbm>> -> memref<640x128xf32, #tpu.memory_space<hbm>>
      %dma_wait3A_62 = arith.constant 0 : i32
      %dma_wait3A_63 = tpu.memref_slice %arg11[%mul3A_47, %dma_wait3A_62] : memref<10240x128xf32, #tpu.memory_space<vmem_shared>> -> memref<640x128xf32, #tpu.memory_space<vmem_shared>>
      tpu.wait_dma2 semaphore(%run_scoped3A : memref<!tpu.dma_semaphore, #tpu.memory_space<semaphore_mem>>) src(%dma_wait3A_63 : memref<640x128xf32, #tpu.memory_space<vmem_shared>>) dst(%dma_wait3A_61 : memref<640x128xf32, #tpu.memory_space<hbm>>)
      tpu.yield
    }) : () -> ()
    return
  }
}

module attributes {stable_mosaic.version = 14 : i64} {
  func.func @_tc_inv_body(%arg0: i32, %arg1: memref<512x32xf32, #tpu.memory_space<vmem>>, %arg2: memref<512x128xf32, #tpu.memory_space<vmem>>) attributes {dimension_semantics = [#tpu.dimension_semantics<arbitrary>], iteration_bounds = array<i64: 20>, scalar_prefetch = 0 : i64, scratch_operands = 0 : i64, tpu.core_type = #tpu.core_type<tc>, window_params = [{transform_indices = @transform_0, window_bounds = array<i64: 512, 32>}, {transform_indices = @transform_1, window_bounds = array<i64: 512, 128>}]} {
    %get3A = arith.constant 0 : index
    %get3A_0 = arith.constant 0 : index
    %get3A_1 = vector.load %arg1[%get3A, %get3A_0] : memref<512x32xf32, #tpu.memory_space<vmem>>, vector<512x32xf32>
    %reduce_sum3A = arith.constant dense<0.000000e+00> : vector<512xf32>
    %reduce_sum3A_2 = vector.multi_reduction <add>, %get3A_1, %reduce_sum3A [1] : vector<512x32xf32> to vector<512xf32>
    %broadcast_in_dim3A = vector.shape_cast %reduce_sum3A_2 : vector<512xf32> to vector<512x1xf32>
    %max3A = arith.constant 1.000000e+00 : f32
    %max3A_3 = vector.broadcast %max3A : f32 to vector<512x1xf32>
    %max3A_4 = arith.maximumf %broadcast_in_dim3A, %max3A_3 : vector<512x1xf32>
    %div3A = arith.constant 1.000000e+00 : f32
    %div3A_5 = vector.broadcast %div3A : f32 to vector<512x1xf32>
    %div3A_6 = arith.divf %div3A_5, %max3A_4 : vector<512x1xf32>
    %broadcast_in_dim3A_7 = vector.shape_cast %div3A_6 : vector<512x1xf32> to vector<512x1xf32>
    %broadcast_in_dim3A_8 = vector.broadcast %broadcast_in_dim3A_7 : vector<512x1xf32> to vector<512x128xf32>
    %swap3A = arith.constant 0 : index
    %swap3A_9 = arith.constant 0 : index
    %swap3A_10 = vector.load %arg2[%swap3A, %swap3A_9] : memref<512x128xf32, #tpu.memory_space<vmem>>, vector<512x128xf32>
    tpu.vector_store %arg2[%swap3A, %swap3A_9], %broadcast_in_dim3A_8 {strides = array<i32>} : memref<512x128xf32, #tpu.memory_space<vmem>>, vector<512x128xf32>,
    return
  }
  func.func @transform_0(%arg0: i32) -> (i32, i32) {
    %c0_i32 = arith.constant 0 : i32
    %c0_i32_0 = arith.constant 0 : i32
    return %arg0, %c0_i32 : i32, i32
  }
  func.func @transform_1(%arg0: i32) -> (i32, i32) {
    %c0_i32 = arith.constant 0 : i32
    %c0_i32_0 = arith.constant 0 : i32
    return %arg0, %c0_i32 : i32, i32
  }
}

module attributes {stable_mosaic.version = 14 : i64} {
  func.func @_tc_layer_body(%arg0: i32, %arg1: memref<2x512x128xf32, #tpu.memory_space<vmem>>, %arg2: memref<512x128xf32, #tpu.memory_space<vmem>>, %arg3: memref<512x128xf32, #tpu.memory_space<vmem>>, %arg4: memref<128x128xf32, #tpu.memory_space<vmem>>, %arg5: memref<1x128xf32, #tpu.memory_space<vmem>>, %arg6: memref<128x128xf32, #tpu.memory_space<vmem>>, %arg7: memref<512x128xf32, #tpu.memory_space<vmem>>) attributes {dimension_semantics = [#tpu.dimension_semantics<arbitrary>], iteration_bounds = array<i64: 20>, scalar_prefetch = 0 : i64, scratch_operands = 0 : i64, tpu.core_type = #tpu.core_type<tc>, window_params = [{transform_indices = @transform_0, window_bounds = array<i64: 2, 512, 128>}, {transform_indices = @transform_1, window_bounds = array<i64: 512, 128>}, {transform_indices = @transform_2, window_bounds = array<i64: 512, 128>}, {pipeline_mode = #tpu.pipeline_mode<synchronous>, transform_indices = @transform_3, window_bounds = array<i64: 128, 128>}, {pipeline_mode = #tpu.pipeline_mode<synchronous>, transform_indices = @transform_4, window_bounds = array<i64: 1, 128>}, {pipeline_mode = #tpu.pipeline_mode<synchronous>, transform_indices = @transform_5, window_bounds = array<i64: 128, 128>}, {transform_indices = @transform_6, window_bounds = array<i64: 512, 128>}]} {
    %get3A = arith.constant 0 : index
    %get3A_0 = arith.constant 0 : index
    %get3A_1 = arith.constant 0 : index
    %get3A_2 = vector.load %arg1[%get3A, %get3A_0, %get3A_1] : memref<2x512x128xf32, #tpu.memory_space<vmem>>, vector<1x512x128xf32>
    %get3A_3 = vector.shape_cast %get3A_2 : vector<1x512x128xf32> to vector<512x128xf32>
    %get3A_4 = arith.constant 1 : index
    %get3A_5 = arith.constant 0 : index
    %get3A_6 = arith.constant 0 : index
    %get3A_7 = vector.load %arg1[%get3A_4, %get3A_5, %get3A_6] : memref<2x512x128xf32, #tpu.memory_space<vmem>>, vector<1x512x128xf32>
    %get3A_8 = vector.shape_cast %get3A_7 : vector<1x512x128xf32> to vector<512x128xf32>
    %add3A = arith.addf %get3A_3, %get3A_8 : vector<512x128xf32>
    %get3A_9 = arith.constant 0 : index
    %get3A_10 = arith.constant 0 : index
    %get3A_11 = vector.load %arg2[%get3A_9, %get3A_10] : memref<512x128xf32, #tpu.memory_space<vmem>>, vector<512x128xf32>
    %mul3A = arith.mulf %add3A, %get3A_11 : vector<512x128xf32>
    %get3A_12 = arith.constant 0 : index
    %get3A_13 = arith.constant 0 : index
    %get3A_14 = vector.load %arg4[%get3A_12, %get3A_13] : memref<128x128xf32, #tpu.memory_space<vmem>>, vector<128x128xf32>
    %dot_general3A = arith.constant dense<0.000000e+00> : vector<512x128xf32>
    %dot_general3A_15 = tpu.matmul %mul3A, %get3A_14, %dot_general3A {dimension_numbers = #tpu.dot_dimension_numbers<[1], [0], [0], [1], [0, 0, 1, 1], [], []>, transpose_lhs_hint = false} : vector<512x128xf32>, vector<128x128xf32>, vector<512x128xf32> -> vector<512x128xf32>
    %get3A_16 = arith.constant 0 : index
    %get3A_17 = arith.constant 0 : index
    %get3A_18 = vector.load %arg5[%get3A_16, %get3A_17] : memref<1x128xf32, #tpu.memory_space<vmem>>, vector<1x128xf32>
    %add3A_19 = vector.broadcast %get3A_18 : vector<1x128xf32> to vector<512x128xf32>
    %add3A_20 = arith.addf %dot_general3A_15, %add3A_19 : vector<512x128xf32>
    %get3A_21 = arith.constant 0 : index
    %get3A_22 = arith.constant 0 : index
    %get3A_23 = vector.load %arg3[%get3A_21, %get3A_22] : memref<512x128xf32, #tpu.memory_space<vmem>>, vector<512x128xf32>
    %get3A_24 = arith.constant 0 : index
    %get3A_25 = arith.constant 0 : index
    %get3A_26 = vector.load %arg6[%get3A_24, %get3A_25] : memref<128x128xf32, #tpu.memory_space<vmem>>, vector<128x128xf32>
    %dot_general3A_27 = arith.constant dense<0.000000e+00> : vector<512x128xf32>
    %dot_general3A_28 = tpu.matmul %get3A_23, %get3A_26, %dot_general3A_27 {dimension_numbers = #tpu.dot_dimension_numbers<[1], [0], [0], [1], [0, 0, 1, 1], [], []>, transpose_lhs_hint = false} : vector<512x128xf32>, vector<128x128xf32>, vector<512x128xf32> -> vector<512x128xf32>
    %add3A_29 = arith.addf %add3A_20, %dot_general3A_28 : vector<512x128xf32>
    %max3A = arith.constant 0.000000e+00 : f32
    %max3A_30 = vector.broadcast %max3A : f32 to vector<512x128xf32>
    %max3A_31 = arith.maximumf %add3A_29, %max3A_30 : vector<512x128xf32>
    %swap3A = arith.constant 0 : index
    %swap3A_32 = arith.constant 0 : index
    %swap3A_33 = vector.load %arg7[%swap3A, %swap3A_32] : memref<512x128xf32, #tpu.memory_space<vmem>>, vector<512x128xf32>
    tpu.vector_store %arg7[%swap3A, %swap3A_32], %max3A_31 {strides = array<i32>} : memref<512x128xf32, #tpu.memory_space<vmem>>, vector<512x128xf32>,
    return
  }
  func.func @transform_0(%arg0: i32) -> (i32, i32, i32) {
    %c0_i32 = arith.constant 0 : i32
    %c0_i32_0 = arith.constant 0 : i32
    %c0_i32_1 = arith.constant 0 : i32
    return %c0_i32, %arg0, %c0_i32_0 : i32, i32, i32
  }
  func.func @transform_1(%arg0: i32) -> (i32, i32) {
    %c0_i32 = arith.constant 0 : i32
    %c0_i32_0 = arith.constant 0 : i32
    return %arg0, %c0_i32 : i32, i32
  }
  func.func @transform_2(%arg0: i32) -> (i32, i32) {
    %c0_i32 = arith.constant 0 : i32
    %c0_i32_0 = arith.constant 0 : i32
    return %arg0, %c0_i32 : i32, i32
  }
  func.func @transform_3(%arg0: i32) -> (i32, i32) {
    %c0_i32 = arith.constant 0 : i32
    %c0_i32_0 = arith.constant 0 : i32
    %c0_i32_1 = arith.constant 0 : i32
    return %c0_i32, %c0_i32_0 : i32, i32
  }
  func.func @transform_4(%arg0: i32) -> (i32, i32) {
    %c0_i32 = arith.constant 0 : i32
    %c0_i32_0 = arith.constant 0 : i32
    %c0_i32_1 = arith.constant 0 : i32
    return %c0_i32, %c0_i32_0 : i32, i32
  }
  func.func @transform_5(%arg0: i32) -> (i32, i32) {
    %c0_i32 = arith.constant 0 : i32
    %c0_i32_0 = arith.constant 0 : i32
    %c0_i32_1 = arith.constant 0 : i32
    return %c0_i32, %c0_i32_0 : i32, i32
  }
  func.func @transform_6(%arg0: i32) -> (i32, i32) {
    %c0_i32 = arith.constant 0 : i32
    %c0_i32_0 = arith.constant 0 : i32
    return %arg0, %c0_i32 : i32, i32
  }
}

module attributes {stable_mosaic.version = 14 : i64} {
  func.func @_tc_mlp_loss_body(%arg0: i32, %arg1: memref<2048x128xf32, #tpu.memory_space<vmem>>, %arg2: memref<2048x1xi32, #tpu.memory_space<vmem>>, %arg3: memref<128x128xf32, #tpu.memory_space<vmem>>, %arg4: memref<1x128xf32, #tpu.memory_space<vmem>>, %arg5: memref<1x128xf32, #tpu.memory_space<vmem>>, %arg6: memref<1x128xf32, #tpu.memory_space<vmem>>, %arg7: memref<2xf32, #tpu.memory_space<smem>>, %arg8: memref<8x128xf32, #tpu.memory_space<vmem>>) attributes {dimension_semantics = [#tpu.dimension_semantics<arbitrary>], iteration_bounds = array<i64: 1>, scalar_prefetch = 0 : i64, scratch_operands = 0 : i64, tpu.core_type = #tpu.core_type<tc>, window_params = [{pipeline_mode = #tpu.pipeline_mode<synchronous>, transform_indices = @transform_0, window_bounds = array<i64: 2048, 128>}, {pipeline_mode = #tpu.pipeline_mode<synchronous>, transform_indices = @transform_1, window_bounds = array<i64: 2048, 1>}, {pipeline_mode = #tpu.pipeline_mode<synchronous>, transform_indices = @transform_2, window_bounds = array<i64: 128, 128>}, {pipeline_mode = #tpu.pipeline_mode<synchronous>, transform_indices = @transform_3, window_bounds = array<i64: 1, 128>}, {pipeline_mode = #tpu.pipeline_mode<synchronous>, transform_indices = @transform_4, window_bounds = array<i64: 1, 128>}, {pipeline_mode = #tpu.pipeline_mode<synchronous>, transform_indices = @transform_5, window_bounds = array<i64: 1, 128>}, {transform_indices = @transform_6, window_bounds = array<i64: 2>}, {pipeline_mode = #tpu.pipeline_mode<synchronous>, transform_indices = @transform_7, window_bounds = array<i64: 8, 128>}]} {
    %get3A = arith.constant 0 : index
    %get3A_0 = arith.constant 0 : index
    %get3A_1 = vector.load %arg1[%get3A, %get3A_0] : memref<2048x128xf32, #tpu.memory_space<vmem>>, vector<2048x128xf32>
    %get3A_2 = arith.constant 0 : index
    %get3A_3 = arith.constant 0 : index
    %get3A_4 = vector.load %arg3[%get3A_2, %get3A_3] : memref<128x128xf32, #tpu.memory_space<vmem>>, vector<128x128xf32>
    %dot_general3A = arith.constant dense<0.000000e+00> : vector<2048x128xf32>
    %dot_general3A_5 = tpu.matmul %get3A_1, %get3A_4, %dot_general3A {dimension_numbers = #tpu.dot_dimension_numbers<[1], [0], [0], [1], [0, 0, 1, 1], [], []>, transpose_lhs_hint = false} : vector<2048x128xf32>, vector<128x128xf32>, vector<2048x128xf32> -> vector<2048x128xf32>
    %get3A_6 = arith.constant 0 : index
    %get3A_7 = arith.constant 0 : index
    %get3A_8 = vector.load %arg4[%get3A_6, %get3A_7] : memref<1x128xf32, #tpu.memory_space<vmem>>, vector<1x128xf32>
    %add3A = vector.broadcast %get3A_8 : vector<1x128xf32> to vector<2048x128xf32>
    %add3A_9 = arith.addf %dot_general3A_5, %add3A : vector<2048x128xf32>
    %max3A = arith.constant 0.000000e+00 : f32
    %max3A_10 = vector.broadcast %max3A : f32 to vector<2048x128xf32>
    %max3A_11 = arith.maximumf %add3A_9, %max3A_10 : vector<2048x128xf32>
    %get3A_12 = arith.constant 0 : index
    %get3A_13 = arith.constant 0 : index
    %get3A_14 = vector.load %arg5[%get3A_12, %get3A_13] : memref<1x128xf32, #tpu.memory_space<vmem>>, vector<1x128xf32>
    %mul3A = vector.broadcast %get3A_14 : vector<1x128xf32> to vector<2048x128xf32>
    %mul3A_15 = arith.mulf %max3A_11, %mul3A : vector<2048x128xf32>
    %reduce_sum3A = arith.constant dense<0.000000e+00> : vector<2048xf32>
    %reduce_sum3A_16 = vector.multi_reduction <add>, %mul3A_15, %reduce_sum3A [1] : vector<2048x128xf32> to vector<2048xf32>
    %broadcast_in_dim3A = vector.shape_cast %reduce_sum3A_16 : vector<2048xf32> to vector<2048x1xf32>
    %get3A_17 = arith.constant 0 : index
    %get3A_18 = memref.load %arg7[%get3A_17] : memref<2xf32, #tpu.memory_space<smem>>
    %add3A_19 = vector.broadcast %get3A_18 : f32 to vector<2048x1xf32>
    %add3A_20 = arith.addf %broadcast_in_dim3A, %add3A_19 : vector<2048x1xf32>
    %get3A_21 = arith.constant 0 : index
    %get3A_22 = arith.constant 0 : index
    %get3A_23 = vector.load %arg6[%get3A_21, %get3A_22] : memref<1x128xf32, #tpu.memory_space<vmem>>, vector<1x128xf32>
    %mul3A_24 = vector.broadcast %get3A_23 : vector<1x128xf32> to vector<2048x128xf32>
    %mul3A_25 = arith.mulf %max3A_11, %mul3A_24 : vector<2048x128xf32>
    %reduce_sum3A_26 = arith.constant dense<0.000000e+00> : vector<2048xf32>
    %reduce_sum3A_27 = vector.multi_reduction <add>, %mul3A_25, %reduce_sum3A_26 [1] : vector<2048x128xf32> to vector<2048xf32>
    %broadcast_in_dim3A_28 = vector.shape_cast %reduce_sum3A_27 : vector<2048xf32> to vector<2048x1xf32>
    %get3A_29 = arith.constant 1 : index
    %get3A_30 = memref.load %arg7[%get3A_29] : memref<2xf32, #tpu.memory_space<smem>>
    %add3A_31 = vector.broadcast %get3A_30 : f32 to vector<2048x1xf32>
    %add3A_32 = arith.addf %broadcast_in_dim3A_28, %add3A_31 : vector<2048x1xf32>
    %max3A_33 = arith.maximumf %add3A_20, %add3A_32 : vector<2048x1xf32>
    %sub3A = arith.subf %add3A_20, %max3A_33 : vector<2048x1xf32>
    %exp3A = math.exp %sub3A : vector<2048x1xf32>
    %sub3A_34 = arith.subf %add3A_32, %max3A_33 : vector<2048x1xf32>
    %exp3A_35 = math.exp %sub3A_34 : vector<2048x1xf32>
    %add3A_36 = arith.addf %exp3A, %exp3A_35 : vector<2048x1xf32>
    %div3A = arith.divf %exp3A, %add3A_36 : vector<2048x1xf32>
    %div3A_37 = arith.divf %exp3A_35, %add3A_36 : vector<2048x1xf32>
    %max3A_38 = arith.maximumf %div3A, %div3A_37 : vector<2048x1xf32>
    %sub3A_39 = arith.subf %div3A, %max3A_38 : vector<2048x1xf32>
    %exp3A_40 = math.exp %sub3A_39 : vector<2048x1xf32>
    %sub3A_41 = arith.subf %div3A_37, %max3A_38 : vector<2048x1xf32>
    %exp3A_42 = math.exp %sub3A_41 : vector<2048x1xf32>
    %add3A_43 = arith.addf %exp3A_40, %exp3A_42 : vector<2048x1xf32>
    %log3A = math.log %add3A_43 : vector<2048x1xf32>
    %sub3A_44 = arith.subf %div3A, %max3A_38 : vector<2048x1xf32>
    %sub3A_45 = arith.subf %sub3A_44, %log3A : vector<2048x1xf32>
    %sub3A_46 = arith.subf %div3A_37, %max3A_38 : vector<2048x1xf32>
    %sub3A_47 = arith.subf %sub3A_46, %log3A : vector<2048x1xf32>
    %get3A_48 = arith.constant 0 : index
    %get3A_49 = arith.constant 0 : index
    %get3A_50 = vector.load %arg2[%get3A_48, %get3A_49] : memref<2048x1xi32, #tpu.memory_space<vmem>>, vector<2048x1xi32>
    %eq3A = arith.constant 0 : i32
    %eq3A_51 = vector.broadcast %eq3A : i32 to vector<2048x1xi32>
    %eq3A_52 = arith.cmpi eq, %get3A_50, %eq3A_51 : vector<2048x1xi32>
    %select_n3A = arith.select %eq3A_52, %sub3A_45, %sub3A_47 : vector<2048x1xi1>, vector<2048x1xf32>
    %reduce_sum3A_53 = vector.shape_cast %select_n3A : vector<2048x1xf32> to vector<1x2048x1xf32>
    %reduce_sum3A_54 = arith.constant dense<0.000000e+00> : vector<1xf32>
    %reduce_sum3A_55 = vector.multi_reduction <add>, %reduce_sum3A_53, %reduce_sum3A_54 [1, 2] : vector<1x2048x1xf32> to vector<1xf32>
    %reduce_sum3A_56 = vector.shape_cast %reduce_sum3A_55 : vector<1xf32> to vector<1x1x1xf32>
    %reduce_sum3A_57 = vector.extract %reduce_sum3A_56[0, 0, 0] : f32 from vector<1x1x1xf32>
    %neg3A = arith.constant 0.000000e+00 : f32
    %neg3A_58 = arith.subf %neg3A, %reduce_sum3A_57 : f32
    %div3A_59 = arith.constant 2.048000e+03 : f32
    %div3A_60 = arith.divf %neg3A_58, %div3A_59 : f32
    %broadcast_in_dim3A_61 = vector.broadcast %div3A_60 : f32 to vector<8x128xf32>
    %swap3A = arith.constant 0 : index
    %swap3A_62 = arith.constant 0 : index
    %swap3A_63 = vector.load %arg8[%swap3A, %swap3A_62] : memref<8x128xf32, #tpu.memory_space<vmem>>, vector<8x128xf32>
    tpu.vector_store %arg8[%swap3A, %swap3A_62], %broadcast_in_dim3A_61 {strides = array<i32>} : memref<8x128xf32, #tpu.memory_space<vmem>>, vector<8x128xf32>,
    return
  }
  func.func @transform_0(%arg0: i32) -> (i32, i32) {
    %c0_i32 = arith.constant 0 : i32
    %c0_i32_0 = arith.constant 0 : i32
    %c0_i32_1 = arith.constant 0 : i32
    return %c0_i32, %c0_i32_0 : i32, i32
  }
  func.func @transform_1(%arg0: i32) -> (i32, i32) {
    %c0_i32 = arith.constant 0 : i32
    %c0_i32_0 = arith.constant 0 : i32
    %c0_i32_1 = arith.constant 0 : i32
    return %c0_i32, %c0_i32_0 : i32, i32
  }
  func.func @transform_2(%arg0: i32) -> (i32, i32) {
    %c0_i32 = arith.constant 0 : i32
    %c0_i32_0 = arith.constant 0 : i32
    %c0_i32_1 = arith.constant 0 : i32
    return %c0_i32, %c0_i32_0 : i32, i32
  }
  func.func @transform_3(%arg0: i32) -> (i32, i32) {
    %c0_i32 = arith.constant 0 : i32
    %c0_i32_0 = arith.constant 0 : i32
    %c0_i32_1 = arith.constant 0 : i32
    return %c0_i32, %c0_i32_0 : i32, i32
  }
  func.func @transform_4(%arg0: i32) -> (i32, i32) {
    %c0_i32 = arith.constant 0 : i32
    %c0_i32_0 = arith.constant 0 : i32
    %c0_i32_1 = arith.constant 0 : i32
    return %c0_i32, %c0_i32_0 : i32, i32
  }
  func.func @transform_5(%arg0: i32) -> (i32, i32) {
    %c0_i32 = arith.constant 0 : i32
    %c0_i32_0 = arith.constant 0 : i32
    %c0_i32_1 = arith.constant 0 : i32
    return %c0_i32, %c0_i32_0 : i32, i32
  }
  func.func @transform_6(%arg0: i32) -> i32 {
    %c0_i32 = arith.constant 0 : i32
    %c0_i32_0 = arith.constant 0 : i32
    return %c0_i32 : i32
  }
  func.func @transform_7(%arg0: i32) -> (i32, i32) {
    %c0_i32 = arith.constant 0 : i32
    %c0_i32_0 = arith.constant 0 : i32
    %c0_i32_1 = arith.constant 0 : i32
    return %c0_i32, %c0_i32_0 : i32, i32
  }
}

</mosaic_0001>

<sc_bundles>
// kernel: sc_edge_filter.3.cloned.1.call-start
scs
__scs_entry_jumppad:
0x0: {  	(pc) =	sbr.rel $0x88, $3  }
0x1: {  	(tag) =	ssettag $0x0;
	lr =	simm.s32 $0x1  }
0x2: {  	[smem:$0x3F93] =	sst lr;
	_ =	strace $0xD0000000  }
0x3: {  	_ = 	snop  }
0x4: {  	_ = 	snop  }
0x5: {  	_ = 	snop  }
0x6: {  	_ = 	snop  }
0x7: {  	_ = 	snop  }
__scs_overlays_trampoline_lowered:
0x8: {  	[smem:$0x3FA2] =	sst s0  }
0x9: {  	[smem:$0x3FA3] =	sst s1  }
0xa: {  	[smem:$0x3FA4] =	sst s2  }
0xb: {  	[smem:$0x3FA5] =	sst s3  }
0xc: {  	[smem:$0x3FA6] =	sst s4  }
0xd: {  	[smem:$0x3FA7] =	sst s5  }
0xe: {  	[smem:$0x3FA8] =	sst s6  }
0xf: {  	[smem:$0x3FA9] =	sst s7  }
0x10: {  	[smem:$0x3FAA] =	sst s8  }
0x11: {  	[smem:$0x3FAB] =	sst s9;
	s0 =	simm.s32 @!p0 $0x0  }
0x12: {  	s1 =	sld [smem:$0x3F91];
	s0 =	simm.s32 @p0 $0x1  }
0x13: {  	[smem:$0x3FAC] =	sst s0;
	s0 =	simm.s32 @!p1 $0x0  }
0x14: {  	s2 =	sld [smem:$0x3F90];
	s0 =	simm.s32 @p1 $0x1  }
0x15: {  	[smem:$0x3FAD] =	sst s0;
	s0 =	simm.s32 @!p2 $0x0  }
0x16: {  	s3 =	sld [smem:$0x3FDB];
	s0 =	simm.s32 @p2 $0x1  }
0x17: {  	s4 =	simm.s32 $0x1BF5;
	[smem:$0x3FAF] =	sst s0  }
0x18: {  	s0 =	sld [smem:$0x3F92];
	_ =	swait.ge [sflag:s4], $0x0  }
0x19: {  	s7 =	sld [smem:$0x3F93]  }
0x1a: {  	s8 =	sadd.s32 $0xFFFFE003, lr  }
0x1b: {  	s9 =	sadd.s32 $0xFFFFFEF7, lr;
	s5 =	simm.s32 $0xFFFFFFFF;
	p2 =	slt.u32 s8, $0xFFFFF086  }
0x1c: {  	p1 =	slt.u32 s9, $0xF7A;
	s5 =	simm.s32 @!p2 $0x0  }
0x1d: {  	s5 =	simm.s32 @p1 $0x1;
	p0 =	seq.s32 s7, s2  }
0x1e: {  	s7 =	smul.u32 @!p0 $0xF7A, s2;
	p2 =	seq.s32 @!p0 s5, $0x0  }
0x1f: {  	s9 =	smul.u32 $0xF7A, s1;
	s8 =	simm.s32 @!p0 $0x1BF5;
	p2 =	por !p2, p0  }
0x20: {  	[sflag:s8] =	ssyncset.s32 @!p0 $0xFFFFF086;
	s6 =	sadd.s32 @!p0 s3, s7;
	s7 =	simm.s32 @!p0 $0x108  }
0x21: {  	s3 =	sadd.s32 s3, s9;
	s6 =	sadd.s32 @!p0 $0x88, s6;
	s7 =	simm.s32 @p2 $0x1082  }
0x22: {  	[simem:s7], [sflag:s8] =	dma.local @!p0 [hbm:s6], $0xF7A  }
0x23: {  	s9 =	sor.u32 $0xD0000000, s2;
	s6 =	simm.s32 $0x108;
	_ =	swait.ge @!p0 [sflag:s8], $0x0  }
0x24: {  	s3 =	sadd.s32 $0x88, s3;
	s6 =	simm.s32 @!p1 $0x1082;
	[sflag:s4] =	ssyncset.s32 $0xFFFFF086  }
0x25: {  	[simem:s6], [sflag:s4] =	dma.local [hbm:s3], $0xF7A  }
0x26: {  	[smem:$0x3F93] =	sst s1;
	(tag) =	ssettag s2;
	_ =	strace s9  }
0x27: {  	s1 =	sld [smem:$0x3FA3]  }
0x28: {  	s2 =	sld [smem:$0x3FA4]  }
0x29: {  	s4 =	sld [smem:$0x3FA6]  }
0x2a: {  	p0 =	seq.s32 s5, $0x0;
	s5 =	sld [smem:$0x3FA7]  }
0x2b: {  	s6 =	sld [smem:$0x3FA8]  }
0x2c: {  	s7 =	sld [smem:$0x3FA9]  }
0x2d: {  	s3 =	simm.s32 $0x108;
	s8 =	sld [smem:$0x3FAA]  }
0x2e: {  	s3 =	simm.s32 @!p0 $0x1082;
	s9 =	sld [smem:$0x3FAB]  }
0x2f: {  	lr =	sadd.s32 s0, s3;
	s0 =	sld [smem:$0x3FA2]  }
0x30: {  	s3 =	sld [smem:$0x3FA5]  }
0x31: {  	[smem:$0x3FAE] =	sst s10  }
0x32: {  	s10 =	sld [smem:$0x3FAC];
	_ =	sdelay $0x3  }
0x33: {  	p0 =	seq.s32 s10, $0x1;
	s10 =	sld [smem:$0x3FAE];
	_ =	sdelay $0x3  }
0x34: {  	[smem:$0x3FAE] =	sst s10  }
0x35: {  	s10 =	sld [smem:$0x3FAD];
	_ =	sdelay $0x3  }
0x36: {  	p1 =	seq.s32 s10, $0x1;
	s10 =	sld [smem:$0x3FAE];
	_ =	sdelay $0x3  }
0x37: {  	[smem:$0x3FAE] =	sst s10  }
0x38: {  	s10 =	sld [smem:$0x3FAF]  }
0x39: {  	_ = 	snop;
	(pc) =	sbr.ind lr, $3  }
0x3a: {  	_ = 	snop  }
0x3b: {  	_ = 	snop  }
0x3c: {  	p2 =	seq.s32 s10, $0x1;
	s10 =	sld [smem:$0x3FAE]  }
0x3d: {  	_ =	shalt  }
0x3e: {  	_ =	shalt  }
0x3f: {  	_ =	shalt  }
0x40: {  	_ =	shalt  }
0x41: {  	_ =	shalt  }
0x42: {  	_ =	shalt  }
0x43: {  	_ =	shalt  }
0x44: {  	_ =	shalt  }
0x45: {  	_ =	shalt  }
0x46: {  	_ =	shalt  }
0x47: {  	_ =	shalt  }
0x48: {  	_ =	shalt  }
0x49: {  	_ =	shalt  }
0x4a: {  	_ =	shalt  }
0x4b: {  	_ =	shalt  }
0x4c: {  	_ =	shalt  }
0x4d: {  	_ =	shalt  }
0x4e: {  	_ =	shalt  }
0x4f: {  	_ =	shalt  }
0x50: {  	_ =	shalt  }
0x51: {  	_ =	shalt  }
0x52: {  	_ =	shalt  }
0x53: {  	_ =	shalt  }
0x54: {  	_ =	shalt  }
0x55: {  	_ =	shalt  }
0x56: {  	_ =	shalt  }
0x57: {  	_ =	shalt  }
0x58: {  	_ =	shalt  }
0x59: {  	_ =	shalt  }
0x5a: {  	_ =	shalt  }
0x5b: {  	_ =	shalt  }
0x5c: {  	_ =	shalt  }
0x5d: {  	_ =	shalt  }
0x5e: {  	_ =	shalt  }
0x5f: {  	_ =	shalt  }
0x60: {  	_ =	shalt  }
0x61: {  	_ =	shalt  }
0x62: {  	_ =	shalt  }
0x63: {  	_ =	shalt  }
0x64: {  	_ =	shalt  }
0x65: {  	_ =	shalt  }
0x66: {  	_ =	shalt  }
0x67: {  	_ =	shalt  }
0x68: {  	_ =	shalt  }
0x69: {  	_ =	shalt  }
0x6a: {  	_ =	shalt  }
0x6b: {  	_ =	shalt  }
0x6c: {  	_ =	shalt  }
0x6d: {  	_ =	shalt  }
0x6e: {  	_ =	shalt  }
0x6f: {  	_ =	shalt  }
0x70: {  	_ =	shalt  }
0x71: {  	_ =	shalt  }
0x72: {  	_ =	shalt  }
0x73: {  	_ =	shalt  }
0x74: {  	_ =	shalt  }
0x75: {  	_ =	shalt  }
0x76: {  	_ =	shalt  }
0x77: {  	_ =	shalt  }
0x78: {  	_ =	shalt  }
0x79: {  	_ =	shalt  }
0x7a: {  	_ =	shalt  }
0x7b: {  	_ =	shalt  }
0x7c: {  	_ =	shalt  }
0x7d: {  	_ =	shalt  }
0x7e: {  	_ =	shalt  }
0x7f: {  	_ =	shalt  }
0x80: {  	_ =	shalt  }
0x81: {  	_ =	shalt  }
0x82: {  	_ =	shalt  }
0x83: {  	_ =	shalt  }
0x84: {  	_ =	shalt  }
0x85: {  	_ =	shalt  }
0x86: {  	_ =	shalt  }
0x87: {  	_ =	shalt  }
.Lfunc_end0:
.L_simem_size_0:
called_computation_lowered:
.L_overlay_start_0:
0x88: {  	s2 =	sld [smem:$0x3FD9]  }
0x89: {  	s3 =	sld [smem:$0x3FFE];
	_ =	sdelay $0x1  }
0x8a: {  	s1 =	srdreg.scid  }
0x8b: {  	s0 =	sand.u32 $0x1, s1  }
0x8c: {  	s17 =	sshll.u32 s0, $0xA;
	s2 =	sadd.s32 s3, s2  }
0x8d: {  	s2 =	sadd.s32 s2, s17  }
0x8e: {  	[smem:$0x3FBA] =	sst s2  }
0x8f: {  	_ = 	snop  }
0x90: {  	s18 =	sld [smem:$0x3FC7];
	(tm) =	ssettm $0x1  }
0x91: {  	s19 =	sld [smem:$0x3FFB];
	_ =	sdelay $0x3  }
0x92: {  	_ =	strace s19  }
0x93: {  	s2 =	sld [smem:$0x3FFC];
	_ =	sdelay $0x3  }
0x94: {  	_ =	strace s2  }
0x95: {  	s2 =	sld [smem:$0x3FFD];
	_ =	sdelay $0x3  }
0x96: {  	_ =	strace s2  }
0x97: {  	_ =	strace $0x8FFFFFFF  }
0x98: {  	s20 =	sld [smem:$0x3FDB];
	_ =	sdelay $0x1  }
0x99: {  	s4 =	simm.s32 $_scs_section_size  }
0x9a: {  	s5 =	simm.s32 $_size__tile_overlayer_lowered;
	s6 =	simm.s32 $_tile_overlayer_lowered  }
0x9b: {  	s7 =	simm.s32 $0x1BFF;
	s21 =	sshll.u32 s6, $0x1;
	s4 =	sadd.s32 s4, s20  }
0x9c: {  	s22 =	simm.s32 $0x0;
	s5 =	sshll.u32 s5, $0x1;
	s6 =	sadd.s32 s21, s4  }
0x9d: {  	[timem:s22], [sflag:s7] =	dma.local [hbm:s6], s5  }
0x9e: {  	_ =	swait.ge [sflag:s7], s5  }
0x9f: {  	s5 =	ssub.s32 $0x0, s5;
	[sflag:s7] =	ssyncset.done $0x0  }
0xa0: {  	[sflag:s7] =	ssyncadd.s32 s5;
	_ =	sdelay $0x1  }
0xa1: {  	s23 =	simm.s32 $0x1B8B  }
0xa2: {  	_ =	swait.ge [sflag:s23], $0x1  }
0xa3: {  	[sflag:s23] =	ssyncset.done $0x0  }
0xa4: {  	[sflag:s23] =	ssyncadd.s32 $0xFFFFFFFF  }
0xa5: {  	s5 =	sld [smem:$0x0]  }
0xa6: {  	s6 =	sand.u32 $0xFFFFFFFE, s1  }
0xa7: {  	p0 =	sne.s32 s1, s6  }
0xa8: {  	s6 =	sshll.u32 @p0 s6, $0xE  }
0xa9: {  	s6 =	sadd.s32 @p0 $0x11B8D, s6;
	s7 =	sshll.u32 @p0 s5, $0x11  }
0xaa: {  	s6 =	sor.u32 @p0 s7, s6  }
0xab: {  	[sflag:s6] =	ssyncadd.remote.s32 @p0 $0x1;
	_ =	sdelay $0x1  }
0xac: {  	s6 =	simm.s32 @p0 $0x1B8D  }
0xad: {  	_ =	swait.eq @p0 [sflag:s6], $0x1  }
0xae: {  	[sflag:s6] =	ssyncadd.s32 @p0 $0xFFFFFFFF  }
0xaf: {  	s7 =	sshll.u32 @!p0 s1, $0xE  }
0xb0: {  	s7 =	sor.u32 @!p0 $0x4000, s7;
	s6 =	simm.s32 @!p0 $0x1B8D  }
0xb1: {  	s5 =	sshll.u32 @!p0 s5, $0x11;
	s7 =	sadd.s32 @!p0 $0x11B8D, s7;
	_ =	swait.eq @!p0 [sflag:s6], $0x1  }
0xb2: {  	s5 =	sor.u32 @!p0 s5, s7;
	[sflag:s6] =	ssyncadd.s32 @!p0 $0xFFFFFFFF  }
0xb3: {  	s25 =	simm.s32 $0x1B8E;
	s24 =	sld [smem:$0x3FFE];
	[sflag:s5] =	ssyncadd.remote.s32 @!p0 $0x1  }
0xb4: {  	s26 =	simm.s32 $execute0_lowered;
	[smem:$0x3FD2] =	sst s25  }
0xb5: {  	s6 =	sshll.u32 s26, $0x1;
	_ =	strace $0x80000049;
	[dreg:$0x1] =	wrdreg $0xFFFFFFFF  }
0xb6: {  	s28 =	simm.s32 $_size_execute0_lowered;
	s4 =	sadd.s32 s4, s6;
	[dreg:$0x0] =	wrdreg $0x0  }
0xb7: {  	s6 =	sshll.u32 s28, $0x1;
	[dreg:$0x2] =	wrdreg s4  }
0xb8: {  	[dreg:$0x3] =	wrdreg s6  }
0xb9: {  	[dreg:$0x4] =	wrdreg $0xC0  }
0xba: {  	_ =	task [dreg:s22], $0x5FFFF  }
0xbb: {  	[dreg:$0x1] =	wrdreg $0xFFFFFFFF  }
0xbc: {  	[dreg:$0x0] =	wrdreg $0x60  }
0xbd: {  	[dreg:$0x2] =	wrdreg s24  }
0xbe: {  	[dreg:$0x3] =	wrdreg s18  }
0xbf: {  	[dreg:$0x4] =	wrdreg $0x9  }
0xc0: {  	_ =	task.clear_ibuf [dreg:s22], $0x5FFFF;
	_ =	strace $0x90000049  }
0xc1: {  	s29 =	simm.s32 $0x9;
	_ =	strace $0x8000004B  }
0xc2: {  	_ =	swait.ge [sflag:s29], $0x1  }
0xc3: {  	[sflag:s29] =	ssyncadd.s32 $0xFFFFFFFF  }
0xc4: {  	_ =	strace $0x9000004B  }
0xc5: {  	_ =	sfence  }
0xc6: {  	s30 =	sld [smem:$0x0];
	_ =	sdelay $0x2  }
0xc7: {  	s31 =	sshll.u32 s1, $0xD;
	s1 =	sshrl.u32 s1, $0x2  }
0xc8: {  	s4 =	sand.u32 $0x4000, s31;
	s1 =	sadd.s32 s1, s30  }
0xc9: {  	s0 =	sor.u32 s4, s0;
	s1 =	sshll.u32 s1, $0x11  }
0xca: {  	s0 =	sor.u32 s1, s0  }
0xcb: {  	s0 =	sadd.s32 $0x8F2B, s0  }
0xcc: {  	[sflag:s0] =	ssyncadd.remote.s32 $0x1  }
0xcd: {  	_ =	sfence.sel $0xFFFF  }
0xce: {  	[dreg:$0x0] =	wrdreg $0xFFFFFFFF;
	(pc) =	sbr.abs _section_cstart, $3  }
0xcf: {  	[dreg:$0x1] =	wrdreg $0xFFFFFFFF  }
0xd0: {  	_ =	task.clear_ibuf [dreg:s22], $0x2FFFF;
	_ =	strace $0x9FFFFFFF  }
0xd1: {  	(tm) =	ssettm $0x7FFFFFFF  }
tec
execute0_lowered:
.L_overlay_start_1:
0x0: {  	(tag) =	ssettag $0x1  }
0x1: {  	s4 =	rddreg [dreg:$0x0];
	s1 =	srdreg.scid  }
0x2: {  	s0 =	stileid.u32;
	s2 =	rddreg [dreg:$0x1];
	s3 =	simm.s32 $0x0  }
0x3: {  	s10 =	simm.s32 $0x1;
	s11 =	simm.s32 $0x2800;
	s12 =	simm.s32 $0xC800  }
0x4: {  	s13 =	simm.s32 $0x5000;
	s14 =	simm.s32 $0x7800;
	s15 =	simm.s32 $0xA000  }
0x5: {  	s16 =	simm.s32 $0xD000;
	s5 =	sand.u32 $0x1, s1;
	s6 =	sshll.u32 s0, $0x1  }
0x6: {  	s17 =	simm.s32 $0x0;
	s1 =	rddreg [dreg:$0x2];
	s6 =	sor.u32 s5, s6  }
0x7: {  	[smem:$0x7FF] =	sst s3;
	s5 =	ssub.s32 $0x2, s5;
	s7 =	smul.u32 $0x500, s6  }
0x8: {  	_ =	strace $0x8000004A;
	s6 =	sshll.u32 s6, $0x4;
	s31 =	sshrl.u32 s5, $0x1  }
0x9: {  	s8 =	sadd.s32 s6, s4;
	s9 =	ssub.s32 s5, s31;
	s7 =	sadd.s32 s7, s4  }
0xa: {  	s8 =	sadd.s32 $0xD6600, s8;
	s9 =	smax.u32 s9, $0x1;
	s4 =	sadd.s32 $0xE600, s7  }
0xb: {  	v0 =	vimm.s32 $0x0;
	v1 =	vimm.s32 $0x1;
	v2 =	vimm.s32 $0x27FF;
	s5 =	sadd.s32 $0x4600, s7;
	s6 =	sadd.s32 $0xC2600, s7;
	s7 =	sadd.s32 $0xCC600, s7  }
.LBB2_1:
0xc: {  	[tilespmem:s3], [sflag:$0x1] =	stream.linear.gather [hbm4b:s4+s3], $0x2800, $0x38;
	[tilespmem:$0xD080] =	vst v63  }
0xd: {  	_ =	swait.ge [sflag:s10], $0x2800  }
0xe: {  	[sflag:s10] =	ssyncset.done $0x0  }
0xf: {  	[sflag:s10] =	ssyncadd.s32 $0xFFFFD800  }
0x10: {  	[tilespmem:s11], [sflag:$0x1] =	stream.linear.gather [hbm4b:s5+s3], $0x2800, $0x38;
	[tilespmem:$0xD080] =	vst v63  }
0x11: {  	_ =	swait.ge [sflag:s10], $0x2800  }
0x12: {  	[sflag:s10] =	ssyncset.done $0x0  }
0x13: {  	[sflag:s10] =	ssyncadd.s32 $0xFFFFD800  }
0x14: {  	[tilespmem:s12], [sflag:$0x1] =	stream.linear.gather [hbm4b:s2+s3], $0x800, $0x38;
	[tilespmem:$0xD080] =	vst v63  }
0x15: {  	_ =	swait.ge [sflag:s10], $0x800  }
0x16: {  	[sflag:s10] =	ssyncset.done $0x0  }
0x17: {  	s18 =	simm.s32 $0x40;
	s19 =	simm.s32 $0x0;
	[sflag:s10] =	ssyncadd.s32 $0xFFFFF800  }
.LBB2_2:
0x18: {  	p0 =	sne.s32 s18, $0x9FC0;
	[tilespmem:s19+$0x5000] =	vst v0;
	s19 =	smov.u32 s18;
	s18 =	sadd.s32 $0x40, s18  }
.Ltmp0:
0x19: {  	(pc) =	sbr.rel @p0 .LBB2_2-.Ltmp0, $2  }
0x1a: {  	_ =	sdelay $0x2  }
0x1b: {  	s19 =	sshra.s32 s19, $0x2  }
0x1c: {  	[tilespmem:s19+$0x5000] =	vst v0;
	s18 =	simm.s32 $0x0;
	s20 =	simm.s32 $0x0;
	s19 =	simm.s32 $0x40  }
.LBB2_4:
0x1d: {  	p0 =	sne.s32 s19, $0x1FC0;
	v3 =	vld [tilespmem:s20+$0xC800];
	_ =	sdelay $0x3  }
.Ltmp1:
0x1e: {  	(pc) =	sbr.rel @p0 .LBB2_4-.Ltmp1, $2  }
0x1f: {  	_ =	sdelay $0x2  }
0x20: {  	s20 =	sshra.s32 s19, $0x2;
	s19 =	sadd.s32 $0x40, s19;
	[tilespmem:v3+s13+$0x0] =	vst.idx.msk $0xffff, v1  }
0x21: {  	v3 =	vld [tilespmem:s20+$0xC800];
	_ =	sdelay $0x7  }
0x22: {  	[tilespmem:v3+s13+$0x0] =	vst.idx.msk $0xffff, v1  }
.LBB2_6:
0x23: {  	p0 =	sne.s32 s18, $0x9FC0  }
.Ltmp2:
0x24: {  	_ = 	snop;
	(pc) =	sbr.rel @p0 .LBB2_6-.Ltmp2, $4  }
0x25: {  	_ = 	snop  }
0x26: {  	s19 =	sshra.s32 s18, $0x2  }
0x27: {  	[tilespmem:s19+$0x7800] =	vst v0  }
0x28: {  	s18 =	sadd.s32 $0x40, s18;
	[tilespmem:s19+$0xA000] =	vst v2  }
0x29: {  	s18 =	simm.s32 $0x0  }
0x2a: {  	v3 =	vld [tilespmem:s18+$0x2800];
	_ =	sdelay $0x7  }
0x2b: {  	v4 =	vld.idx.msk [tilespmem:v3+s13+$0x0], $0xffff  }
0x2c: {  	v5 =	vld [tilespmem:s18+$0x0];
	_ =	sdelay $0x3  }
0x2d: {  	s19 =	simm.s32 $0x0;
	vm0 =	veq.s32 v4, $0x1  }
0x2e: {  	[tilespmem:s19+$0x7800] =	vst.msk vm0, v5;
	v4 =	vmpcnt.ones.xlane vm0  }
0x2f: {  	[tilespmem:s19+$0xA000] =	vst.msk vm0, v3  }
0x30: {  	v3 =	vxor.u32 $0x80000000, v4;
	v4 =	vld [tilespmem:s18+$0x2810]  }
0x31: {  	(xrf0) =	vmax.scan.msk.u32 $0xffff, v3;
	_ =	sdelay $0x5  }
0x32: {  	v3, _, _ =	vpop (xrf0)  }
0x33: {  	v5 =	vld.idx.msk [tilespmem:v4+s13+$0x0], $0xffff;
	(v2sf) =	vpush v3, $0xF;
	_ =	sdelay $0x4  }
0x34: {  	vm9 =	veq.s32 v5, $0x1  }
0x35: {  	v3 =	vmpcnt.ones.xlane vm9;
	_ =	sdelay $0x1  }
0x36: {  	v3 =	vxor.u32 $0x80000000, v3  }
0x37: {  	(xrf0) =	vmax.scan.msk.u32 $0xffff, v3;
	_ =	sdelay $0x3  }
0x38: {  	v3 =	vld [tilespmem:s18+$0x10];
	_ =	sdelay $0x1  }
0x39: {  	s24 =	spop (v2sf);
	v5, _, _ =	vpop (xrf0)  }
0x3a: {  	s19 =	sadd.s32 $0x0, s24;
	(v2sf) =	vpush v5, $0xF  }
0x3b: {  	s19 =	sadd.s32 $0x80000000, s19  }
0x3c: {  	[tilespmem:s19+$0x7800] =	vst.msk vm9, v3  }
0x3d: {  	[tilespmem:s19+$0xA000] =	vst.msk vm9, v4  }
0x3e: {  	v3 =	vld [tilespmem:s18+$0x2820];
	_ =	sdelay $0x7  }
0x3f: {  	v4 =	vld.idx.msk [tilespmem:v3+s13+$0x0], $0xffff  }
0x40: {  	v5 =	vld [tilespmem:s18+$0x20];
	_ =	sdelay $0x1  }
0x41: {  	s20 =	spop (v2sf)  }
0x42: {  	s19 =	sadd.s32 s20, s19  }
0x43: {  	s19 =	sadd.s32 $0x80000000, s19;
	vm10 =	veq.s32 v4, $0x1  }
0x44: {  	[tilespmem:s19+$0x7800] =	vst.msk vm10, v5;
	v4 =	vmpcnt.ones.xlane vm10  }
0x45: {  	[tilespmem:s19+$0xA000] =	vst.msk vm10, v3  }
0x46: {  	v3 =	vxor.u32 $0x80000000, v4;
	v4 =	vld [tilespmem:s18+$0x2830]  }
0x47: {  	(xrf0) =	vmax.scan.msk.u32 $0xffff, v3;
	_ =	sdelay $0x5  }
0x48: {  	v3, _, _ =	vpop (xrf0)  }
0x49: {  	v5 =	vld.idx.msk [tilespmem:v4+s13+$0x0], $0xffff;
	(v2sf) =	vpush v3, $0xF;
	_ =	sdelay $0x4  }
0x4a: {  	vm11 =	veq.s32 v5, $0x1  }
0x4b: {  	v3 =	vmpcnt.ones.xlane vm11;
	_ =	sdelay $0x1  }
0x4c: {  	v3 =	vxor.u32 $0x80000000, v3  }
0x4d: {  	(xrf0) =	vmax.scan.msk.u32 $0xffff, v3;
	_ =	sdelay $0x3  }
0x4e: {  	v3 =	vld [tilespmem:s18+$0x30];
	_ =	sdelay $0x1  }
0x4f: {  	s25 =	spop (v2sf);
	v5, _, _ =	vpop (xrf0)  }
0x50: {  	s19 =	sadd.s32 s25, s19;
	(v2sf) =	vpush v5, $0xF  }
0x51: {  	s19 =	sadd.s32 $0x80000000, s19  }
0x52: {  	[tilespmem:s19+$0x7800] =	vst.msk vm11, v3  }
0x53: {  	[tilespmem:s19+$0xA000] =	vst.msk vm11, v4  }
0x54: {  	v3 =	vld [tilespmem:s18+$0x2840];
	_ =	sdelay $0x7  }
0x55: {  	v4 =	vld.idx.msk [tilespmem:v3+s13+$0x0], $0xffff  }
0x56: {  	v5 =	vld [tilespmem:s18+$0x40];
	_ =	sdelay $0x1  }
0x57: {  	s26 =	spop (v2sf)  }
0x58: {  	s19 =	sadd.s32 s26, s19  }
0x59: {  	s19 =	sadd.s32 $0x80000000, s19;
	vm12 =	veq.s32 v4, $0x1  }
0x5a: {  	[tilespmem:s19+$0x7800] =	vst.msk vm12, v5;
	v4 =	vmpcnt.ones.xlane vm12  }
0x5b: {  	[tilespmem:s19+$0xA000] =	vst.msk vm12, v3  }
0x5c: {  	v3 =	vxor.u32 $0x80000000, v4;
	v4 =	vld [tilespmem:s18+$0x2850]  }
0x5d: {  	(xrf0) =	vmax.scan.msk.u32 $0xffff, v3;
	_ =	sdelay $0x5  }
0x5e: {  	v3, _, _ =	vpop (xrf0)  }
0x5f: {  	v5 =	vld.idx.msk [tilespmem:v4+s13+$0x0], $0xffff;
	(v2sf) =	vpush v3, $0xF;
	_ =	sdelay $0x4  }
0x60: {  	vm13 =	veq.s32 v5, $0x1  }
0x61: {  	v3 =	vmpcnt.ones.xlane vm13;
	_ =	sdelay $0x1  }
0x62: {  	v3 =	vxor.u32 $0x80000000, v3  }
0x63: {  	(xrf0) =	vmax.scan.msk.u32 $0xffff, v3;
	_ =	sdelay $0x3  }
0x64: {  	v3 =	vld [tilespmem:s18+$0x50];
	_ =	sdelay $0x1  }
0x65: {  	s28 =	spop (v2sf);
	v5, _, _ =	vpop (xrf0)  }
0x66: {  	s19 =	sadd.s32 s28, s19;
	(v2sf) =	vpush v5, $0xF  }
0x67: {  	s19 =	sadd.s32 $0x80000000, s19  }
0x68: {  	[tilespmem:s19+$0x7800] =	vst.msk vm13, v3  }
0x69: {  	[tilespmem:s19+$0xA000] =	vst.msk vm13, v4  }
0x6a: {  	v3 =	vld [tilespmem:s18+$0x2860];
	_ =	sdelay $0x7  }
0x6b: {  	v4 =	vld.idx.msk [tilespmem:v3+s13+$0x0], $0xffff  }
0x6c: {  	v5 =	vld [tilespmem:s18+$0x60];
	_ =	sdelay $0x1  }
0x6d: {  	s29 =	spop (v2sf)  }
0x6e: {  	s19 =	sadd.s32 s29, s19  }
0x6f: {  	s19 =	sadd.s32 $0x80000000, s19;
	vm14 =	veq.s32 v4, $0x1  }
0x70: {  	[tilespmem:s19+$0x7800] =	vst.msk vm14, v5  }
0x71: {  	v4 =	vmpcnt.ones.xlane vm14;
	[tilespmem:s19+$0xA000] =	vst.msk vm14, v3  }
0x72: {  	v3 =	vld [tilespmem:s18+$0x2870]  }
0x73: {  	v4 =	vxor.u32 $0x80000000, v4  }
0x74: {  	(xrf0) =	vmax.scan.msk.u32 $0xffff, v4;
	_ =	sdelay $0x5  }
0x75: {  	v5, _, _ =	vpop (xrf0);
	v4 =	vld.idx.msk [tilespmem:v3+s13+$0x0], $0xffff  }
0x76: {  	(v2sf) =	vpush v5, $0xF;
	_ =	sdelay $0x3  }
0x77: {  	vm15 =	veq.s32 v4, $0x1  }
0x78: {  	v4 =	vmpcnt.ones.xlane vm15;
	_ =	sdelay $0x1  }
0x79: {  	v4 =	vxor.u32 $0x80000000, v4  }
0x7a: {  	(xrf0) =	vmax.scan.msk.u32 $0xffff, v4;
	_ =	sdelay $0x4  }
0x7b: {  	v5 =	vld [tilespmem:s18+$0x70]  }
0x7c: {  	v4, _, _ =	vpop (xrf0)  }
0x7d: {  	s30 =	spop (v2sf);
	(v2sf) =	vpush v4, $0xF  }
0x7e: {  	s18 =	sadd.s32 s30, s19  }
0x7f: {  	s31 =	sadd.s32 $0x80000000, s18  }
0x80: {  	[tilespmem:s31+$0x7800] =	vst.msk vm15, v5  }
0x81: {  	s18 =	simm.s32 $0x80;
	[tilespmem:s31+$0xA000] =	vst.msk vm15, v3  }
0x82: {  	v3 =	vld [tilespmem:s18+$0x2800];
	_ =	sdelay $0x7  }
0x83: {  	v5 =	vld.idx.msk [tilespmem:v3+s13+$0x0], $0xffff  }
0x84: {  	v4 =	vld [tilespmem:s18+$0x0]  }
0x85: {  	s21 =	spop (v2sf)  }
0x86: {  	s19 =	simm.s32 $0x400;
	s20 =	sadd.s32 s21, s31  }
.LBB2_8:
0x87: {  	p0 =	sne.s32 s19, $0x9E00  }
0x88: {  	vm0 =	veq.s32 v5, $0x1;
	s21 =	sadd.s32 $0x80000000, s20;
	s20 =	smov.u32 s19;
	s19 =	sadd.s32 $0x200, s19  }
0x89: {  	[tilespmem:s21+$0x7800] =	vst.msk vm0, v4;
	v4 =	vmpcnt.ones.xlane vm0  }
0x8a: {  	[tilespmem:s21+$0xA000] =	vst.msk vm0, v3  }
0x8b: {  	v3 =	vxor.u32 $0x80000000, v4;
	v4 =	vld [tilespmem:s18+$0x2810]  }
0x8c: {  	(xrf0) =	vmax.scan.msk.u32 $0xffff, v3;
	_ =	sdelay $0x5  }
0x8d: {  	v3, _, _ =	vpop (xrf0)  }
0x8e: {  	v5 =	vld.idx.msk [tilespmem:v4+s13+$0x0], $0xffff;
	(v2sf) =	vpush v3, $0xF;
	_ =	sdelay $0x5  }
0x8f: {  	vm0 =	veq.s32 v5, $0x1  }
0x90: {  	v3 =	vmpcnt.ones.xlane vm0;
	_ =	sdelay $0x1  }
0x91: {  	v3 =	vxor.u32 $0x80000000, v3  }
0x92: {  	(xrf0) =	vmax.scan.msk.u32 $0xffff, v3;
	_ =	sdelay $0x2  }
0x93: {  	v3 =	vld [tilespmem:s18+$0x10];
	_ =	sdelay $0x1  }
0x94: {  	s22 =	spop (v2sf)  }
0x95: {  	s21 =	sadd.s32 s22, s21;
	v5, _, _ =	vpop (xrf0)  }
0x96: {  	s21 =	sadd.s32 $0x80000000, s21;
	(v2sf) =	vpush v5, $0xF  }
0x97: {  	[tilespmem:s21+$0x7800] =	vst.msk vm0, v3  }
0x98: {  	[tilespmem:s21+$0xA000] =	vst.msk vm0, v4  }
0x99: {  	v3 =	vld [tilespmem:s18+$0x2820];
	_ =	sdelay $0x7  }
0x9a: {  	v4 =	vld.idx.msk [tilespmem:v3+s13+$0x0], $0xffff;
	_ =	sdelay $0x1  }
0x9b: {  	v5 =	vld [tilespmem:s18+$0x20];
	_ =	sdelay $0x1  }
0x9c: {  	s22 =	spop (v2sf)  }
0x9d: {  	s21 =	sadd.s32 s22, s21  }
0x9e: {  	vm0 =	veq.s32 v4, $0x1;
	s21 =	sadd.s32 $0x80000000, s21  }
0x9f: {  	v4 =	vmpcnt.ones.xlane vm0;
	[tilespmem:s21+$0x7800] =	vst.msk vm0, v5  }
0xa0: {  	[tilespmem:s21+$0xA000] =	vst.msk vm0, v3  }
0xa1: {  	v3 =	vxor.u32 $0x80000000, v4;
	v4 =	vld [tilespmem:s18+$0x2830]  }
0xa2: {  	(xrf0) =	vmax.scan.msk.u32 $0xffff, v3;
	_ =	sdelay $0x5  }
0xa3: {  	v3, _, _ =	vpop (xrf0)  }
0xa4: {  	v5 =	vld.idx.msk [tilespmem:v4+s13+$0x0], $0xffff;
	(v2sf) =	vpush v3, $0xF;
	_ =	sdelay $0x5  }
0xa5: {  	vm0 =	veq.s32 v5, $0x1  }
0xa6: {  	v3 =	vmpcnt.ones.xlane vm0;
	_ =	sdelay $0x1  }
0xa7: {  	v3 =	vxor.u32 $0x80000000, v3  }
0xa8: {  	(xrf0) =	vmax.scan.msk.u32 $0xffff, v3;
	_ =	sdelay $0x2  }
0xa9: {  	v3 =	vld [tilespmem:s18+$0x30];
	_ =	sdelay $0x1  }
0xaa: {  	s22 =	spop (v2sf)  }
0xab: {  	s21 =	sadd.s32 s22, s21;
	v5, _, _ =	vpop (xrf0)  }
0xac: {  	s21 =	sadd.s32 $0x80000000, s21;
	(v2sf) =	vpush v5, $0xF  }
0xad: {  	[tilespmem:s21+$0x7800] =	vst.msk vm0, v3  }
0xae: {  	[tilespmem:s21+$0xA000] =	vst.msk vm0, v4  }
0xaf: {  	v3 =	vld [tilespmem:s18+$0x2840];
	_ =	sdelay $0x7  }
0xb0: {  	v4 =	vld.idx.msk [tilespmem:v3+s13+$0x0], $0xffff;
	_ =	sdelay $0x1  }
0xb1: {  	v5 =	vld [tilespmem:s18+$0x40];
	_ =	sdelay $0x1  }
0xb2: {  	s22 =	spop (v2sf)  }
0xb3: {  	s21 =	sadd.s32 s22, s21  }
0xb4: {  	vm0 =	veq.s32 v4, $0x1;
	s21 =	sadd.s32 $0x80000000, s21  }
0xb5: {  	v4 =	vmpcnt.ones.xlane vm0;
	[tilespmem:s21+$0x7800] =	vst.msk vm0, v5  }
0xb6: {  	[tilespmem:s21+$0xA000] =	vst.msk vm0, v3  }
0xb7: {  	v3 =	vxor.u32 $0x80000000, v4;
	v4 =	vld [tilespmem:s18+$0x2850]  }
0xb8: {  	v5 =	vld [tilespmem:s18+$0x50];
	(xrf0) =	vmax.scan.msk.u32 $0xffff, v3;
	_ =	sdelay $0x5  }
0xb9: {  	v3, _, _ =	vpop (xrf0)  }
0xba: {  	v6 =	vld.idx.msk [tilespmem:v4+s13+$0x0], $0xffff;
	(v2sf) =	vpush v3, $0xF;
	_ =	sdelay $0x5  }
0xbb: {  	vm0 =	veq.s32 v6, $0x1  }
0xbc: {  	v3 =	vmpcnt.ones.xlane vm0;
	_ =	sdelay $0x1  }
0xbd: {  	v3 =	vxor.u32 $0x80000000, v3  }
0xbe: {  	(xrf0) =	vmax.scan.msk.u32 $0xffff, v3;
	_ =	sdelay $0x4  }
0xbf: {  	s22 =	spop (v2sf)  }
0xc0: {  	s21 =	sadd.s32 s22, s21;
	v3, _, _ =	vpop (xrf0)  }
0xc1: {  	s21 =	sadd.s32 $0x80000000, s21;
	(v2sf) =	vpush v3, $0xF  }
0xc2: {  	[tilespmem:s21+$0x7800] =	vst.msk vm0, v5  }
0xc3: {  	[tilespmem:s21+$0xA000] =	vst.msk vm0, v4  }
0xc4: {  	v3 =	vld [tilespmem:s18+$0x2860]  }
0xc5: {  	v4 =	vld [tilespmem:s18+$0x60];
	_ =	sdelay $0x6  }
0xc6: {  	v5 =	vld.idx.msk [tilespmem:v3+s13+$0x0], $0xffff;
	_ =	sdelay $0x3  }
0xc7: {  	s22 =	spop (v2sf)  }
0xc8: {  	s21 =	sadd.s32 s22, s21  }
0xc9: {  	vm0 =	veq.s32 v5, $0x1;
	s21 =	sadd.s32 $0x80000000, s21  }
0xca: {  	[tilespmem:s21+$0x7800] =	vst.msk vm0, v4;
	v4 =	vmpcnt.ones.xlane vm0  }
0xcb: {  	[tilespmem:s21+$0xA000] =	vst.msk vm0, v3  }
0xcc: {  	v3 =	vxor.u32 $0x80000000, v4;
	v4 =	vld [tilespmem:s18+$0x2870]  }
0xcd: {  	v5 =	vld [tilespmem:s18+$0x70];
	(xrf0) =	vmax.scan.msk.u32 $0xffff, v3;
	_ =	sdelay $0x5  }
0xce: {  	v3, _, _ =	vpop (xrf0)  }
0xcf: {  	v6 =	vld.idx.msk [tilespmem:v4+s13+$0x0], $0xffff;
	(v2sf) =	vpush v3, $0xF;
	_ =	sdelay $0x5  }
0xd0: {  	vm0 =	veq.s32 v6, $0x1  }
0xd1: {  	v3 =	vmpcnt.ones.xlane vm0;
	_ =	sdelay $0x1  }
0xd2: {  	v3 =	vxor.u32 $0x80000000, v3  }
0xd3: {  	(xrf0) =	vmax.scan.msk.u32 $0xffff, v3;
	_ =	sdelay $0x4  }
0xd4: {  	s18 =	spop (v2sf)  }
0xd5: {  	s18 =	sadd.s32 s18, s21;
	v3, _, _ =	vpop (xrf0)  }
0xd6: {  	s21 =	sadd.s32 $0x80000000, s18;
	(v2sf) =	vpush v3, $0xF  }
0xd7: {  	[tilespmem:s21+$0x7800] =	vst.msk vm0, v5  }
0xd8: {  	s18 =	sshra.s32 s20, $0x2;
	[tilespmem:s21+$0xA000] =	vst.msk vm0, v4  }
0xd9: {  	v3 =	vld [tilespmem:s18+$0x2800];
	_ =	sdelay $0x7  }
0xda: {  	v5 =	vld.idx.msk [tilespmem:v3+s13+$0x0], $0xffff  }
.Ltmp3:
0xdb: {  	(pc) =	sbr.rel @p0 .LBB2_8-.Ltmp3, $3  }
0xdc: {  	v4 =	vld [tilespmem:s18+$0x0];
	_ =	sdelay $0x1  }
0xdd: {  	s20 =	spop (v2sf)  }
0xde: {  	s20 =	sadd.s32 s20, s21  }
0xdf: {  	vm0 =	veq.s32 v5, $0x1;
	s19 =	sadd.s32 $0x80000000, s20  }
0xe0: {  	[tilespmem:s19+$0x7800] =	vst.msk vm0, v4;
	v48 =	vmpcnt.ones.xlane vm0  }
0xe1: {  	[tilespmem:s19+$0xA000] =	vst.msk vm0, v3  }
0xe2: {  	v3 =	vxor.u32 $0x80000000, v48;
	v49 =	vld [tilespmem:s18+$0x2810]  }
0xe3: {  	(xrf0) =	vmax.scan.msk.u32 $0xffff, v3;
	_ =	sdelay $0x5  }
0xe4: {  	v3, _, _ =	vpop (xrf0)  }
0xe5: {  	v50 =	vld.idx.msk [tilespmem:v49+s13+$0x0], $0xffff;
	(v2sf) =	vpush v3, $0xF;
	_ =	sdelay $0x4  }
0xe6: {  	vm9 =	veq.s32 v50, $0x1  }
0xe7: {  	v3 =	vmpcnt.ones.xlane vm9;
	_ =	sdelay $0x1  }
0xe8: {  	v3 =	vxor.u32 $0x80000000, v3  }
0xe9: {  	(xrf0) =	vmax.scan.msk.u32 $0xffff, v3;
	_ =	sdelay $0x3  }
0xea: {  	v3 =	vld [tilespmem:s18+$0x10];
	_ =	sdelay $0x1  }
0xeb: {  	s23 =	spop (v2sf);
	v51, _, _ =	vpop (xrf0)  }
0xec: {  	s19 =	sadd.s32 s23, s19;
	(v2sf) =	vpush v51, $0xF  }
0xed: {  	s19 =	sadd.s32 $0x80000000, s19  }
0xee: {  	[tilespmem:s19+$0x7800] =	vst.msk vm9, v3  }
0xef: {  	[tilespmem:s19+$0xA000] =	vst.msk vm9, v49  }
0xf0: {  	v3 =	vld [tilespmem:s18+$0x2820];
	_ =	sdelay $0x7  }
0xf1: {  	v4 =	vld.idx.msk [tilespmem:v3+s13+$0x0], $0xffff  }
0xf2: {  	v52 =	vld [tilespmem:s18+$0x20];
	_ =	sdelay $0x1  }
0xf3: {  	s24 =	spop (v2sf)  }
0xf4: {  	s19 =	sadd.s32 s24, s19  }
0xf5: {  	s19 =	sadd.s32 $0x80000000, s19;
	vm10 =	veq.s32 v4, $0x1  }
0xf6: {  	[tilespmem:s19+$0x7800] =	vst.msk vm10, v52;
	v4 =	vmpcnt.ones.xlane vm10  }
0xf7: {  	[tilespmem:s19+$0xA000] =	vst.msk vm10, v3  }
0xf8: {  	v3 =	vxor.u32 $0x80000000, v4;
	v53 =	vld [tilespmem:s18+$0x2830]  }
0xf9: {  	(xrf0) =	vmax.scan.msk.u32 $0xffff, v3;
	_ =	sdelay $0x5  }
0xfa: {  	v3, _, _ =	vpop (xrf0)  }
0xfb: {  	v5 =	vld.idx.msk [tilespmem:v53+s13+$0x0], $0xffff;
	(v2sf) =	vpush v3, $0xF;
	_ =	sdelay $0x4  }
0xfc: {  	vm11 =	veq.s32 v5, $0x1  }
0xfd: {  	v3 =	vmpcnt.ones.xlane vm11;
	_ =	sdelay $0x1  }
0xfe: {  	v3 =	vxor.u32 $0x80000000, v3  }
0xff: {  	(xrf0) =	vmax.scan.msk.u32 $0xffff, v3;
	_ =	sdelay $0x3  }
0x100: {  	v3 =	vld [tilespmem:s18+$0x30];
	_ =	sdelay $0x1  }
0x101: {  	s25 =	spop (v2sf);
	v54, _, _ =	vpop (xrf0)  }
0x102: {  	s19 =	sadd.s32 s25, s19;
	(v2sf) =	vpush v54, $0xF  }
0x103: {  	s19 =	sadd.s32 $0x80000000, s19  }
0x104: {  	[tilespmem:s19+$0x7800] =	vst.msk vm11, v3  }
0x105: {  	[tilespmem:s19+$0xA000] =	vst.msk vm11, v53  }
0x106: {  	v3 =	vld [tilespmem:s18+$0x2840];
	_ =	sdelay $0x7  }
0x107: {  	v4 =	vld.idx.msk [tilespmem:v3+s13+$0x0], $0xffff  }
0x108: {  	v55 =	vld [tilespmem:s18+$0x40];
	_ =	sdelay $0x1  }
0x109: {  	s26 =	spop (v2sf)  }
0x10a: {  	s19 =	sadd.s32 s26, s19  }
0x10b: {  	s19 =	sadd.s32 $0x80000000, s19;
	vm12 =	veq.s32 v4, $0x1  }
0x10c: {  	[tilespmem:s19+$0x7800] =	vst.msk vm12, v55;
	v4 =	vmpcnt.ones.xlane vm12  }
0x10d: {  	[tilespmem:s19+$0xA000] =	vst.msk vm12, v3  }
0x10e: {  	v3 =	vxor.u32 $0x80000000, v4;
	v56 =	vld [tilespmem:s18+$0x2850]  }
0x10f: {  	(xrf0) =	vmax.scan.msk.u32 $0xffff, v3;
	_ =	sdelay $0x5  }
0x110: {  	v3, _, _ =	vpop (xrf0)  }
0x111: {  	v5 =	vld.idx.msk [tilespmem:v56+s13+$0x0], $0xffff;
	(v2sf) =	vpush v3, $0xF;
	_ =	sdelay $0x4  }
0x112: {  	vm13 =	veq.s32 v5, $0x1  }
0x113: {  	v3 =	vmpcnt.ones.xlane vm13;
	_ =	sdelay $0x1  }
0x114: {  	v3 =	vxor.u32 $0x80000000, v3  }
0x115: {  	(xrf0) =	vmax.scan.msk.u32 $0xffff, v3;
	_ =	sdelay $0x3  }
0x116: {  	v3 =	vld [tilespmem:s18+$0x50];
	_ =	sdelay $0x1  }
0x117: {  	s28 =	spop (v2sf);
	v57, _, _ =	vpop (xrf0)  }
0x118: {  	s19 =	sadd.s32 s28, s19;
	(v2sf) =	vpush v57, $0xF  }
0x119: {  	s19 =	sadd.s32 $0x80000000, s19  }
0x11a: {  	[tilespmem:s19+$0x7800] =	vst.msk vm13, v3  }
0x11b: {  	[tilespmem:s19+$0xA000] =	vst.msk vm13, v56  }
0x11c: {  	v3 =	vld [tilespmem:s18+$0x2860];
	_ =	sdelay $0x7  }
0x11d: {  	v4 =	vld.idx.msk [tilespmem:v3+s13+$0x0], $0xffff  }
0x11e: {  	v58 =	vld [tilespmem:s18+$0x60];
	_ =	sdelay $0x1  }
0x11f: {  	s29 =	spop (v2sf)  }
0x120: {  	s19 =	sadd.s32 s29, s19  }
0x121: {  	s19 =	sadd.s32 $0x80000000, s19;
	vm14 =	veq.s32 v4, $0x1  }
0x122: {  	[tilespmem:s19+$0x7800] =	vst.msk vm14, v58  }
0x123: {  	[tilespmem:s19+$0xA000] =	vst.msk vm14, v3  }
0x124: {  	v3 =	vld [tilespmem:s18+$0x2870];
	_ =	sdelay $0x7  }
0x125: {  	v60 =	vmpcnt.ones.xlane vm14;
	v59 =	vld.idx.msk [tilespmem:v3+s13+$0x0], $0xffff;
	_ =	sdelay $0x1  }
0x126: {  	v5 =	vxor.u32 $0x80000000, v60  }
0x127: {  	(xrf0) =	vmax.scan.msk.u32 $0xffff, v5;
	_ =	sdelay $0x1  }
0x128: {  	vm15 =	veq.s32 v59, $0x1  }
0x129: {  	v4 =	vmpcnt.ones.xlane vm15;
	_ =	sdelay $0x1  }
0x12a: {  	v4 =	vxor.u32 $0x80000000, v4  }
0x12b: {  	v61, _, _ =	vpop (xrf0);
	(xrf0) =	vmax.scan.msk.u32 $0xffff, v4  }
0x12c: {  	(v2sf) =	vpush v61, $0xF;
	_ =	sdelay $0x4  }
0x12d: {  	v62, _, _ =	vpop (xrf0)  }
0x12e: {  	(v2sf) =	vpush v62, $0xF;
	_ =	sdelay $0x6  }
0x12f: {  	v63 =	vld [tilespmem:s18+$0x70];
	_ =	sdelay $0x1  }
0x130: {  	s30 =	spop (v2sf)  }
0x131: {  	s18 =	sadd.s32 s30, s19  }
0x132: {  	s18 =	sadd.s32 $0x80000000, s18  }
0x133: {  	[tilespmem:s18+$0x7800] =	vst.msk vm15, v63  }
0x134: {  	[tilespmem:s18+$0xA000] =	vst.msk vm15, v3  }
0x135: {  	[hbm4b:s6+s3] =	stream.linear.scatter [tilespmem:s14], [sflag:$0x1], $0x2800, $0x38;
	[tilespmem:$0xD080] =	vst v63  }
0x136: {  	s31 =	spop (v2sf)  }
0x137: {  	_ =	swait.ge [sflag:s10], $0x2800  }
0x138: {  	[sflag:s10] =	ssyncset.done $0x0  }
0x139: {  	[sflag:s10] =	ssyncadd.s32 $0xFFFFD800  }
0x13a: {  	[hbm4b:s7+s3] =	stream.linear.scatter [tilespmem:s15], [sflag:$0x1], $0x2800, $0x38;
	[tilespmem:$0xD080] =	vst v63  }
0x13b: {  	s18 =	sadd.s32 s31, s18;
	_ =	swait.ge [sflag:s10], $0x2800  }
0x13c: {  	s17 =	sadd.s32 $0x1, s17;
	s18 =	sadd.s32 $0x80000000, s18;
	[sflag:s10] =	ssyncset.done $0x0  }
0x13d: {  	p0 =	sne.s32 s17, s9;
	v3 =	vmov s18;
	[sflag:s10] =	ssyncadd.s32 $0xFFFFD800  }
.Ltmp4:
0x13e: {  	[tilespmem:$0xD000] =	vst v3;
	(pc) =	sbr.rel @p0 .LBB2_1-.Ltmp4, $4  }
0x13f: {  	[hbm4b:s8+s3] =	stream.linear.scatter [tilespmem:s16], [sflag:$0x1], $0x80, $0x38;
	[tilespmem:$0xD080] =	vst v63  }
0x140: {  	_ =	swait.ge [sflag:s10], $0x80  }
0x141: {  	[sflag:s10] =	ssyncset.done $0x0  }
0x142: {  	[sflag:s10] =	ssyncadd.s32 $0xFFFFFF80  }
0x143: {  	_ =	sfence.sel $0x180000  }
0x144: {  	[bflag:$0x0] =	sbarrier.arrive $0xFFFF  }
0x145: {  	p0 =	sne.s32 s0, $0x0;
	_ =	strace $0x9000004A  }
0x146: {  	s0 =	sadd.s32 @!p0 $0x100000, s1;
	[bflag:$0x2] =	sbarrier.arrive $0xFFFF  }
0x147: {  	[sflag:s0] =	ssyncadd.tile.s32 @!p0 $0x1;
	_ =	shalt  }
.Lfunc_end2:
_tile_overlayer_lowered:
.L_overlay_start_2:
0x148: {  	(tag) =	ssettag $0x2  }
0x149: {  	s0 =	rddreg [dreg:$0x0];
	s2 =	stileid.u32  }
0x14a: {  	s1 =	rddreg [dreg:$0x1];
	p0 =	sne.s32 s2, $0x0  }
0x14b: {  	s3 =	rddreg [dreg:$0x2];
	[bflag:$0x3] =	sbarrier.arrive $0xFFFF;
	s2 =	simm.s32 @!p0 $0x1C01  }
0x14c: {  	[timem:s3], [sflag:s2] =	dma.local @!p0 [hbm:s0], s1  }
0x14d: {  	s0 =	simm.s32 @!p0 $0x1  }
0x14e: {  	_ =	swait.ge @!p0 [sflag:s0], s1  }
0x14f: {  	s1 =	ssub.s32 @!p0 $0x0, s1;
	[sflag:s0] =	ssyncset.done @!p0 $0x0  }
0x150: {  	[sflag:s0] =	ssyncadd.s32 @!p0 s1  }
0x151: {  	[bflag:$0x3] =	sbarrier.arrive $0xFFFF  }
0x152: {  	_ =	shalt  }

// kernel: sc_gather_batch.3.cloned.1.call-start
scs
__scs_entry_jumppad:
0x0: {  	(pc) =	sbr.rel $0x88, $3  }
0x1: {  	(tag) =	ssettag $0x0;
	lr =	simm.s32 $0x1  }
0x2: {  	[smem:$0x3F93] =	sst lr;
	_ =	strace $0xD0000000  }
0x3: {  	_ = 	snop  }
0x4: {  	_ = 	snop  }
0x5: {  	_ = 	snop  }
0x6: {  	_ = 	snop  }
0x7: {  	_ = 	snop  }
__scs_overlays_trampoline_lowered:
0x8: {  	[smem:$0x3FA2] =	sst s0  }
0x9: {  	[smem:$0x3FA3] =	sst s1  }
0xa: {  	[smem:$0x3FA4] =	sst s2  }
0xb: {  	[smem:$0x3FA5] =	sst s3  }
0xc: {  	[smem:$0x3FA6] =	sst s4  }
0xd: {  	[smem:$0x3FA7] =	sst s5  }
0xe: {  	[smem:$0x3FA8] =	sst s6  }
0xf: {  	[smem:$0x3FA9] =	sst s7  }
0x10: {  	[smem:$0x3FAA] =	sst s8  }
0x11: {  	[smem:$0x3FAB] =	sst s9;
	s0 =	simm.s32 @!p0 $0x0  }
0x12: {  	s1 =	sld [smem:$0x3F91];
	s0 =	simm.s32 @p0 $0x1  }
0x13: {  	[smem:$0x3FAC] =	sst s0;
	s0 =	simm.s32 @!p1 $0x0  }
0x14: {  	s2 =	sld [smem:$0x3F90];
	s0 =	simm.s32 @p1 $0x1  }
0x15: {  	[smem:$0x3FAD] =	sst s0;
	s0 =	simm.s32 @!p2 $0x0  }
0x16: {  	s3 =	sld [smem:$0x3FDB];
	s0 =	simm.s32 @p2 $0x1  }
0x17: {  	s4 =	simm.s32 $0x1BF5;
	[smem:$0x3FAF] =	sst s0  }
0x18: {  	s0 =	sld [smem:$0x3F92];
	_ =	swait.ge [sflag:s4], $0x0  }
0x19: {  	s7 =	sld [smem:$0x3F93]  }
0x1a: {  	s8 =	sadd.s32 $0xFFFFE003, lr  }
0x1b: {  	s9 =	sadd.s32 $0xFFFFFEF7, lr;
	s5 =	simm.s32 $0xFFFFFFFF;
	p2 =	slt.u32 s8, $0xFFFFF086  }
0x1c: {  	p1 =	slt.u32 s9, $0xF7A;
	s5 =	simm.s32 @!p2 $0x0  }
0x1d: {  	s5 =	simm.s32 @p1 $0x1;
	p0 =	seq.s32 s7, s2  }
0x1e: {  	s7 =	smul.u32 @!p0 $0xF7A, s2;
	p2 =	seq.s32 @!p0 s5, $0x0  }
0x1f: {  	s9 =	smul.u32 $0xF7A, s1;
	s8 =	simm.s32 @!p0 $0x1BF5;
	p2 =	por !p2, p0  }
0x20: {  	[sflag:s8] =	ssyncset.s32 @!p0 $0xFFFFF086;
	s6 =	sadd.s32 @!p0 s3, s7;
	s7 =	simm.s32 @!p0 $0x108  }
0x21: {  	s3 =	sadd.s32 s3, s9;
	s6 =	sadd.s32 @!p0 $0x88, s6;
	s7 =	simm.s32 @p2 $0x1082  }
0x22: {  	[simem:s7], [sflag:s8] =	dma.local @!p0 [hbm:s6], $0xF7A  }
0x23: {  	s9 =	sor.u32 $0xD0000000, s2;
	s6 =	simm.s32 $0x108;
	_ =	swait.ge @!p0 [sflag:s8], $0x0  }
0x24: {  	s3 =	sadd.s32 $0x88, s3;
	s6 =	simm.s32 @!p1 $0x1082;
	[sflag:s4] =	ssyncset.s32 $0xFFFFF086  }
0x25: {  	[simem:s6], [sflag:s4] =	dma.local [hbm:s3], $0xF7A  }
0x26: {  	[smem:$0x3F93] =	sst s1;
	(tag) =	ssettag s2;
	_ =	strace s9  }
0x27: {  	s1 =	sld [smem:$0x3FA3]  }
0x28: {  	s2 =	sld [smem:$0x3FA4]  }
0x29: {  	s4 =	sld [smem:$0x3FA6]  }
0x2a: {  	p0 =	seq.s32 s5, $0x0;
	s5 =	sld [smem:$0x3FA7]  }
0x2b: {  	s6 =	sld [smem:$0x3FA8]  }
0x2c: {  	s7 =	sld [smem:$0x3FA9]  }
0x2d: {  	s3 =	simm.s32 $0x108;
	s8 =	sld [smem:$0x3FAA]  }
0x2e: {  	s3 =	simm.s32 @!p0 $0x1082;
	s9 =	sld [smem:$0x3FAB]  }
0x2f: {  	lr =	sadd.s32 s0, s3;
	s0 =	sld [smem:$0x3FA2]  }
0x30: {  	s3 =	sld [smem:$0x3FA5]  }
0x31: {  	[smem:$0x3FAE] =	sst s10  }
0x32: {  	s10 =	sld [smem:$0x3FAC];
	_ =	sdelay $0x3  }
0x33: {  	p0 =	seq.s32 s10, $0x1;
	s10 =	sld [smem:$0x3FAE];
	_ =	sdelay $0x3  }
0x34: {  	[smem:$0x3FAE] =	sst s10  }
0x35: {  	s10 =	sld [smem:$0x3FAD];
	_ =	sdelay $0x3  }
0x36: {  	p1 =	seq.s32 s10, $0x1;
	s10 =	sld [smem:$0x3FAE];
	_ =	sdelay $0x3  }
0x37: {  	[smem:$0x3FAE] =	sst s10  }
0x38: {  	s10 =	sld [smem:$0x3FAF]  }
0x39: {  	_ = 	snop;
	(pc) =	sbr.ind lr, $3  }
0x3a: {  	_ = 	snop  }
0x3b: {  	_ = 	snop  }
0x3c: {  	p2 =	seq.s32 s10, $0x1;
	s10 =	sld [smem:$0x3FAE]  }
0x3d: {  	_ =	shalt  }
0x3e: {  	_ =	shalt  }
0x3f: {  	_ =	shalt  }
0x40: {  	_ =	shalt  }
0x41: {  	_ =	shalt  }
0x42: {  	_ =	shalt  }
0x43: {  	_ =	shalt  }
0x44: {  	_ =	shalt  }
0x45: {  	_ =	shalt  }
0x46: {  	_ =	shalt  }
0x47: {  	_ =	shalt  }
0x48: {  	_ =	shalt  }
0x49: {  	_ =	shalt  }
0x4a: {  	_ =	shalt  }
0x4b: {  	_ =	shalt  }
0x4c: {  	_ =	shalt  }
0x4d: {  	_ =	shalt  }
0x4e: {  	_ =	shalt  }
0x4f: {  	_ =	shalt  }
0x50: {  	_ =	shalt  }
0x51: {  	_ =	shalt  }
0x52: {  	_ =	shalt  }
0x53: {  	_ =	shalt  }
0x54: {  	_ =	shalt  }
0x55: {  	_ =	shalt  }
0x56: {  	_ =	shalt  }
0x57: {  	_ =	shalt  }
0x58: {  	_ =	shalt  }
0x59: {  	_ =	shalt  }
0x5a: {  	_ =	shalt  }
0x5b: {  	_ =	shalt  }
0x5c: {  	_ =	shalt  }
0x5d: {  	_ =	shalt  }
0x5e: {  	_ =	shalt  }
0x5f: {  	_ =	shalt  }
0x60: {  	_ =	shalt  }
0x61: {  	_ =	shalt  }
0x62: {  	_ =	shalt  }
0x63: {  	_ =	shalt  }
0x64: {  	_ =	shalt  }
0x65: {  	_ =	shalt  }
0x66: {  	_ =	shalt  }
0x67: {  	_ =	shalt  }
0x68: {  	_ =	shalt  }
0x69: {  	_ =	shalt  }
0x6a: {  	_ =	shalt  }
0x6b: {  	_ =	shalt  }
0x6c: {  	_ =	shalt  }
0x6d: {  	_ =	shalt  }
0x6e: {  	_ =	shalt  }
0x6f: {  	_ =	shalt  }
0x70: {  	_ =	shalt  }
0x71: {  	_ =	shalt  }
0x72: {  	_ =	shalt  }
0x73: {  	_ =	shalt  }
0x74: {  	_ =	shalt  }
0x75: {  	_ =	shalt  }
0x76: {  	_ =	shalt  }
0x77: {  	_ =	shalt  }
0x78: {  	_ =	shalt  }
0x79: {  	_ =	shalt  }
0x7a: {  	_ =	shalt  }
0x7b: {  	_ =	shalt  }
0x7c: {  	_ =	shalt  }
0x7d: {  	_ =	shalt  }
0x7e: {  	_ =	shalt  }
0x7f: {  	_ =	shalt  }
0x80: {  	_ =	shalt  }
0x81: {  	_ =	shalt  }
0x82: {  	_ =	shalt  }
0x83: {  	_ =	shalt  }
0x84: {  	_ =	shalt  }
0x85: {  	_ =	shalt  }
0x86: {  	_ =	shalt  }
0x87: {  	_ =	shalt  }
.Lfunc_end0:
.L_simem_size_0:
called_computation.3_lowered:
.L_overlay_start_0:
0x88: {  	s2 =	sld [smem:$0x3FD9]  }
0x89: {  	s3 =	sld [smem:$0x3FFE];
	_ =	sdelay $0x1  }
0x8a: {  	s1 =	srdreg.scid  }
0x8b: {  	s0 =	sand.u32 $0x1, s1  }
0x8c: {  	s17 =	sshll.u32 s0, $0xA;
	s2 =	sadd.s32 s3, s2  }
0x8d: {  	s2 =	sadd.s32 s2, s17  }
0x8e: {  	[smem:$0x3FBA] =	sst s2  }
0x8f: {  	_ = 	snop  }
0x90: {  	s2 =	sld [smem:$0x3FC7];
	(tm) =	ssettm $0x1  }
0x91: {  	s18 =	sld [smem:$0x3FFB];
	_ =	sdelay $0x3  }
0x92: {  	_ =	strace s18  }
0x93: {  	s3 =	sld [smem:$0x3FFC];
	_ =	sdelay $0x3  }
0x94: {  	_ =	strace s3  }
0x95: {  	s3 =	sld [smem:$0x3FFD];
	_ =	sdelay $0x3  }
0x96: {  	_ =	strace s3  }
0x97: {  	_ =	strace $0x8FFFFFFF  }
0x98: {  	s19 =	sld [smem:$0x3FDB];
	_ =	sdelay $0x1  }
0x99: {  	s4 =	simm.s32 $_scs_section_size  }
0x9a: {  	s5 =	simm.s32 $_size__tile_overlayer_lowered;
	s6 =	simm.s32 $_tile_overlayer_lowered  }
0x9b: {  	s22 =	simm.s32 $0x1BFF;
	s21 =	sshll.u32 s6, $0x1;
	s3 =	sadd.s32 s4, s19  }
0x9c: {  	s7 =	simm.s32 $0x0;
	s20 =	sshll.u32 s5, $0x1;
	s5 =	sadd.s32 s21, s3  }
0x9d: {  	[timem:s7], [sflag:s22] =	dma.local [hbm:s5], s20  }
0x9e: {  	_ =	swait.ge [sflag:s22], s20  }
0x9f: {  	s4 =	ssub.s32 $0x0, s20;
	[sflag:s22] =	ssyncset.done $0x0  }
0xa0: {  	[sflag:s22] =	ssyncadd.s32 s4;
	_ =	sdelay $0x1  }
0xa1: {  	s23 =	simm.s32 $0x1B8B  }
0xa2: {  	_ =	swait.ge [sflag:s23], $0x1  }
0xa3: {  	[sflag:s23] =	ssyncset.done $0x0  }
0xa4: {  	s25 =	simm.s32 $0x1B8E;
	s24 =	sld [smem:$0x3FFE];
	[sflag:s23] =	ssyncadd.s32 $0xFFFFFFFF  }
0xa5: {  	s26 =	simm.s32 $execute0_lowered;
	[smem:$0x3FD2] =	sst s25  }
0xa6: {  	s5 =	sshll.u32 s26, $0x1;
	_ =	strace $0x8000004F;
	[dreg:$0x1] =	wrdreg $0xFFFFFFFF  }
0xa7: {  	s28 =	simm.s32 $_size_execute0_lowered;
	s3 =	sadd.s32 s3, s5;
	[dreg:$0x0] =	wrdreg $0x0  }
0xa8: {  	s5 =	sshll.u32 s28, $0x1;
	[dreg:$0x2] =	wrdreg s3  }
0xa9: {  	[dreg:$0x3] =	wrdreg s5  }
0xaa: {  	[dreg:$0x4] =	wrdreg $0xC0  }
0xab: {  	_ =	task [dreg:s7], $0x5FFFF  }
0xac: {  	[dreg:$0x1] =	wrdreg $0xFFFFFFFF  }
0xad: {  	[dreg:$0x0] =	wrdreg $0x60  }
0xae: {  	[dreg:$0x2] =	wrdreg s24  }
0xaf: {  	[dreg:$0x3] =	wrdreg s2  }
0xb0: {  	[dreg:$0x4] =	wrdreg $0x9  }
0xb1: {  	_ =	task.clear_ibuf [dreg:s7], $0x5FFFF;
	_ =	strace $0x9000004F  }
0xb2: {  	s29 =	simm.s32 $0x9;
	_ =	strace $0x80000051  }
0xb3: {  	_ =	swait.ge [sflag:s29], $0x1  }
0xb4: {  	[sflag:s29] =	ssyncadd.s32 $0xFFFFFFFF  }
0xb5: {  	_ =	strace $0x90000051  }
0xb6: {  	_ =	sfence  }
0xb7: {  	s30 =	sld [smem:$0x0];
	_ =	sdelay $0x2  }
0xb8: {  	s31 =	sshll.u32 s1, $0xD;
	s1 =	sshrl.u32 s1, $0x2  }
0xb9: {  	s3 =	sand.u32 $0x4000, s31;
	s1 =	sadd.s32 s1, s30  }
0xba: {  	s0 =	sor.u32 s3, s0;
	s1 =	sshll.u32 s1, $0x11  }
0xbb: {  	s0 =	sor.u32 s1, s0  }
0xbc: {  	s0 =	sadd.s32 $0x8F2B, s0  }
0xbd: {  	[sflag:s0] =	ssyncadd.remote.s32 $0x1  }
0xbe: {  	_ =	sfence.sel $0xFFFF  }
0xbf: {  	[dreg:$0x0] =	wrdreg $0xFFFFFFFF;
	(pc) =	sbr.abs _section_cstart, $3  }
0xc0: {  	[dreg:$0x1] =	wrdreg $0xFFFFFFFF  }
0xc1: {  	_ =	task.clear_ibuf [dreg:s7], $0x2FFFF;
	_ =	strace $0x9FFFFFFF  }
0xc2: {  	(tm) =	ssettm $0x7FFFFFFF  }
0xc3: {  	_ =	shalt  }
tec
execute0_lowered:
.L_overlay_start_1:
0x0: {  	(tag) =	ssettag $0x1  }
0x1: {  	s1 =	srdreg.scid  }
0x2: {  	s12 =	rddreg [dreg:$0x0];
	s0 =	stileid.u32;
	s13 =	sand.u32 $0x1, s1  }
0x3: {  	s3 =	rddreg [dreg:$0x1];
	s4 =	sshll.u32 s0, $0x7;
	s5 =	sshll.u32 s13, $0x6  }
0x4: {  	s2 =	simm.s32 $0x0;
	s1 =	rddreg [dreg:$0x2];
	s9 =	sor.u32 s5, s4  }
0x5: {  	[smem:$0x7FF] =	sst s2;
	s14 =	sshrl.u32 s9, $0x3  }
0x6: {  	_ =	strace $0x80000050;
	s4 =	sadd.s32 s3, s14;
	s3 =	simm.s32 $0x2  }
0x7: {  	[tilespmem:s2], [sflag:$0x2] =	stream.linear.gather [hbm4b:s4+s2], $0x40, $0x38;
	[tilespmem:$0x4900] =	vst v63  }
0x8: {  	_ =	swait.ge [sflag:s3], $0x40  }
0x9: {  	s6 =	simm.s32 $0x40;
	s7 =	simm.s32 $0x80;
	[sflag:s3] =	ssyncset.done $0x0  }
0xa: {  	s8 =	simm.s32 $0x1;
	s5 =	sadd.s32 $0x4600, s12;
	[sflag:s3] =	ssyncadd.s32 $0xFFFFFFC0  }
0xb: {  	[tilespmem:s7], [sflag:$0x1] =	stream.indirect.gather [hbm4b:s5+s6], $0x80, s2, s6, $0xb8;
	[tilespmem:$0x4900] =	vst v63  }
0xc: {  	s9 =	sshll.u32 s9, $0x4;
	_ =	swait.ge [sflag:s8], $0x2000  }
0xd: {  	s9 =	sadd.s32 s9, s12;
	[sflag:s8] =	ssyncset.done $0x0  }
0xe: {  	s9 =	sadd.s32 $0x2C800, s9;
	[sflag:s8] =	ssyncadd.s32 $0xFFFFE000  }
0xf: {  	[hbm4b:s9+s2] =	stream.linear.scatter [tilespmem:s7], [sflag:$0x2], $0x2000, $0x38;
	[tilespmem:$0x4900] =	vst v63  }
0x10: {  	_ =	swait.ge [sflag:s3], $0x2000  }
0x11: {  	[sflag:s3] =	ssyncset.done $0x0  }
0x12: {  	s11 =	simm.s32 $0x2080;
	s10 =	sadd.s32 $0xB8600, s12;
	[sflag:s3] =	ssyncadd.s32 $0xFFFFE000  }
0x13: {  	[tilespmem:s11], [sflag:$0x2] =	stream.linear.gather [hbm4b:s10+s2], $0x2800, $0x38;
	[tilespmem:$0x4900] =	vst v63  }
0x14: {  	_ =	swait.ge [sflag:s3], $0x2800  }
0x15: {  	[sflag:s3] =	ssyncset.done $0x0  }
0x16: {  	[sflag:s3] =	ssyncadd.s32 $0xFFFFD800  }
0x17: {  	v0 =	vld [tilespmem:$0x0];
	_ =	sdelay $0x5  }
0x18: {  	v1 =	vld [tilespmem:$0x10];
	_ =	sdelay $0x1  }
0x19: {  	v0 =	vld.idx.msk [tilespmem:v0+s11+$0x0], $0xffff;
	_ =	sdelay $0x3  }
0x1a: {  	v2 =	vld [tilespmem:$0x20]  }
0x1b: {  	[tilespmem:$0x4880] =	vst v0  }
0x1c: {  	v0 =	vld.idx.msk [tilespmem:v1+s11+$0x0], $0xffff;
	_ =	sdelay $0x3  }
0x1d: {  	v63 =	vld [tilespmem:$0x30]  }
0x1e: {  	[tilespmem:$0x4890] =	vst v0  }
0x1f: {  	v0 =	vld.idx.msk [tilespmem:v2+s11+$0x0], $0xffff;
	_ =	sdelay $0x4  }
0x20: {  	s13 =	ssub.s32 $0x2, s13;
	[tilespmem:$0x48A0] =	vst v0  }
0x21: {  	s15 =	sshrl.u32 s13, $0x1;
	v0 =	vld.idx.msk [tilespmem:v63+s11+$0x0], $0xffff  }
0x22: {  	s13 =	ssub.s32 s13, s15  }
0x23: {  	s31 =	smax.u32 s13, $0x1  }
0x24: {  	p0 =	sne.s32 s31, $0x1  }
.Ltmp0:
0x25: {  	s12 =	sadd.s32 s14, s12;
	(pc) =	sbr.rel @!p0 .LBB2_2-.Ltmp0, $4  }
0x26: {  	s13 =	simm.s32 $0x4880;
	s12 =	sadd.s32 $0x2C600, s12;
	[tilespmem:$0x48B0] =	vst v0  }
0x27: {  	[hbm4b:s12+s2] =	stream.linear.scatter [tilespmem:s13], [sflag:$0x2], $0x40, $0x38;
	[tilespmem:$0x4900] =	vst v63  }
0x28: {  	_ =	swait.ge [sflag:s3], $0x40  }
0x29: {  	s14 =	sadd.s32 $0xFFFFFFFF, s31;
	[sflag:s3] =	ssyncset.done $0x0  }
.LBB2_1:
0x2a: {  	p0 =	sne.s32 s14, $0x1;
	s14 =	sadd.s32 $0xFFFFFFFF, s14;
	[sflag:s3] =	ssyncadd.s32 $0xFFFFFFC0  }
0x2b: {  	[tilespmem:s2], [sflag:$0x2] =	stream.linear.gather [hbm4b:s4+s2], $0x40, $0x38;
	[tilespmem:$0x4900] =	vst v63  }
0x2c: {  	_ =	swait.ge [sflag:s3], $0x40  }
0x2d: {  	[sflag:s3] =	ssyncset.done $0x0  }
0x2e: {  	[sflag:s3] =	ssyncadd.s32 $0xFFFFFFC0  }
0x2f: {  	[tilespmem:s7], [sflag:$0x1] =	stream.indirect.gather [hbm4b:s5+s6], $0x80, s2, s6, $0xb8;
	[tilespmem:$0x4900] =	vst v63  }
0x30: {  	_ =	swait.ge [sflag:s8], $0x2000  }
0x31: {  	[sflag:s8] =	ssyncset.done $0x0  }
0x32: {  	[sflag:s8] =	ssyncadd.s32 $0xFFFFE000  }
0x33: {  	[hbm4b:s9+s2] =	stream.linear.scatter [tilespmem:s7], [sflag:$0x2], $0x2000, $0x38;
	[tilespmem:$0x4900] =	vst v63  }
0x34: {  	_ =	swait.ge [sflag:s3], $0x2000  }
0x35: {  	[sflag:s3] =	ssyncset.done $0x0  }
0x36: {  	[sflag:s3] =	ssyncadd.s32 $0xFFFFE000  }
0x37: {  	[tilespmem:s11], [sflag:$0x2] =	stream.linear.gather [hbm4b:s10+s2], $0x2800, $0x38;
	[tilespmem:$0x4900] =	vst v63  }
0x38: {  	_ =	swait.ge [sflag:s3], $0x2800  }
0x39: {  	[sflag:s3] =	ssyncset.done $0x0  }
0x3a: {  	[sflag:s3] =	ssyncadd.s32 $0xFFFFD800  }
0x3b: {  	v0 =	vld [tilespmem:$0x0];
	_ =	sdelay $0x6  }
0x3c: {  	v1 =	vld [tilespmem:$0x10]  }
0x3d: {  	v0 =	vld.idx.msk [tilespmem:v0+s11+$0x0], $0xffff;
	_ =	sdelay $0x5  }
0x3e: {  	[tilespmem:$0x4880] =	vst v0;
	v0 =	vld [tilespmem:$0x20]  }
0x3f: {  	v1 =	vld.idx.msk [tilespmem:v1+s11+$0x0], $0xffff;
	_ =	sdelay $0x5  }
0x40: {  	[tilespmem:$0x4890] =	vst v1;
	v1 =	vld [tilespmem:$0x30]  }
0x41: {  	v0 =	vld.idx.msk [tilespmem:v0+s11+$0x0], $0xffff;
	_ =	sdelay $0x5  }
0x42: {  	[tilespmem:$0x48A0] =	vst v0  }
0x43: {  	v0 =	vld.idx.msk [tilespmem:v1+s11+$0x0], $0xffff;
	_ =	sdelay $0x4  }
.Ltmp1:
0x44: {  	(pc) =	sbr.rel @p0 .LBB2_1-.Ltmp1, $4  }
0x45: {  	[tilespmem:$0x48B0] =	vst v0  }
0x46: {  	[hbm4b:s12+s2] =	stream.linear.scatter [tilespmem:s13], [sflag:$0x2], $0x40, $0x38;
	[tilespmem:$0x4900] =	vst v63  }
0x47: {  	_ =	swait.ge [sflag:s3], $0x40  }
0x48: {  	[sflag:s3] =	ssyncset.done $0x0  }
.LBB2_2:
0x49: {  	[sflag:s3] =	ssyncadd.s32 $0xFFFFFFC0  }
0x4a: {  	_ =	sfence.sel $0x180000  }
0x4b: {  	[bflag:$0x0] =	sbarrier.arrive $0xFFFF  }
0x4c: {  	p0 =	sne.s32 s0, $0x0;
	_ =	strace $0x90000050  }
0x4d: {  	s0 =	sadd.s32 @!p0 $0x100000, s1;
	[bflag:$0x2] =	sbarrier.arrive $0xFFFF  }
0x4e: {  	[sflag:s0] =	ssyncadd.tile.s32 @!p0 $0x1;
	_ =	shalt  }
.Lfunc_end2:
_tile_overlayer_lowered:
.L_overlay_start_2:
0x4f: {  	(tag) =	ssettag $0x2  }
0x50: {  	s0 =	rddreg [dreg:$0x0];
	s2 =	stileid.u32  }
0x51: {  	s1 =	rddreg [dreg:$0x1];
	p0 =	sne.s32 s2, $0x0  }
0x52: {  	s3 =	rddreg [dreg:$0x2];
	[bflag:$0x3] =	sbarrier.arrive $0xFFFF;
	s2 =	simm.s32 @!p0 $0x1C02  }
0x53: {  	[timem:s3], [sflag:s2] =	dma.local @!p0 [hbm:s0], s1  }
0x54: {  	s0 =	simm.s32 @!p0 $0x2  }
0x55: {  	_ =	swait.ge @!p0 [sflag:s0], s1  }
0x56: {  	s1 =	ssub.s32 @!p0 $0x0, s1;
	[sflag:s0] =	ssyncset.done @!p0 $0x0  }
0x57: {  	[sflag:s0] =	ssyncadd.s32 @!p0 s1  }
0x58: {  	[bflag:$0x3] =	sbarrier.arrive $0xFFFF  }
0x59: {  	_ =	shalt  }

// kernel: sc_segsum.3.cloned.1.call-start
scs
__scs_entry_jumppad:
0x0: {  	(pc) =	sbr.rel $0x88, $3  }
0x1: {  	(tag) =	ssettag $0x0;
	lr =	simm.s32 $0x1  }
0x2: {  	[smem:$0x3F93] =	sst lr;
	_ =	strace $0xD0000000  }
0x3: {  	_ = 	snop  }
0x4: {  	_ = 	snop  }
0x5: {  	_ = 	snop  }
0x6: {  	_ = 	snop  }
0x7: {  	_ = 	snop  }
__scs_overlays_trampoline_lowered:
0x8: {  	[smem:$0x3FA2] =	sst s0  }
0x9: {  	[smem:$0x3FA3] =	sst s1  }
0xa: {  	[smem:$0x3FA4] =	sst s2  }
0xb: {  	[smem:$0x3FA5] =	sst s3  }
0xc: {  	[smem:$0x3FA6] =	sst s4  }
0xd: {  	[smem:$0x3FA7] =	sst s5  }
0xe: {  	[smem:$0x3FA8] =	sst s6  }
0xf: {  	[smem:$0x3FA9] =	sst s7  }
0x10: {  	[smem:$0x3FAA] =	sst s8  }
0x11: {  	[smem:$0x3FAB] =	sst s9;
	s0 =	simm.s32 @!p0 $0x0  }
0x12: {  	s1 =	sld [smem:$0x3F91];
	s0 =	simm.s32 @p0 $0x1  }
0x13: {  	[smem:$0x3FAC] =	sst s0;
	s0 =	simm.s32 @!p1 $0x0  }
0x14: {  	s2 =	sld [smem:$0x3F90];
	s0 =	simm.s32 @p1 $0x1  }
0x15: {  	[smem:$0x3FAD] =	sst s0;
	s0 =	simm.s32 @!p2 $0x0  }
0x16: {  	s3 =	sld [smem:$0x3FDB];
	s0 =	simm.s32 @p2 $0x1  }
0x17: {  	s4 =	simm.s32 $0x1BF5;
	[smem:$0x3FAF] =	sst s0  }
0x18: {  	s0 =	sld [smem:$0x3F92];
	_ =	swait.ge [sflag:s4], $0x0  }
0x19: {  	s7 =	sld [smem:$0x3F93]  }
0x1a: {  	s8 =	sadd.s32 $0xFFFFE003, lr  }
0x1b: {  	s9 =	sadd.s32 $0xFFFFFEF7, lr;
	s5 =	simm.s32 $0xFFFFFFFF;
	p2 =	slt.u32 s8, $0xFFFFF086  }
0x1c: {  	p1 =	slt.u32 s9, $0xF7A;
	s5 =	simm.s32 @!p2 $0x0  }
0x1d: {  	s5 =	simm.s32 @p1 $0x1;
	p0 =	seq.s32 s7, s2  }
0x1e: {  	s7 =	smul.u32 @!p0 $0xF7A, s2;
	p2 =	seq.s32 @!p0 s5, $0x0  }
0x1f: {  	s9 =	smul.u32 $0xF7A, s1;
	s8 =	simm.s32 @!p0 $0x1BF5;
	p2 =	por !p2, p0  }
0x20: {  	[sflag:s8] =	ssyncset.s32 @!p0 $0xFFFFF086;
	s6 =	sadd.s32 @!p0 s3, s7;
	s7 =	simm.s32 @!p0 $0x108  }
0x21: {  	s3 =	sadd.s32 s3, s9;
	s6 =	sadd.s32 @!p0 $0x88, s6;
	s7 =	simm.s32 @p2 $0x1082  }
0x22: {  	[simem:s7], [sflag:s8] =	dma.local @!p0 [hbm:s6], $0xF7A  }
0x23: {  	s9 =	sor.u32 $0xD0000000, s2;
	s6 =	simm.s32 $0x108;
	_ =	swait.ge @!p0 [sflag:s8], $0x0  }
0x24: {  	s3 =	sadd.s32 $0x88, s3;
	s6 =	simm.s32 @!p1 $0x1082;
	[sflag:s4] =	ssyncset.s32 $0xFFFFF086  }
0x25: {  	[simem:s6], [sflag:s4] =	dma.local [hbm:s3], $0xF7A  }
0x26: {  	[smem:$0x3F93] =	sst s1;
	(tag) =	ssettag s2;
	_ =	strace s9  }
0x27: {  	s1 =	sld [smem:$0x3FA3]  }
0x28: {  	s2 =	sld [smem:$0x3FA4]  }
0x29: {  	s4 =	sld [smem:$0x3FA6]  }
0x2a: {  	p0 =	seq.s32 s5, $0x0;
	s5 =	sld [smem:$0x3FA7]  }
0x2b: {  	s6 =	sld [smem:$0x3FA8]  }
0x2c: {  	s7 =	sld [smem:$0x3FA9]  }
0x2d: {  	s3 =	simm.s32 $0x108;
	s8 =	sld [smem:$0x3FAA]  }
0x2e: {  	s3 =	simm.s32 @!p0 $0x1082;
	s9 =	sld [smem:$0x3FAB]  }
0x2f: {  	lr =	sadd.s32 s0, s3;
	s0 =	sld [smem:$0x3FA2]  }
0x30: {  	s3 =	sld [smem:$0x3FA5]  }
0x31: {  	[smem:$0x3FAE] =	sst s10  }
0x32: {  	s10 =	sld [smem:$0x3FAC];
	_ =	sdelay $0x3  }
0x33: {  	p0 =	seq.s32 s10, $0x1;
	s10 =	sld [smem:$0x3FAE];
	_ =	sdelay $0x3  }
0x34: {  	[smem:$0x3FAE] =	sst s10  }
0x35: {  	s10 =	sld [smem:$0x3FAD];
	_ =	sdelay $0x3  }
0x36: {  	p1 =	seq.s32 s10, $0x1;
	s10 =	sld [smem:$0x3FAE];
	_ =	sdelay $0x3  }
0x37: {  	[smem:$0x3FAE] =	sst s10  }
0x38: {  	s10 =	sld [smem:$0x3FAF]  }
0x39: {  	_ = 	snop;
	(pc) =	sbr.ind lr, $3  }
0x3a: {  	_ = 	snop  }
0x3b: {  	_ = 	snop  }
0x3c: {  	p2 =	seq.s32 s10, $0x1;
	s10 =	sld [smem:$0x3FAE]  }
0x3d: {  	_ =	shalt  }
0x3e: {  	_ =	shalt  }
0x3f: {  	_ =	shalt  }
0x40: {  	_ =	shalt  }
0x41: {  	_ =	shalt  }
0x42: {  	_ =	shalt  }
0x43: {  	_ =	shalt  }
0x44: {  	_ =	shalt  }
0x45: {  	_ =	shalt  }
0x46: {  	_ =	shalt  }
0x47: {  	_ =	shalt  }
0x48: {  	_ =	shalt  }
0x49: {  	_ =	shalt  }
0x4a: {  	_ =	shalt  }
0x4b: {  	_ =	shalt  }
0x4c: {  	_ =	shalt  }
0x4d: {  	_ =	shalt  }
0x4e: {  	_ =	shalt  }
0x4f: {  	_ =	shalt  }
0x50: {  	_ =	shalt  }
0x51: {  	_ =	shalt  }
0x52: {  	_ =	shalt  }
0x53: {  	_ =	shalt  }
0x54: {  	_ =	shalt  }
0x55: {  	_ =	shalt  }
0x56: {  	_ =	shalt  }
0x57: {  	_ =	shalt  }
0x58: {  	_ =	shalt  }
0x59: {  	_ =	shalt  }
0x5a: {  	_ =	shalt  }
0x5b: {  	_ =	shalt  }
0x5c: {  	_ =	shalt  }
0x5d: {  	_ =	shalt  }
0x5e: {  	_ =	shalt  }
0x5f: {  	_ =	shalt  }
0x60: {  	_ =	shalt  }
0x61: {  	_ =	shalt  }
0x62: {  	_ =	shalt  }
0x63: {  	_ =	shalt  }
0x64: {  	_ =	shalt  }
0x65: {  	_ =	shalt  }
0x66: {  	_ =	shalt  }
0x67: {  	_ =	shalt  }
0x68: {  	_ =	shalt  }
0x69: {  	_ =	shalt  }
0x6a: {  	_ =	shalt  }
0x6b: {  	_ =	shalt  }
0x6c: {  	_ =	shalt  }
0x6d: {  	_ =	shalt  }
0x6e: {  	_ =	shalt  }
0x6f: {  	_ =	shalt  }
0x70: {  	_ =	shalt  }
0x71: {  	_ =	shalt  }
0x72: {  	_ =	shalt  }
0x73: {  	_ =	shalt  }
0x74: {  	_ =	shalt  }
0x75: {  	_ =	shalt  }
0x76: {  	_ =	shalt  }
0x77: {  	_ =	shalt  }
0x78: {  	_ =	shalt  }
0x79: {  	_ =	shalt  }
0x7a: {  	_ =	shalt  }
0x7b: {  	_ =	shalt  }
0x7c: {  	_ =	shalt  }
0x7d: {  	_ =	shalt  }
0x7e: {  	_ =	shalt  }
0x7f: {  	_ =	shalt  }
0x80: {  	_ =	shalt  }
0x81: {  	_ =	shalt  }
0x82: {  	_ =	shalt  }
0x83: {  	_ =	shalt  }
0x84: {  	_ =	shalt  }
0x85: {  	_ =	shalt  }
0x86: {  	_ =	shalt  }
0x87: {  	_ =	shalt  }
.Lfunc_end0:
.L_simem_size_0:
called_computation.2_lowered:
.L_overlay_start_0:
0x88: {  	s2 =	sld [smem:$0x3FD9]  }
0x89: {  	s3 =	sld [smem:$0x3FFE];
	_ =	sdelay $0x1  }
0x8a: {  	s1 =	srdreg.scid  }
0x8b: {  	s0 =	sand.u32 $0x1, s1  }
0x8c: {  	s16 =	sshll.u32 s0, $0xA;
	s2 =	sadd.s32 s3, s2  }
0x8d: {  	s2 =	sadd.s32 s2, s16  }
0x8e: {  	[smem:$0x3FBA] =	sst s2  }
0x8f: {  	_ = 	snop  }
0x90: {  	(tm) =	ssettm $0x1  }
0x91: {  	s17 =	sld [smem:$0x3FFB];
	_ =	sdelay $0x3  }
0x92: {  	_ =	strace s17  }
0x93: {  	s2 =	sld [smem:$0x3FFC];
	_ =	sdelay $0x3  }
0x94: {  	_ =	strace s2  }
0x95: {  	s2 =	sld [smem:$0x3FFD];
	_ =	sdelay $0x3  }
0x96: {  	_ =	strace s2  }
0x97: {  	_ =	strace $0x8FFFFFFF  }
0x98: {  	s18 =	sld [smem:$0x3FDB];
	_ =	sdelay $0x1  }
0x99: {  	s19 =	simm.s32 $_scs_section_size  }
0x9a: {  	s4 =	simm.s32 $_size__tile_overlayer_lowered;
	s5 =	simm.s32 $_tile_overlayer_lowered  }
0x9b: {  	s22 =	simm.s32 $0x1BFF;
	s21 =	sshll.u32 s5, $0x1;
	s2 =	sadd.s32 s19, s18  }
0x9c: {  	s6 =	simm.s32 $0x0;
	s20 =	sshll.u32 s4, $0x1;
	s4 =	sadd.s32 s21, s2  }
0x9d: {  	[timem:s6], [sflag:s22] =	dma.local [hbm:s4], s20  }
0x9e: {  	_ =	swait.ge [sflag:s22], s20  }
0x9f: {  	s3 =	ssub.s32 $0x0, s20;
	[sflag:s22] =	ssyncset.done $0x0  }
0xa0: {  	[sflag:s22] =	ssyncadd.s32 s3;
	_ =	sdelay $0x1  }
0xa1: {  	s23 =	simm.s32 $0x1B8B  }
0xa2: {  	_ =	swait.ge [sflag:s23], $0x1  }
0xa3: {  	[sflag:s23] =	ssyncset.done $0x0  }
0xa4: {  	s25 =	simm.s32 $0x1B8E;
	s24 =	sld [smem:$0x3FFE];
	[sflag:s23] =	ssyncadd.s32 $0xFFFFFFFF  }
0xa5: {  	s26 =	simm.s32 $execute0_lowered;
	[smem:$0x3FD2] =	sst s25  }
0xa6: {  	s4 =	sshll.u32 s26, $0x1;
	_ =	strace $0x8000004C;
	[dreg:$0x1] =	wrdreg $0xFFFFFFFF  }
0xa7: {  	s28 =	simm.s32 $_size_execute0_lowered;
	s2 =	sadd.s32 s2, s4;
	[dreg:$0x0] =	wrdreg $0x0  }
0xa8: {  	s4 =	sshll.u32 s28, $0x1;
	[dreg:$0x2] =	wrdreg s2  }
0xa9: {  	[dreg:$0x3] =	wrdreg s4  }
0xaa: {  	[dreg:$0x4] =	wrdreg $0xC0  }
0xab: {  	_ =	task [dreg:s6], $0x5FFFF  }
0xac: {  	[dreg:$0x1] =	wrdreg $0xFFFFFFFF  }
0xad: {  	[dreg:$0x0] =	wrdreg $0x60  }
0xae: {  	[dreg:$0x2] =	wrdreg s24  }
0xaf: {  	[dreg:$0x3] =	wrdreg $0x8800  }
0xb0: {  	[dreg:$0x4] =	wrdreg $0x9  }
0xb1: {  	_ =	task.clear_ibuf [dreg:s6], $0x5FFFF;
	_ =	strace $0x9000004C  }
0xb2: {  	s29 =	simm.s32 $0x9;
	_ =	strace $0x8000004E  }
0xb3: {  	_ =	swait.ge [sflag:s29], $0x1  }
0xb4: {  	[sflag:s29] =	ssyncadd.s32 $0xFFFFFFFF  }
0xb5: {  	_ =	strace $0x9000004E  }
0xb6: {  	_ =	sfence  }
0xb7: {  	s30 =	sld [smem:$0x0];
	_ =	sdelay $0x2  }
0xb8: {  	s31 =	sshll.u32 s1, $0xD;
	s1 =	sshrl.u32 s1, $0x2  }
0xb9: {  	s3 =	sand.u32 $0x4000, s31;
	s1 =	sadd.s32 s1, s30  }
0xba: {  	s0 =	sor.u32 s3, s0;
	s1 =	sshll.u32 s1, $0x11  }
0xbb: {  	s0 =	sor.u32 s1, s0  }
0xbc: {  	s0 =	sadd.s32 $0x8F2B, s0  }
0xbd: {  	[sflag:s0] =	ssyncadd.remote.s32 $0x1  }
0xbe: {  	_ =	sfence.sel $0xFFFF  }
0xbf: {  	[dreg:$0x0] =	wrdreg $0xFFFFFFFF;
	(pc) =	sbr.abs _section_cstart, $3  }
0xc0: {  	[dreg:$0x1] =	wrdreg $0xFFFFFFFF  }
0xc1: {  	_ =	task.clear_ibuf [dreg:s6], $0x2FFFF;
	_ =	strace $0x9FFFFFFF  }
0xc2: {  	(tm) =	ssettm $0x7FFFFFFF  }
0xc3: {  	_ =	shalt  }
tec
execute0_lowered:
.L_overlay_start_1:
0x0: {  	(tag) =	ssettag $0x1  }
0x1: {  	s0 =	rddreg [dreg:$0x0]  }
0x2: {  	s2 =	rddreg [dreg:$0x1];
	s3 =	simm.s32 $0x0  }
0x3: {  	s13 =	stileid.u32;
	s5 =	srdreg.scid;
	s14 =	simm.s32 $0x1  }
0x4: {  	s15 =	simm.s32 $0x400;
	s16 =	simm.s32 $0x80;
	s17 =	simm.s32 $0x14880  }
0x5: {  	s18 =	simm.s32 $0x18880;
	s28 =	simm.s32 $0x280;
	s29 =	simm.s32 $0x600  }
0x6: {  	s30 =	simm.s32 $0x300;
	s31 =	simm.s32 $0x680;
	s1 =	smul.u32 $0xA00, s13  }
0x7: {  	[smem:$0x7FF] =	sst s3;
	s4 =	sadd.s32 $0x18600, s0;
	s9 =	smul.u32 $0x2800, s13  }
0x8: {  	s5 =	sand.u32 $0x1, s5;
	s6 =	sshll.u32 s13, $0x5;
	s11 =	smul.u32 $0x50000, s13  }
0x9: {  	s23 =	sshll.u32 s13, $0x6;
	s13 =	simm.s32 $0x780;
	_ =	strace $0x8000004D  }
0xa: {  	s7 =	sshll.u32 s5, $0x4;
	s19 =	smul.u32 $0x28000, s5;
	s8 =	ssub.s32 $0x2, s5  }
0xb: {  	s5 =	smul.u32 $0x500, s5;
	s1 =	sadd.s32 s1, s0;
	s6 =	sor.u32 s7, s6  }
0xc: {  	s20 =	sshrl.u32 s8, $0x1;
	s12 =	sadd.s32 s9, s0;
	s22 =	sshrl.u32 s11, $0x2  }
0xd: {  	s10 =	sadd.s32 s6, s0;
	s0 =	sadd.s32 s19, s0;
	s21 =	ssub.s32 s8, s20  }
0xe: {  	s11 =	sadd.s32 s22, s2;
	s24 =	sadd.s32 $0x40600, s12;
	s6 =	sor.u32 $0x1C03, s23  }
0xf: {  	s1 =	sadd.s32 s5, s1;
	s12 =	simm.s32 $0x3;
	s19 =	simm.s32 $0x2  }
0x10: {  	s20 =	simm.s32 $0x100;
	s22 =	simm.s32 $0x180;
	s23 =	simm.s32 $0x500  }
0x11: {  	s5 =	simm.s32 $0x0;
	[dreg:$0x3] =	wrdreg s24;
	s25 =	sadd.s32 $0xD6600, s10  }
.Ltmp0:
0x12: {  	s0 =	sadd.s32 $0x68600, s0;
	s26 =	smax.u32 s21, $0x1;
	(pc) =	sbr.rel .LBB2_1-.Ltmp0, $4  }
0x13: {  	s8 =	sadd.s32 $0xCC600, s1;
	s24 =	sadd.s32 $0xC2600, s1;
	s11 =	sshrl.u32 s11, $0x3  }
0x14: {  	s21 =	simm.s32 $0x480;
	s1 =	simm.s32 $0x700;
	[dreg:$0x4] =	wrdreg s25  }
0x15: {  	[dreg:$0x5] =	wrdreg s26;
	s0 =	sadd.s32 s9, s0;
	s25 =	simm.s32 $0x200  }
0x16: {  	s26 =	simm.s32 $0x580;
	[dreg:$0x6] =	wrdreg s0;
	s0 =	simm.s32 $0x380  }
.LBB2_4:
0x17: {  	[sflag:s12] =	ssyncadd.s32 $0xFFFFC000  }
.LBB2_5:
0x18: {  	[bflag:$0x0] =	sbarrier.arrive $0xFFFF  }
0x19: {  	s7 =	rddreg [dreg:$0x6]  }
0x1a: {  	[hbm:s7], [sflag:s6] =	dma.local [spmem:s11], $0x2800  }
0x1b: {  	_ =	swait.ge [sflag:s12], $0x2800  }
0x1c: {  	s5 =	sadd.s32 $0x1, s5;
	s10 =	rddreg [dreg:$0x5]  }
0x1d: {  	p0 =	sne.s32 s5, s10  }
.Ltmp1:
0x1e: {  	_ = 	snop;
	(pc) =	sbr.rel @!p0 .LBB2_6-.Ltmp1, $3  }
0x1f: {  	_ =	sdelay $0x1  }
0x20: {  	[sflag:s12] =	ssyncset.done $0x0  }
0x21: {  	[sflag:s12] =	ssyncadd.s32 $0xFFFFD800  }
.LBB2_1:
0x22: {  	s7 =	rddreg [dreg:$0x3]  }
0x23: {  	[spmem:s11], [sflag:s6] =	dma.local [hbm:s7], $0x2800  }
0x24: {  	_ =	swait.ge [sflag:s12], $0x2800  }
0x25: {  	[sflag:s12] =	ssyncset.done $0x0  }
0x26: {  	[sflag:s12] =	ssyncadd.s32 $0xFFFFD800  }
0x27: {  	[bflag:$0x0] =	sbarrier.arrive $0xFFFF  }
0x28: {  	s9 =	simm.s32 $0x800;
	s10 =	rddreg [dreg:$0x4]  }
0x29: {  	[tilespmem:s9], [sflag:$0x3] =	stream.linear.gather [hbm4b:s10+s3], $0x80, $0x38;
	[tilespmem:$0x1C880] =	vst v63  }
0x2a: {  	_ =	swait.ge [sflag:s12], $0x80  }
0x2b: {  	[sflag:s12] =	ssyncset.done $0x0  }
0x2c: {  	[sflag:s12] =	ssyncadd.s32 $0xFFFFFF80  }
0x2d: {  	v0 =	vld [tilespmem:$0x800];
	_ =	sdelay $0x4  }
0x2e: {  	v0 =	vxor.u32 $0x80000000, v0  }
0x2f: {  	(xrf0) =	vmax.scan.msk.u32 $0xffff, v0;
	_ =	sdelay $0x5  }
0x30: {  	v0, _, _ =	vpop (xrf0)  }
0x31: {  	(v2sf) =	vpush v0, $0xF;
	_ =	sdelay $0xe  }
0x32: {  	s9 =	spop (v2sf)  }
0x33: {  	s7 =	sadd.s32 $0x800003FF, s9  }
0x34: {  	s10 =	sand.u32 $0x3FF, s7  }
0x35: {  	p1 =	slt.s32 s7, $0x1;
	p0 =	sne.s32 s10, $0x0;
	s10 =	sshra.s32 s7, $0x1F  }
0x36: {  	s9 =	sshrl.u32 s10, $0x16;
	p0 =	por !p1, !p0  }
0x37: {  	s7 =	sadd.s32 s9, s7;
	p0 =	por !p0, !p0;
	s9 =	simm.s32 $0x1  }
0x38: {  	s7 =	sshra.s32 s7, $0xA;
	s9 =	simm.s32 @!p0 $0x0  }
0x39: {  	s7 =	ssub.s32 s7, s9  }
0x3a: {  	p0 =	slt.s32 s7, $0x1  }
.Ltmp2:
0x3b: {  	_ = 	snop;
	(pc) =	sbr.rel @p0 .LBB2_5-.Ltmp2, $1  }
0x3c: {  	_ =	sdelay $0x3  }
0x3d: {  	[tilespmem:s3], [sflag:$0x3] =	stream.linear.gather [hbm4b:s24+s3], $0x400, $0x38;
	[tilespmem:$0x1C880] =	vst v63  }
0x3e: {  	_ =	swait.ge [sflag:s12], $0x400  }
0x3f: {  	[sflag:s12] =	ssyncset.done $0x0  }
0x40: {  	[sflag:s12] =	ssyncadd.s32 $0xFFFFFC00  }
0x41: {  	[tilespmem:s15], [sflag:$0x3] =	stream.linear.gather [hbm4b:s8+s3], $0x400, $0x38;
	[tilespmem:$0x1C880] =	vst v63  }
0x42: {  	_ =	swait.ge [sflag:s12], $0x400  }
0x43: {  	[sflag:s12] =	ssyncset.done $0x0  }
0x44: {  	[sflag:s12] =	ssyncadd.s32 $0xFFFFFC00  }
0x45: {  	[tilespmem:s17], [sflag:$0x1] =	stream.indirect.gather [hbm4b:s4+s16], $0x80, s3, s16, $0xb8;
	[tilespmem:$0x1C880] =	vst v63  }
0x46: {  	_ =	swait.ge [sflag:s14], $0x4000  }
0x47: {  	[sflag:s14] =	ssyncset.done $0x0  }
0x48: {  	[sflag:s14] =	ssyncadd.s32 $0xFFFFC000  }
0x49: {  	[tilespmem:s18], [sflag:$0x2] =	stream.indirect.gather [hbm4b:s4+s16], $0x80, s16, s16, $0xb8;
	[tilespmem:$0x1C880] =	vst v63  }
0x4a: {  	_ = 	snop  }
0x4b: {  	[spmem:s2] =	stream.indirect.scatter.add.f32 [tilespmem:s17], [sflag:$0x3], $0x80, s15, s16, $0xb8;
	[tilespmem:$0x1C880] =	vst v63  }
0x4c: {  	_ =	swait.ge [sflag:s12], $0x4000  }
0x4d: {  	[sflag:s12] =	ssyncset.done $0x0  }
0x4e: {  	[sflag:s12] =	ssyncadd.s32 $0xFFFFC000  }
0x4f: {  	_ =	swait.ge [sflag:s19], $0x4000  }
0x50: {  	[sflag:s19] =	ssyncset.done $0x0  }
0x51: {  	[sflag:s19] =	ssyncadd.s32 $0xFFFFC000  }
0x52: {  	[tilespmem:s17], [sflag:$0x1] =	stream.indirect.gather [hbm4b:s4+s16], $0x80, s20, s16, $0xb8;
	[tilespmem:$0x1C880] =	vst v63  }
0x53: {  	_ = 	snop  }
0x54: {  	[spmem:s2] =	stream.indirect.scatter.add.f32 [tilespmem:s18], [sflag:$0x3], $0x80, s21, s16, $0xb8;
	[tilespmem:$0x1C880] =	vst v63  }
0x55: {  	_ =	swait.ge [sflag:s12], $0x4000  }
0x56: {  	[sflag:s12] =	ssyncset.done $0x0  }
0x57: {  	[sflag:s12] =	ssyncadd.s32 $0xFFFFC000  }
0x58: {  	_ =	swait.ge [sflag:s14], $0x4000  }
0x59: {  	[sflag:s14] =	ssyncset.done $0x0  }
0x5a: {  	[sflag:s14] =	ssyncadd.s32 $0xFFFFC000  }
0x5b: {  	[tilespmem:s18], [sflag:$0x2] =	stream.indirect.gather [hbm4b:s4+s16], $0x80, s22, s16, $0xb8;
	[tilespmem:$0x1C880] =	vst v63  }
0x5c: {  	_ = 	snop  }
0x5d: {  	[spmem:s2] =	stream.indirect.scatter.add.f32 [tilespmem:s17], [sflag:$0x3], $0x80, s23, s16, $0xb8;
	[tilespmem:$0x1C880] =	vst v63  }
0x5e: {  	_ =	swait.ge [sflag:s12], $0x4000  }
0x5f: {  	[sflag:s12] =	ssyncset.done $0x0  }
0x60: {  	[sflag:s12] =	ssyncadd.s32 $0xFFFFC000  }
0x61: {  	_ =	swait.ge [sflag:s19], $0x4000  }
0x62: {  	[sflag:s19] =	ssyncset.done $0x0  }
0x63: {  	[sflag:s19] =	ssyncadd.s32 $0xFFFFC000  }
0x64: {  	[tilespmem:s17], [sflag:$0x1] =	stream.indirect.gather [hbm4b:s4+s16], $0x80, s25, s16, $0xb8;
	[tilespmem:$0x1C880] =	vst v63  }
0x65: {  	_ = 	snop  }
0x66: {  	[spmem:s2] =	stream.indirect.scatter.add.f32 [tilespmem:s18], [sflag:$0x3], $0x80, s26, s16, $0xb8;
	[tilespmem:$0x1C880] =	vst v63  }
0x67: {  	_ =	swait.ge [sflag:s12], $0x4000  }
0x68: {  	[sflag:s12] =	ssyncset.done $0x0  }
0x69: {  	[sflag:s12] =	ssyncadd.s32 $0xFFFFC000  }
0x6a: {  	_ =	swait.ge [sflag:s14], $0x4000  }
0x6b: {  	[sflag:s14] =	ssyncset.done $0x0  }
0x6c: {  	[sflag:s14] =	ssyncadd.s32 $0xFFFFC000  }
0x6d: {  	[tilespmem:s18], [sflag:$0x2] =	stream.indirect.gather [hbm4b:s4+s16], $0x80, s28, s16, $0xb8;
	[tilespmem:$0x1C880] =	vst v63  }
0x6e: {  	_ = 	snop  }
0x6f: {  	[spmem:s2] =	stream.indirect.scatter.add.f32 [tilespmem:s17], [sflag:$0x3], $0x80, s29, s16, $0xb8;
	[tilespmem:$0x1C880] =	vst v63  }
0x70: {  	_ =	swait.ge [sflag:s12], $0x4000  }
0x71: {  	[sflag:s12] =	ssyncset.done $0x0  }
0x72: {  	[sflag:s12] =	ssyncadd.s32 $0xFFFFC000  }
0x73: {  	_ =	swait.ge [sflag:s19], $0x4000  }
0x74: {  	[sflag:s19] =	ssyncset.done $0x0  }
0x75: {  	[sflag:s19] =	ssyncadd.s32 $0xFFFFC000  }
0x76: {  	[tilespmem:s17], [sflag:$0x1] =	stream.indirect.gather [hbm4b:s4+s16], $0x80, s30, s16, $0xb8;
	[tilespmem:$0x1C880] =	vst v63  }
0x77: {  	_ = 	snop  }
0x78: {  	[spmem:s2] =	stream.indirect.scatter.add.f32 [tilespmem:s18], [sflag:$0x3], $0x80, s31, s16, $0xb8;
	[tilespmem:$0x1C880] =	vst v63  }
0x79: {  	_ =	swait.ge [sflag:s12], $0x4000  }
0x7a: {  	[sflag:s12] =	ssyncset.done $0x0  }
0x7b: {  	[sflag:s12] =	ssyncadd.s32 $0xFFFFC000  }
0x7c: {  	_ =	swait.ge [sflag:s14], $0x4000  }
0x7d: {  	[sflag:s14] =	ssyncset.done $0x0  }
0x7e: {  	[sflag:s14] =	ssyncadd.s32 $0xFFFFC000  }
0x7f: {  	[tilespmem:s18], [sflag:$0x2] =	stream.indirect.gather [hbm4b:s4+s16], $0x80, s0, s16, $0xb8;
	[tilespmem:$0x1C880] =	vst v63  }
0x80: {  	_ = 	snop  }
0x81: {  	[spmem:s2] =	stream.indirect.scatter.add.f32 [tilespmem:s17], [sflag:$0x3], $0x80, s1, s16, $0xb8;
	[tilespmem:$0x1C880] =	vst v63  }
0x82: {  	_ =	swait.ge [sflag:s12], $0x4000  }
0x83: {  	[sflag:s12] =	ssyncset.done $0x0  }
0x84: {  	[sflag:s12] =	ssyncadd.s32 $0xFFFFC000  }
0x85: {  	p0 =	sne.s32 s7, $0x1;
	_ =	swait.ge [sflag:s19], $0x4000  }
.Ltmp3:
0x86: {  	[sflag:s19] =	ssyncset.done $0x0;
	(pc) =	sbr.rel @!p0 .LBB2_4-.Ltmp3, $4  }
0x87: {  	[sflag:s19] =	ssyncadd.s32 $0xFFFFC000  }
0x88: {  	[spmem:s2] =	stream.indirect.scatter.add.f32 [tilespmem:s18], [sflag:$0x3], $0x80, s13, s16, $0xb8;
	[tilespmem:$0x1C880] =	vst v63  }
0x89: {  	s7 =	sadd.s32 $0xFFFFFFFF, s7;
	_ =	swait.ge [sflag:s12], $0x4000  }
0x8a: {  	s9 =	smov.u32 s8;
	s10 =	smov.u32 s24;
	[sflag:s12] =	ssyncset.done $0x0  }
.LBB2_3:
0x8b: {  	[sflag:s12] =	ssyncadd.s32 $0xFFFFC000;
	s9 =	sadd.s32 $0x80, s9;
	s10 =	sadd.s32 $0x80, s10  }
0x8c: {  	[tilespmem:s3], [sflag:$0x3] =	stream.linear.gather [hbm4b:s10+s3], $0x400, $0x38;
	[tilespmem:$0x1C880] =	vst v63  }
0x8d: {  	p0 =	sne.s32 s7, $0x1;
	s7 =	sadd.s32 $0xFFFFFFFF, s7;
	_ =	swait.ge [sflag:s12], $0x400  }
0x8e: {  	[sflag:s12] =	ssyncset.done $0x0  }
0x8f: {  	[sflag:s12] =	ssyncadd.s32 $0xFFFFFC00  }
0x90: {  	[tilespmem:s15], [sflag:$0x3] =	stream.linear.gather [hbm4b:s9+s3], $0x400, $0x38;
	[tilespmem:$0x1C880] =	vst v63  }
0x91: {  	_ =	swait.ge [sflag:s12], $0x400  }
0x92: {  	[sflag:s12] =	ssyncset.done $0x0  }
0x93: {  	[sflag:s12] =	ssyncadd.s32 $0xFFFFFC00  }
0x94: {  	[tilespmem:s17], [sflag:$0x1] =	stream.indirect.gather [hbm4b:s4+s16], $0x80, s3, s16, $0xb8;
	[tilespmem:$0x1C880] =	vst v63  }
0x95: {  	_ =	swait.ge [sflag:s14], $0x4000  }
0x96: {  	[sflag:s14] =	ssyncset.done $0x0  }
0x97: {  	[sflag:s14] =	ssyncadd.s32 $0xFFFFC000  }
0x98: {  	[tilespmem:s18], [sflag:$0x2] =	stream.indirect.gather [hbm4b:s4+s16], $0x80, s16, s16, $0xb8;
	[tilespmem:$0x1C880] =	vst v63  }
0x99: {  	_ = 	snop  }
0x9a: {  	[spmem:s2] =	stream.indirect.scatter.add.f32 [tilespmem:s17], [sflag:$0x3], $0x80, s15, s16, $0xb8;
	[tilespmem:$0x1C880] =	vst v63  }
0x9b: {  	_ =	swait.ge [sflag:s12], $0x4000  }
0x9c: {  	[sflag:s12] =	ssyncset.done $0x0  }
0x9d: {  	[sflag:s12] =	ssyncadd.s32 $0xFFFFC000  }
0x9e: {  	_ =	swait.ge [sflag:s19], $0x4000  }
0x9f: {  	[sflag:s19] =	ssyncset.done $0x0  }
0xa0: {  	[sflag:s19] =	ssyncadd.s32 $0xFFFFC000  }
0xa1: {  	[tilespmem:s17], [sflag:$0x1] =	stream.indirect.gather [hbm4b:s4+s16], $0x80, s20, s16, $0xb8;
	[tilespmem:$0x1C880] =	vst v63  }
0xa2: {  	_ = 	snop  }
0xa3: {  	[spmem:s2] =	stream.indirect.scatter.add.f32 [tilespmem:s18], [sflag:$0x3], $0x80, s21, s16, $0xb8;
	[tilespmem:$0x1C880] =	vst v63  }
0xa4: {  	_ =	swait.ge [sflag:s12], $0x4000  }
0xa5: {  	[sflag:s12] =	ssyncset.done $0x0  }
0xa6: {  	[sflag:s12] =	ssyncadd.s32 $0xFFFFC000  }
0xa7: {  	_ =	swait.ge [sflag:s14], $0x4000  }
0xa8: {  	[sflag:s14] =	ssyncset.done $0x0  }
0xa9: {  	[sflag:s14] =	ssyncadd.s32 $0xFFFFC000  }
0xaa: {  	[tilespmem:s18], [sflag:$0x2] =	stream.indirect.gather [hbm4b:s4+s16], $0x80, s22, s16, $0xb8;
	[tilespmem:$0x1C880] =	vst v63  }
0xab: {  	_ = 	snop  }
0xac: {  	[spmem:s2] =	stream.indirect.scatter.add.f32 [tilespmem:s17], [sflag:$0x3], $0x80, s23, s16, $0xb8;
	[tilespmem:$0x1C880] =	vst v63  }
0xad: {  	_ =	swait.ge [sflag:s12], $0x4000  }
0xae: {  	[sflag:s12] =	ssyncset.done $0x0  }
0xaf: {  	[sflag:s12] =	ssyncadd.s32 $0xFFFFC000  }
0xb0: {  	_ =	swait.ge [sflag:s19], $0x4000  }
0xb1: {  	[sflag:s19] =	ssyncset.done $0x0  }
0xb2: {  	[sflag:s19] =	ssyncadd.s32 $0xFFFFC000  }
0xb3: {  	[tilespmem:s17], [sflag:$0x1] =	stream.indirect.gather [hbm4b:s4+s16], $0x80, s25, s16, $0xb8;
	[tilespmem:$0x1C880] =	vst v63  }
0xb4: {  	_ = 	snop  }
0xb5: {  	[spmem:s2] =	stream.indirect.scatter.add.f32 [tilespmem:s18], [sflag:$0x3], $0x80, s26, s16, $0xb8;
	[tilespmem:$0x1C880] =	vst v63  }
0xb6: {  	_ =	swait.ge [sflag:s12], $0x4000  }
0xb7: {  	[sflag:s12] =	ssyncset.done $0x0  }
0xb8: {  	[sflag:s12] =	ssyncadd.s32 $0xFFFFC000  }
0xb9: {  	_ =	swait.ge [sflag:s14], $0x4000  }
0xba: {  	[sflag:s14] =	ssyncset.done $0x0  }
0xbb: {  	[sflag:s14] =	ssyncadd.s32 $0xFFFFC000  }
0xbc: {  	[tilespmem:s18], [sflag:$0x2] =	stream.indirect.gather [hbm4b:s4+s16], $0x80, s28, s16, $0xb8;
	[tilespmem:$0x1C880] =	vst v63  }
0xbd: {  	_ = 	snop  }
0xbe: {  	[spmem:s2] =	stream.indirect.scatter.add.f32 [tilespmem:s17], [sflag:$0x3], $0x80, s29, s16, $0xb8;
	[tilespmem:$0x1C880] =	vst v63  }
0xbf: {  	_ =	swait.ge [sflag:s12], $0x4000  }
0xc0: {  	[sflag:s12] =	ssyncset.done $0x0  }
0xc1: {  	[sflag:s12] =	ssyncadd.s32 $0xFFFFC000  }
0xc2: {  	_ =	swait.ge [sflag:s19], $0x4000  }
0xc3: {  	[sflag:s19] =	ssyncset.done $0x0  }
0xc4: {  	[sflag:s19] =	ssyncadd.s32 $0xFFFFC000  }
0xc5: {  	[tilespmem:s17], [sflag:$0x1] =	stream.indirect.gather [hbm4b:s4+s16], $0x80, s30, s16, $0xb8;
	[tilespmem:$0x1C880] =	vst v63  }
0xc6: {  	_ = 	snop  }
0xc7: {  	[spmem:s2] =	stream.indirect.scatter.add.f32 [tilespmem:s18], [sflag:$0x3], $0x80, s31, s16, $0xb8;
	[tilespmem:$0x1C880] =	vst v63  }
0xc8: {  	_ =	swait.ge [sflag:s12], $0x4000  }
0xc9: {  	[sflag:s12] =	ssyncset.done $0x0  }
0xca: {  	[sflag:s12] =	ssyncadd.s32 $0xFFFFC000  }
0xcb: {  	_ =	swait.ge [sflag:s14], $0x4000  }
0xcc: {  	[sflag:s14] =	ssyncset.done $0x0  }
0xcd: {  	[sflag:s14] =	ssyncadd.s32 $0xFFFFC000  }
0xce: {  	[tilespmem:s18], [sflag:$0x2] =	stream.indirect.gather [hbm4b:s4+s16], $0x80, s0, s16, $0xb8;
	[tilespmem:$0x1C880] =	vst v63  }
0xcf: {  	_ = 	snop  }
0xd0: {  	[spmem:s2] =	stream.indirect.scatter.add.f32 [tilespmem:s17], [sflag:$0x3], $0x80, s1, s16, $0xb8;
	[tilespmem:$0x1C880] =	vst v63  }
0xd1: {  	_ =	swait.ge [sflag:s12], $0x4000  }
0xd2: {  	[sflag:s12] =	ssyncset.done $0x0  }
0xd3: {  	[sflag:s12] =	ssyncadd.s32 $0xFFFFC000  }
0xd4: {  	_ =	swait.ge [sflag:s19], $0x4000  }
.Ltmp4:
0xd5: {  	[sflag:s19] =	ssyncset.done $0x0;
	(pc) =	sbr.rel @p0 .LBB2_3-.Ltmp4, $4  }
0xd6: {  	[sflag:s19] =	ssyncadd.s32 $0xFFFFC000  }
0xd7: {  	[spmem:s2] =	stream.indirect.scatter.add.f32 [tilespmem:s18], [sflag:$0x3], $0x80, s13, s16, $0xb8;
	[tilespmem:$0x1C880] =	vst v63  }
0xd8: {  	_ =	swait.ge [sflag:s12], $0x4000  }
0xd9: {  	[sflag:s12] =	ssyncset.done $0x0  }
.Ltmp5:
0xda: {  	_ = 	snop;
	(pc) =	sbr.rel .LBB2_4-.Ltmp5, $1  }
0xdb: {  	_ =	sdelay $0x3  }
.LBB2_6:
0xdc: {  	_ =	sfence.sel $0x180000  }
0xdd: {  	[bflag:$0x0] =	sbarrier.arrive $0xFFFF  }
0xde: {  	_ =	strace $0x9000004D  }
0xdf: {  	s0 =	stileid.u32;
	[bflag:$0x2] =	sbarrier.arrive $0xFFFF  }
0xe0: {  	p0 =	sne.s32 s0, $0x0;
	s0 =	rddreg [dreg:$0x2]  }
0xe1: {  	s0 =	sadd.s32 @!p0 $0x100000, s0  }
0xe2: {  	[sflag:s0] =	ssyncadd.tile.s32 @!p0 $0x1;
	_ =	shalt  }
.Lfunc_end2:
_tile_overlayer_lowered:
.L_overlay_start_2:
0xe3: {  	(tag) =	ssettag $0x2  }
0xe4: {  	s0 =	rddreg [dreg:$0x0];
	s2 =	stileid.u32  }
0xe5: {  	s1 =	rddreg [dreg:$0x1];
	p0 =	sne.s32 s2, $0x0  }
0xe6: {  	s3 =	rddreg [dreg:$0x2];
	[bflag:$0x3] =	sbarrier.arrive $0xFFFF;
	s2 =	simm.s32 @!p0 $0x1C03  }
0xe7: {  	[timem:s3], [sflag:s2] =	dma.local @!p0 [hbm:s0], s1  }
0xe8: {  	s0 =	simm.s32 @!p0 $0x3  }
0xe9: {  	_ =	swait.ge @!p0 [sflag:s0], s1  }
0xea: {  	s1 =	ssub.s32 @!p0 $0x0, s1;
	[sflag:s0] =	ssyncset.done @!p0 $0x0  }
0xeb: {  	[sflag:s0] =	ssyncadd.s32 @!p0 s1  }
0xec: {  	[bflag:$0x3] =	sbarrier.arrive $0xFFFF  }
0xed: {  	_ =	shalt  }

// kernel: sc_segsum_cnt.3.cloned.1.call-start
scs
__scs_entry_jumppad:
0x0: {  	(pc) =	sbr.rel $0x88, $3  }
0x1: {  	(tag) =	ssettag $0x0;
	lr =	simm.s32 $0x1  }
0x2: {  	[smem:$0x3F93] =	sst lr;
	_ =	strace $0xD0000000  }
0x3: {  	_ = 	snop  }
0x4: {  	_ = 	snop  }
0x5: {  	_ = 	snop  }
0x6: {  	_ = 	snop  }
0x7: {  	_ = 	snop  }
__scs_overlays_trampoline_lowered:
0x8: {  	[smem:$0x3FA2] =	sst s0  }
0x9: {  	[smem:$0x3FA3] =	sst s1  }
0xa: {  	[smem:$0x3FA4] =	sst s2  }
0xb: {  	[smem:$0x3FA5] =	sst s3  }
0xc: {  	[smem:$0x3FA6] =	sst s4  }
0xd: {  	[smem:$0x3FA7] =	sst s5  }
0xe: {  	[smem:$0x3FA8] =	sst s6  }
0xf: {  	[smem:$0x3FA9] =	sst s7  }
0x10: {  	[smem:$0x3FAA] =	sst s8  }
0x11: {  	[smem:$0x3FAB] =	sst s9;
	s0 =	simm.s32 @!p0 $0x0  }
0x12: {  	s1 =	sld [smem:$0x3F91];
	s0 =	simm.s32 @p0 $0x1  }
0x13: {  	[smem:$0x3FAC] =	sst s0;
	s0 =	simm.s32 @!p1 $0x0  }
0x14: {  	s2 =	sld [smem:$0x3F90];
	s0 =	simm.s32 @p1 $0x1  }
0x15: {  	[smem:$0x3FAD] =	sst s0;
	s0 =	simm.s32 @!p2 $0x0  }
0x16: {  	s3 =	sld [smem:$0x3FDB];
	s0 =	simm.s32 @p2 $0x1  }
0x17: {  	s4 =	simm.s32 $0x1BF5;
	[smem:$0x3FAF] =	sst s0  }
0x18: {  	s0 =	sld [smem:$0x3F92];
	_ =	swait.ge [sflag:s4], $0x0  }
0x19: {  	s7 =	sld [smem:$0x3F93]  }
0x1a: {  	s8 =	sadd.s32 $0xFFFFE003, lr  }
0x1b: {  	s9 =	sadd.s32 $0xFFFFFEF7, lr;
	s5 =	simm.s32 $0xFFFFFFFF;
	p2 =	slt.u32 s8, $0xFFFFF086  }
0x1c: {  	p1 =	slt.u32 s9, $0xF7A;
	s5 =	simm.s32 @!p2 $0x0  }
0x1d: {  	s5 =	simm.s32 @p1 $0x1;
	p0 =	seq.s32 s7, s2  }
0x1e: {  	s7 =	smul.u32 @!p0 $0xF7A, s2;
	p2 =	seq.s32 @!p0 s5, $0x0  }
0x1f: {  	s9 =	smul.u32 $0xF7A, s1;
	s8 =	simm.s32 @!p0 $0x1BF5;
	p2 =	por !p2, p0  }
0x20: {  	[sflag:s8] =	ssyncset.s32 @!p0 $0xFFFFF086;
	s6 =	sadd.s32 @!p0 s3, s7;
	s7 =	simm.s32 @!p0 $0x108  }
0x21: {  	s3 =	sadd.s32 s3, s9;
	s6 =	sadd.s32 @!p0 $0x88, s6;
	s7 =	simm.s32 @p2 $0x1082  }
0x22: {  	[simem:s7], [sflag:s8] =	dma.local @!p0 [hbm:s6], $0xF7A  }
0x23: {  	s9 =	sor.u32 $0xD0000000, s2;
	s6 =	simm.s32 $0x108;
	_ =	swait.ge @!p0 [sflag:s8], $0x0  }
0x24: {  	s3 =	sadd.s32 $0x88, s3;
	s6 =	simm.s32 @!p1 $0x1082;
	[sflag:s4] =	ssyncset.s32 $0xFFFFF086  }
0x25: {  	[simem:s6], [sflag:s4] =	dma.local [hbm:s3], $0xF7A  }
0x26: {  	[smem:$0x3F93] =	sst s1;
	(tag) =	ssettag s2;
	_ =	strace s9  }
0x27: {  	s1 =	sld [smem:$0x3FA3]  }
0x28: {  	s2 =	sld [smem:$0x3FA4]  }
0x29: {  	s4 =	sld [smem:$0x3FA6]  }
0x2a: {  	p0 =	seq.s32 s5, $0x0;
	s5 =	sld [smem:$0x3FA7]  }
0x2b: {  	s6 =	sld [smem:$0x3FA8]  }
0x2c: {  	s7 =	sld [smem:$0x3FA9]  }
0x2d: {  	s3 =	simm.s32 $0x108;
	s8 =	sld [smem:$0x3FAA]  }
0x2e: {  	s3 =	simm.s32 @!p0 $0x1082;
	s9 =	sld [smem:$0x3FAB]  }
0x2f: {  	lr =	sadd.s32 s0, s3;
	s0 =	sld [smem:$0x3FA2]  }
0x30: {  	s3 =	sld [smem:$0x3FA5]  }
0x31: {  	[smem:$0x3FAE] =	sst s10  }
0x32: {  	s10 =	sld [smem:$0x3FAC];
	_ =	sdelay $0x3  }
0x33: {  	p0 =	seq.s32 s10, $0x1;
	s10 =	sld [smem:$0x3FAE];
	_ =	sdelay $0x3  }
0x34: {  	[smem:$0x3FAE] =	sst s10  }
0x35: {  	s10 =	sld [smem:$0x3FAD];
	_ =	sdelay $0x3  }
0x36: {  	p1 =	seq.s32 s10, $0x1;
	s10 =	sld [smem:$0x3FAE];
	_ =	sdelay $0x3  }
0x37: {  	[smem:$0x3FAE] =	sst s10  }
0x38: {  	s10 =	sld [smem:$0x3FAF]  }
0x39: {  	_ = 	snop;
	(pc) =	sbr.ind lr, $3  }
0x3a: {  	_ = 	snop  }
0x3b: {  	_ = 	snop  }
0x3c: {  	p2 =	seq.s32 s10, $0x1;
	s10 =	sld [smem:$0x3FAE]  }
0x3d: {  	_ =	shalt  }
0x3e: {  	_ =	shalt  }
0x3f: {  	_ =	shalt  }
0x40: {  	_ =	shalt  }
0x41: {  	_ =	shalt  }
0x42: {  	_ =	shalt  }
0x43: {  	_ =	shalt  }
0x44: {  	_ =	shalt  }
0x45: {  	_ =	shalt  }
0x46: {  	_ =	shalt  }
0x47: {  	_ =	shalt  }
0x48: {  	_ =	shalt  }
0x49: {  	_ =	shalt  }
0x4a: {  	_ =	shalt  }
0x4b: {  	_ =	shalt  }
0x4c: {  	_ =	shalt  }
0x4d: {  	_ =	shalt  }
0x4e: {  	_ =	shalt  }
0x4f: {  	_ =	shalt  }
0x50: {  	_ =	shalt  }
0x51: {  	_ =	shalt  }
0x52: {  	_ =	shalt  }
0x53: {  	_ =	shalt  }
0x54: {  	_ =	shalt  }
0x55: {  	_ =	shalt  }
0x56: {  	_ =	shalt  }
0x57: {  	_ =	shalt  }
0x58: {  	_ =	shalt  }
0x59: {  	_ =	shalt  }
0x5a: {  	_ =	shalt  }
0x5b: {  	_ =	shalt  }
0x5c: {  	_ =	shalt  }
0x5d: {  	_ =	shalt  }
0x5e: {  	_ =	shalt  }
0x5f: {  	_ =	shalt  }
0x60: {  	_ =	shalt  }
0x61: {  	_ =	shalt  }
0x62: {  	_ =	shalt  }
0x63: {  	_ =	shalt  }
0x64: {  	_ =	shalt  }
0x65: {  	_ =	shalt  }
0x66: {  	_ =	shalt  }
0x67: {  	_ =	shalt  }
0x68: {  	_ =	shalt  }
0x69: {  	_ =	shalt  }
0x6a: {  	_ =	shalt  }
0x6b: {  	_ =	shalt  }
0x6c: {  	_ =	shalt  }
0x6d: {  	_ =	shalt  }
0x6e: {  	_ =	shalt  }
0x6f: {  	_ =	shalt  }
0x70: {  	_ =	shalt  }
0x71: {  	_ =	shalt  }
0x72: {  	_ =	shalt  }
0x73: {  	_ =	shalt  }
0x74: {  	_ =	shalt  }
0x75: {  	_ =	shalt  }
0x76: {  	_ =	shalt  }
0x77: {  	_ =	shalt  }
0x78: {  	_ =	shalt  }
0x79: {  	_ =	shalt  }
0x7a: {  	_ =	shalt  }
0x7b: {  	_ =	shalt  }
0x7c: {  	_ =	shalt  }
0x7d: {  	_ =	shalt  }
0x7e: {  	_ =	shalt  }
0x7f: {  	_ =	shalt  }
0x80: {  	_ =	shalt  }
0x81: {  	_ =	shalt  }
0x82: {  	_ =	shalt  }
0x83: {  	_ =	shalt  }
0x84: {  	_ =	shalt  }
0x85: {  	_ =	shalt  }
0x86: {  	_ =	shalt  }
0x87: {  	_ =	shalt  }
.Lfunc_end0:
.L_simem_size_0:
called_computation.1_lowered:
.L_overlay_start_0:
0x88: {  	s2 =	sld [smem:$0x3FD9]  }
0x89: {  	s3 =	sld [smem:$0x3FFE];
	_ =	sdelay $0x1  }
0x8a: {  	s1 =	srdreg.scid  }
0x8b: {  	s0 =	sand.u32 $0x1, s1  }
0x8c: {  	s16 =	sshll.u32 s0, $0xA;
	s2 =	sadd.s32 s3, s2  }
0x8d: {  	s2 =	sadd.s32 s2, s16  }
0x8e: {  	[smem:$0x3FBA] =	sst s2  }
0x8f: {  	_ = 	snop  }
0x90: {  	(tm) =	ssettm $0x1  }
0x91: {  	s17 =	sld [smem:$0x3FFB];
	_ =	sdelay $0x3  }
0x92: {  	_ =	strace s17  }
0x93: {  	s2 =	sld [smem:$0x3FFC];
	_ =	sdelay $0x3  }
0x94: {  	_ =	strace s2  }
0x95: {  	s2 =	sld [smem:$0x3FFD];
	_ =	sdelay $0x3  }
0x96: {  	_ =	strace s2  }
0x97: {  	_ =	strace $0x8FFFFFFF  }
0x98: {  	s18 =	sld [smem:$0x3FDB];
	_ =	sdelay $0x1  }
0x99: {  	s19 =	simm.s32 $_scs_section_size  }
0x9a: {  	s4 =	simm.s32 $_size__tile_overlayer_lowered;
	s5 =	simm.s32 $_tile_overlayer_lowered  }
0x9b: {  	s22 =	simm.s32 $0x1BFF;
	s21 =	sshll.u32 s5, $0x1;
	s2 =	sadd.s32 s19, s18  }
0x9c: {  	s6 =	simm.s32 $0x0;
	s20 =	sshll.u32 s4, $0x1;
	s4 =	sadd.s32 s21, s2  }
0x9d: {  	[timem:s6], [sflag:s22] =	dma.local [hbm:s4], s20  }
0x9e: {  	_ =	swait.ge [sflag:s22], s20  }
0x9f: {  	s3 =	ssub.s32 $0x0, s20;
	[sflag:s22] =	ssyncset.done $0x0  }
0xa0: {  	[sflag:s22] =	ssyncadd.s32 s3;
	_ =	sdelay $0x1  }
0xa1: {  	s23 =	simm.s32 $0x1B8B  }
0xa2: {  	_ =	swait.ge [sflag:s23], $0x1  }
0xa3: {  	[sflag:s23] =	ssyncset.done $0x0  }
0xa4: {  	s25 =	simm.s32 $0x1B8E;
	s24 =	sld [smem:$0x3FFE];
	[sflag:s23] =	ssyncadd.s32 $0xFFFFFFFF  }
0xa5: {  	s26 =	simm.s32 $execute0_lowered;
	[smem:$0x3FD2] =	sst s25  }
0xa6: {  	s4 =	sshll.u32 s26, $0x1;
	_ =	strace $0x80000046;
	[dreg:$0x1] =	wrdreg $0xFFFFFFFF  }
0xa7: {  	s28 =	simm.s32 $_size_execute0_lowered;
	s2 =	sadd.s32 s2, s4;
	[dreg:$0x0] =	wrdreg $0x0  }
0xa8: {  	s4 =	sshll.u32 s28, $0x1;
	[dreg:$0x2] =	wrdreg s2  }
0xa9: {  	[dreg:$0x3] =	wrdreg s4  }
0xaa: {  	[dreg:$0x4] =	wrdreg $0xC0  }
0xab: {  	_ =	task [dreg:s6], $0x5FFFF  }
0xac: {  	[dreg:$0x1] =	wrdreg $0xFFFFFFFF  }
0xad: {  	[dreg:$0x0] =	wrdreg $0x60  }
0xae: {  	[dreg:$0x2] =	wrdreg s24  }
0xaf: {  	[dreg:$0x3] =	wrdreg $0x30000  }
0xb0: {  	[dreg:$0x4] =	wrdreg $0xA  }
0xb1: {  	_ =	task.clear_ibuf [dreg:s6], $0x5FFFF;
	_ =	strace $0x90000046  }
0xb2: {  	s29 =	simm.s32 $0xA;
	_ =	strace $0x80000048  }
0xb3: {  	_ =	swait.ge [sflag:s29], $0x1  }
0xb4: {  	[sflag:s29] =	ssyncadd.s32 $0xFFFFFFFF  }
0xb5: {  	_ =	strace $0x90000048  }
0xb6: {  	_ =	sfence  }
0xb7: {  	s30 =	sld [smem:$0x0];
	_ =	sdelay $0x2  }
0xb8: {  	s31 =	sshll.u32 s1, $0xD;
	s1 =	sshrl.u32 s1, $0x2  }
0xb9: {  	s3 =	sand.u32 $0x4000, s31;
	s1 =	sadd.s32 s1, s30  }
0xba: {  	s0 =	sor.u32 s3, s0;
	s1 =	sshll.u32 s1, $0x11  }
0xbb: {  	s0 =	sor.u32 s1, s0  }
0xbc: {  	s0 =	sadd.s32 $0x8F2B, s0  }
0xbd: {  	[sflag:s0] =	ssyncadd.remote.s32 $0x1  }
0xbe: {  	_ =	sfence.sel $0xFFFF  }
0xbf: {  	[dreg:$0x0] =	wrdreg $0xFFFFFFFF;
	(pc) =	sbr.abs _section_cstart, $3  }
0xc0: {  	[dreg:$0x1] =	wrdreg $0xFFFFFFFF  }
0xc1: {  	_ =	task.clear_ibuf [dreg:s6], $0x2FFFF;
	_ =	strace $0x9FFFFFFF  }
0xc2: {  	(tm) =	ssettm $0x7FFFFFFF  }
0xc3: {  	_ =	shalt  }
tec
execute0_lowered:
.L_overlay_start_1:
0x0: {  	(tag) =	ssettag $0x1  }
0x1: {  	s0 =	rddreg [dreg:$0x0]  }
0x2: {  	s2 =	rddreg [dreg:$0x1];
	s11 =	stileid.u32  }
0x3: {  	s1 =	srdreg.scid;
	s3 =	simm.s32 $0x0;
	s13 =	simm.s32 $0x3  }
0x4: {  	s14 =	simm.s32 $0x400;
	s15 =	simm.s32 $0x80;
	s16 =	simm.s32 $0x17000  }
0x5: {  	s17 =	simm.s32 $0x1;
	s18 =	simm.s32 $0x1B000;
	s19 =	simm.s32 $0x800  }
0x6: {  	s20 =	simm.s32 $0x2;
	s21 =	simm.s32 $0x100;
	s28 =	simm.s32 $0x580  }
0x7: {  	s29 =	simm.s32 $0x280;
	s30 =	simm.s32 $0x600;
	s4 =	smul.u32 $0x3, s11  }
0x8: {  	s31 =	simm.s32 $0x300;
	s1 =	sand.u32 $0x1, s1;
	s5 =	smul.u32 $0x11, s11  }
0x9: {  	[smem:$0x7FF] =	sst s3;
	s7 =	smul.u32 $0x2800, s11;
	s22 =	sshrl.u32 s11, $0x2  }
0xa: {  	s8 =	sshll.u32 s11, $0x8;
	s24 =	smul.u32 $0x50000, s11;
	s26 =	sshll.u32 s11, $0x6  }
0xb: {  	p0 =	seq.s32 s1, $0x0;
	_ =	strace $0x80000047;
	s9 =	sshll.u32 s1, $0x7  }
0xc: {  	s8 =	sand.u32 $0x300, s8;
	s10 =	smul.u32 $0x28000, s1;
	s1 =	ssub.s32 $0x2, s1  }
0xd: {  	s6 =	sadd.s32 $0x110, s4;
	s4 =	sadd.s32 $0x18600, s0;
	s8 =	sor.u32 s9, s8  }
0xe: {  	s23 =	sadd.s32 s7, s0;
	s25 =	sshrl.u32 s1, $0x1;
	s6 =	smov.u32 @p0 s5  }
0xf: {  	s10 =	sadd.s32 s10, s0;
	s1 =	ssub.s32 s1, s25;
	s9 =	sadd.s32 $0x40600, s23  }
0x10: {  	s5 =	sshll.u32 s6, $0x7;
	s6 =	smul.u32 $0x14000, s22;
	[dreg:$0x3] =	wrdreg s9  }
0x11: {  	s11 =	sadd.s32 $0x72600, s10;
	s22 =	smax.u32 s1, $0x1;
	s1 =	simm.s32 $0x680  }
0x12: {  	s9 =	simm.s32 $0x0;
	s5 =	sadd.s32 s5, s0;
	[dreg:$0x5] =	wrdreg s22  }
0x13: {  	s22 =	simm.s32 $0x480;
	s6 =	sor.u32 s6, s8;
	s8 =	sshrl.u32 s24, $0x2  }
0x14: {  	s24 =	simm.s32 $0x11;
	s23 =	sadd.s32 $0x4600, s5;
	s25 =	sadd.s32 $0xE600, s5  }
0x15: {  	s5 =	simm.s32 $0x700;
	s6 =	sshrl.u32 s6, $0x3;
	[dreg:$0x6] =	wrdreg s23  }
0x16: {  	s8 =	sadd.s32 s8, s2;
	s24 =	simm.s32 @!p0 $0x3;
	[dreg:$0x7] =	wrdreg s25  }
0x17: {  	s23 =	simm.s32 $0x180;
	s25 =	simm.s32 $0x500;
	s0 =	sadd.s32 s6, s0  }
0x18: {  	s6 =	sor.u32 $0x1C03, s26;
	s12 =	sshrl.u32 s8, $0x3;
	s26 =	sadd.s32 s7, s11  }
0x19: {  	s8 =	simm.s32 $0x780;
	s0 =	sadd.s32 $0x68600, s0;
	[dreg:$0x8] =	wrdreg s26  }
0x1a: {  	v0 =	vimm.f32 $0.0e+00;
	v1 =	vimm.f32 $1.000000000e+00;
	s26 =	simm.s32 $0x200;
	[dreg:$0x4] =	wrdreg s0;
	s0 =	simm.s32 $0x380  }
.LBB2_1:
0x1b: {  	s7 =	rddreg [dreg:$0x3]  }
0x1c: {  	[spmem:s12], [sflag:s6] =	dma.local [hbm:s7], $0x2800  }
0x1d: {  	_ =	swait.ge [sflag:s13], $0x2800  }
0x1e: {  	[sflag:s13] =	ssyncset.done $0x0  }
0x1f: {  	s10 =	simm.s32 $0x0;
	s7 =	simm.s32 $0x40;
	[sflag:s13] =	ssyncadd.s32 $0xFFFFD800  }
.LBB2_2:
0x20: {  	p0 =	sne.s32 s7, $0x9FC0;
	[tilespmem:s10+$0x800] =	vst v0;
	s10 =	smov.u32 s7;
	s7 =	sadd.s32 $0x40, s7  }
.Ltmp0:
0x21: {  	(pc) =	sbr.rel @p0 .LBB2_2-.Ltmp0, $2  }
0x22: {  	_ =	sdelay $0x2  }
0x23: {  	s10 =	sshra.s32 s10, $0x2  }
0x24: {  	[tilespmem:s10+$0x800] =	vst v0  }
0x25: {  	[bflag:$0x0] =	sbarrier.arrive $0xFFFF  }
0x26: {  	s11 =	rddreg [dreg:$0x7]  }
0x27: {  	s7 =	smov.u32 s24;
	s10 =	rddreg [dreg:$0x6]  }
.LBB2_4:
0x28: {  	[tilespmem:s3], [sflag:$0x3] =	stream.linear.gather [hbm4b:s11+s3], $0x400, $0x38;
	[tilespmem:$0x1F000] =	vst v63  }
0x29: {  	_ =	swait.ge [sflag:s13], $0x400  }
0x2a: {  	[sflag:s13] =	ssyncset.done $0x0  }
0x2b: {  	[sflag:s13] =	ssyncadd.s32 $0xFFFFFC00  }
0x2c: {  	[tilespmem:s14], [sflag:$0x3] =	stream.linear.gather [hbm4b:s10+s3], $0x400, $0x38;
	[tilespmem:$0x1F000] =	vst v63  }
0x2d: {  	_ =	swait.ge [sflag:s13], $0x400  }
0x2e: {  	[sflag:s13] =	ssyncset.done $0x0  }
0x2f: {  	[sflag:s13] =	ssyncadd.s32 $0xFFFFFC00  }
0x30: {  	[tilespmem:s16], [sflag:$0x1] =	stream.indirect.gather [hbm4b:s4+s15], $0x80, s3, s15, $0xb8;
	[tilespmem:$0x1F000] =	vst v63  }
0x31: {  	_ =	swait.ge [sflag:s17], $0x4000  }
0x32: {  	[sflag:s17] =	ssyncset.done $0x0  }
0x33: {  	[sflag:s17] =	ssyncadd.s32 $0xFFFFC000  }
0x34: {  	[tilespmem:s18], [sflag:$0x2] =	stream.indirect.gather [hbm4b:s4+s15], $0x80, s15, s15, $0xb8;
	[tilespmem:$0x1F000] =	vst v63  }
0x35: {  	v2 =	vld [tilespmem:$0x400];
	_ =	sdelay $0x7  }
0x36: {  	[tilespmem:v2+s19+$0x0] =	vst.idx.add.f32.msk $0xffff, v1  }
0x37: {  	v2 =	vld [tilespmem:$0x410];
	_ =	sdelay $0x7  }
0x38: {  	[tilespmem:v2+s19+$0x0] =	vst.idx.add.f32.msk $0xffff, v1  }
0x39: {  	v2 =	vld [tilespmem:$0x420];
	_ =	sdelay $0x7  }
0x3a: {  	[tilespmem:v2+s19+$0x0] =	vst.idx.add.f32.msk $0xffff, v1  }
0x3b: {  	v2 =	vld [tilespmem:$0x430];
	_ =	sdelay $0x7  }
0x3c: {  	[tilespmem:v2+s19+$0x0] =	vst.idx.add.f32.msk $0xffff, v1  }
0x3d: {  	v2 =	vld [tilespmem:$0x440];
	_ =	sdelay $0x7  }
0x3e: {  	[tilespmem:v2+s19+$0x0] =	vst.idx.add.f32.msk $0xffff, v1  }
0x3f: {  	v2 =	vld [tilespmem:$0x450];
	_ =	sdelay $0x7  }
0x40: {  	[tilespmem:v2+s19+$0x0] =	vst.idx.add.f32.msk $0xffff, v1  }
0x41: {  	v2 =	vld [tilespmem:$0x460];
	_ =	sdelay $0x7  }
0x42: {  	[tilespmem:v2+s19+$0x0] =	vst.idx.add.f32.msk $0xffff, v1  }
0x43: {  	v2 =	vld [tilespmem:$0x470];
	_ =	sdelay $0x7  }
0x44: {  	[tilespmem:v2+s19+$0x0] =	vst.idx.add.f32.msk $0xffff, v1  }
0x45: {  	[spmem:s2] =	stream.indirect.scatter.add.f32 [tilespmem:s16], [sflag:$0x3], $0x80, s14, s15, $0xb8;
	[tilespmem:$0x1F000] =	vst v63  }
0x46: {  	_ =	swait.ge [sflag:s13], $0x4000  }
0x47: {  	[sflag:s13] =	ssyncset.done $0x0  }
0x48: {  	[sflag:s13] =	ssyncadd.s32 $0xFFFFC000  }
0x49: {  	_ =	swait.ge [sflag:s20], $0x4000  }
0x4a: {  	[sflag:s20] =	ssyncset.done $0x0  }
0x4b: {  	[sflag:s20] =	ssyncadd.s32 $0xFFFFC000  }
0x4c: {  	[tilespmem:s16], [sflag:$0x1] =	stream.indirect.gather [hbm4b:s4+s15], $0x80, s21, s15, $0xb8;
	[tilespmem:$0x1F000] =	vst v63  }
0x4d: {  	v2 =	vld [tilespmem:$0x480];
	_ =	sdelay $0x7  }
0x4e: {  	[tilespmem:v2+s19+$0x0] =	vst.idx.add.f32.msk $0xffff, v1  }
0x4f: {  	v2 =	vld [tilespmem:$0x490];
	_ =	sdelay $0x7  }
0x50: {  	[tilespmem:v2+s19+$0x0] =	vst.idx.add.f32.msk $0xffff, v1  }
0x51: {  	v2 =	vld [tilespmem:$0x4A0];
	_ =	sdelay $0x7  }
0x52: {  	[tilespmem:v2+s19+$0x0] =	vst.idx.add.f32.msk $0xffff, v1  }
0x53: {  	v2 =	vld [tilespmem:$0x4B0];
	_ =	sdelay $0x7  }
0x54: {  	[tilespmem:v2+s19+$0x0] =	vst.idx.add.f32.msk $0xffff, v1  }
0x55: {  	v2 =	vld [tilespmem:$0x4C0];
	_ =	sdelay $0x7  }
0x56: {  	[tilespmem:v2+s19+$0x0] =	vst.idx.add.f32.msk $0xffff, v1  }
0x57: {  	v2 =	vld [tilespmem:$0x4D0];
	_ =	sdelay $0x7  }
0x58: {  	[tilespmem:v2+s19+$0x0] =	vst.idx.add.f32.msk $0xffff, v1  }
0x59: {  	v2 =	vld [tilespmem:$0x4E0];
	_ =	sdelay $0x7  }
0x5a: {  	[tilespmem:v2+s19+$0x0] =	vst.idx.add.f32.msk $0xffff, v1  }
0x5b: {  	v2 =	vld [tilespmem:$0x4F0];
	_ =	sdelay $0x7  }
0x5c: {  	[tilespmem:v2+s19+$0x0] =	vst.idx.add.f32.msk $0xffff, v1  }
0x5d: {  	[spmem:s2] =	stream.indirect.scatter.add.f32 [tilespmem:s18], [sflag:$0x3], $0x80, s22, s15, $0xb8;
	[tilespmem:$0x1F000] =	vst v63  }
0x5e: {  	_ =	swait.ge [sflag:s13], $0x4000  }
0x5f: {  	[sflag:s13] =	ssyncset.done $0x0  }
0x60: {  	[sflag:s13] =	ssyncadd.s32 $0xFFFFC000  }
0x61: {  	_ =	swait.ge [sflag:s17], $0x4000  }
0x62: {  	[sflag:s17] =	ssyncset.done $0x0  }
0x63: {  	[sflag:s17] =	ssyncadd.s32 $0xFFFFC000  }
0x64: {  	[tilespmem:s18], [sflag:$0x2] =	stream.indirect.gather [hbm4b:s4+s15], $0x80, s23, s15, $0xb8;
	[tilespmem:$0x1F000] =	vst v63  }
0x65: {  	v2 =	vld [tilespmem:$0x500];
	_ =	sdelay $0x7  }
0x66: {  	[tilespmem:v2+s19+$0x0] =	vst.idx.add.f32.msk $0xffff, v1  }
0x67: {  	v2 =	vld [tilespmem:$0x510];
	_ =	sdelay $0x7  }
0x68: {  	[tilespmem:v2+s19+$0x0] =	vst.idx.add.f32.msk $0xffff, v1  }
0x69: {  	v2 =	vld [tilespmem:$0x520];
	_ =	sdelay $0x7  }
0x6a: {  	[tilespmem:v2+s19+$0x0] =	vst.idx.add.f32.msk $0xffff, v1  }
0x6b: {  	v2 =	vld [tilespmem:$0x530];
	_ =	sdelay $0x7  }
0x6c: {  	[tilespmem:v2+s19+$0x0] =	vst.idx.add.f32.msk $0xffff, v1  }
0x6d: {  	v2 =	vld [tilespmem:$0x540];
	_ =	sdelay $0x7  }
0x6e: {  	[tilespmem:v2+s19+$0x0] =	vst.idx.add.f32.msk $0xffff, v1  }
0x6f: {  	v2 =	vld [tilespmem:$0x550];
	_ =	sdelay $0x7  }
0x70: {  	[tilespmem:v2+s19+$0x0] =	vst.idx.add.f32.msk $0xffff, v1  }
0x71: {  	v2 =	vld [tilespmem:$0x560];
	_ =	sdelay $0x7  }
0x72: {  	[tilespmem:v2+s19+$0x0] =	vst.idx.add.f32.msk $0xffff, v1  }
0x73: {  	v2 =	vld [tilespmem:$0x570];
	_ =	sdelay $0x7  }
0x74: {  	[tilespmem:v2+s19+$0x0] =	vst.idx.add.f32.msk $0xffff, v1  }
0x75: {  	[spmem:s2] =	stream.indirect.scatter.add.f32 [tilespmem:s16], [sflag:$0x3], $0x80, s25, s15, $0xb8;
	[tilespmem:$0x1F000] =	vst v63  }
0x76: {  	_ =	swait.ge [sflag:s13], $0x4000  }
0x77: {  	[sflag:s13] =	ssyncset.done $0x0  }
0x78: {  	[sflag:s13] =	ssyncadd.s32 $0xFFFFC000  }
0x79: {  	_ =	swait.ge [sflag:s20], $0x4000  }
0x7a: {  	[sflag:s20] =	ssyncset.done $0x0  }
0x7b: {  	[sflag:s20] =	ssyncadd.s32 $0xFFFFC000  }
0x7c: {  	[tilespmem:s16], [sflag:$0x1] =	stream.indirect.gather [hbm4b:s4+s15], $0x80, s26, s15, $0xb8;
	[tilespmem:$0x1F000] =	vst v63  }
0x7d: {  	v2 =	vld [tilespmem:$0x580];
	_ =	sdelay $0x7  }
0x7e: {  	[tilespmem:v2+s19+$0x0] =	vst.idx.add.f32.msk $0xffff, v1  }
0x7f: {  	v2 =	vld [tilespmem:$0x590];
	_ =	sdelay $0x7  }
0x80: {  	[tilespmem:v2+s19+$0x0] =	vst.idx.add.f32.msk $0xffff, v1  }
0x81: {  	v2 =	vld [tilespmem:$0x5A0];
	_ =	sdelay $0x7  }
0x82: {  	[tilespmem:v2+s19+$0x0] =	vst.idx.add.f32.msk $0xffff, v1  }
0x83: {  	v2 =	vld [tilespmem:$0x5B0];
	_ =	sdelay $0x7  }
0x84: {  	[tilespmem:v2+s19+$0x0] =	vst.idx.add.f32.msk $0xffff, v1  }
0x85: {  	v2 =	vld [tilespmem:$0x5C0];
	_ =	sdelay $0x7  }
0x86: {  	[tilespmem:v2+s19+$0x0] =	vst.idx.add.f32.msk $0xffff, v1  }
0x87: {  	v2 =	vld [tilespmem:$0x5D0];
	_ =	sdelay $0x7  }
0x88: {  	[tilespmem:v2+s19+$0x0] =	vst.idx.add.f32.msk $0xffff, v1  }
0x89: {  	v2 =	vld [tilespmem:$0x5E0];
	_ =	sdelay $0x7  }
0x8a: {  	[tilespmem:v2+s19+$0x0] =	vst.idx.add.f32.msk $0xffff, v1  }
0x8b: {  	v2 =	vld [tilespmem:$0x5F0];
	_ =	sdelay $0x7  }
0x8c: {  	[tilespmem:v2+s19+$0x0] =	vst.idx.add.f32.msk $0xffff, v1  }
0x8d: {  	[spmem:s2] =	stream.indirect.scatter.add.f32 [tilespmem:s18], [sflag:$0x3], $0x80, s28, s15, $0xb8;
	[tilespmem:$0x1F000] =	vst v63  }
0x8e: {  	_ =	swait.ge [sflag:s13], $0x4000  }
0x8f: {  	[sflag:s13] =	ssyncset.done $0x0  }
0x90: {  	[sflag:s13] =	ssyncadd.s32 $0xFFFFC000  }
0x91: {  	_ =	swait.ge [sflag:s17], $0x4000  }
0x92: {  	[sflag:s17] =	ssyncset.done $0x0  }
0x93: {  	[sflag:s17] =	ssyncadd.s32 $0xFFFFC000  }
0x94: {  	[tilespmem:s18], [sflag:$0x2] =	stream.indirect.gather [hbm4b:s4+s15], $0x80, s29, s15, $0xb8;
	[tilespmem:$0x1F000] =	vst v63  }
0x95: {  	v2 =	vld [tilespmem:$0x600];
	_ =	sdelay $0x7  }
0x96: {  	[tilespmem:v2+s19+$0x0] =	vst.idx.add.f32.msk $0xffff, v1  }
0x97: {  	v2 =	vld [tilespmem:$0x610];
	_ =	sdelay $0x7  }
0x98: {  	[tilespmem:v2+s19+$0x0] =	vst.idx.add.f32.msk $0xffff, v1  }
0x99: {  	v2 =	vld [tilespmem:$0x620];
	_ =	sdelay $0x7  }
0x9a: {  	[tilespmem:v2+s19+$0x0] =	vst.idx.add.f32.msk $0xffff, v1  }
0x9b: {  	v2 =	vld [tilespmem:$0x630];
	_ =	sdelay $0x7  }
0x9c: {  	[tilespmem:v2+s19+$0x0] =	vst.idx.add.f32.msk $0xffff, v1  }
0x9d: {  	v2 =	vld [tilespmem:$0x640];
	_ =	sdelay $0x7  }
0x9e: {  	[tilespmem:v2+s19+$0x0] =	vst.idx.add.f32.msk $0xffff, v1  }
0x9f: {  	v2 =	vld [tilespmem:$0x650];
	_ =	sdelay $0x7  }
0xa0: {  	[tilespmem:v2+s19+$0x0] =	vst.idx.add.f32.msk $0xffff, v1  }
0xa1: {  	v2 =	vld [tilespmem:$0x660];
	_ =	sdelay $0x7  }
0xa2: {  	[tilespmem:v2+s19+$0x0] =	vst.idx.add.f32.msk $0xffff, v1  }
0xa3: {  	v2 =	vld [tilespmem:$0x670];
	_ =	sdelay $0x7  }
0xa4: {  	[tilespmem:v2+s19+$0x0] =	vst.idx.add.f32.msk $0xffff, v1  }
0xa5: {  	[spmem:s2] =	stream.indirect.scatter.add.f32 [tilespmem:s16], [sflag:$0x3], $0x80, s30, s15, $0xb8;
	[tilespmem:$0x1F000] =	vst v63  }
0xa6: {  	_ =	swait.ge [sflag:s13], $0x4000  }
0xa7: {  	[sflag:s13] =	ssyncset.done $0x0  }
0xa8: {  	[sflag:s13] =	ssyncadd.s32 $0xFFFFC000  }
0xa9: {  	_ =	swait.ge [sflag:s20], $0x4000  }
0xaa: {  	[sflag:s20] =	ssyncset.done $0x0  }
0xab: {  	[sflag:s20] =	ssyncadd.s32 $0xFFFFC000  }
0xac: {  	[tilespmem:s16], [sflag:$0x1] =	stream.indirect.gather [hbm4b:s4+s15], $0x80, s31, s15, $0xb8;
	[tilespmem:$0x1F000] =	vst v63  }
0xad: {  	v2 =	vld [tilespmem:$0x680];
	_ =	sdelay $0x7  }
0xae: {  	[tilespmem:v2+s19+$0x0] =	vst.idx.add.f32.msk $0xffff, v1  }
0xaf: {  	v2 =	vld [tilespmem:$0x690];
	_ =	sdelay $0x7  }
0xb0: {  	[tilespmem:v2+s19+$0x0] =	vst.idx.add.f32.msk $0xffff, v1  }
0xb1: {  	v2 =	vld [tilespmem:$0x6A0];
	_ =	sdelay $0x7  }
0xb2: {  	[tilespmem:v2+s19+$0x0] =	vst.idx.add.f32.msk $0xffff, v1  }
0xb3: {  	v2 =	vld [tilespmem:$0x6B0];
	_ =	sdelay $0x7  }
0xb4: {  	[tilespmem:v2+s19+$0x0] =	vst.idx.add.f32.msk $0xffff, v1  }
0xb5: {  	v2 =	vld [tilespmem:$0x6C0];
	_ =	sdelay $0x7  }
0xb6: {  	[tilespmem:v2+s19+$0x0] =	vst.idx.add.f32.msk $0xffff, v1  }
0xb7: {  	v2 =	vld [tilespmem:$0x6D0];
	_ =	sdelay $0x7  }
0xb8: {  	[tilespmem:v2+s19+$0x0] =	vst.idx.add.f32.msk $0xffff, v1  }
0xb9: {  	v2 =	vld [tilespmem:$0x6E0];
	_ =	sdelay $0x7  }
0xba: {  	[tilespmem:v2+s19+$0x0] =	vst.idx.add.f32.msk $0xffff, v1  }
0xbb: {  	v2 =	vld [tilespmem:$0x6F0];
	_ =	sdelay $0x7  }
0xbc: {  	[tilespmem:v2+s19+$0x0] =	vst.idx.add.f32.msk $0xffff, v1  }
0xbd: {  	[spmem:s2] =	stream.indirect.scatter.add.f32 [tilespmem:s18], [sflag:$0x3], $0x80, s1, s15, $0xb8;
	[tilespmem:$0x1F000] =	vst v63  }
0xbe: {  	_ =	swait.ge [sflag:s13], $0x4000  }
0xbf: {  	[sflag:s13] =	ssyncset.done $0x0  }
0xc0: {  	[sflag:s13] =	ssyncadd.s32 $0xFFFFC000  }
0xc1: {  	_ =	swait.ge [sflag:s17], $0x4000  }
0xc2: {  	[sflag:s17] =	ssyncset.done $0x0  }
0xc3: {  	[sflag:s17] =	ssyncadd.s32 $0xFFFFC000  }
0xc4: {  	[tilespmem:s18], [sflag:$0x2] =	stream.indirect.gather [hbm4b:s4+s15], $0x80, s0, s15, $0xb8;
	[tilespmem:$0x1F000] =	vst v63  }
0xc5: {  	v2 =	vld [tilespmem:$0x700];
	_ =	sdelay $0x7  }
0xc6: {  	[tilespmem:v2+s19+$0x0] =	vst.idx.add.f32.msk $0xffff, v1  }
0xc7: {  	v2 =	vld [tilespmem:$0x710];
	_ =	sdelay $0x7  }
0xc8: {  	[tilespmem:v2+s19+$0x0] =	vst.idx.add.f32.msk $0xffff, v1  }
0xc9: {  	v2 =	vld [tilespmem:$0x720];
	_ =	sdelay $0x7  }
0xca: {  	[tilespmem:v2+s19+$0x0] =	vst.idx.add.f32.msk $0xffff, v1  }
0xcb: {  	v2 =	vld [tilespmem:$0x730];
	_ =	sdelay $0x7  }
0xcc: {  	[tilespmem:v2+s19+$0x0] =	vst.idx.add.f32.msk $0xffff, v1  }
0xcd: {  	v2 =	vld [tilespmem:$0x740];
	_ =	sdelay $0x7  }
0xce: {  	[tilespmem:v2+s19+$0x0] =	vst.idx.add.f32.msk $0xffff, v1  }
0xcf: {  	v2 =	vld [tilespmem:$0x750];
	_ =	sdelay $0x7  }
0xd0: {  	[tilespmem:v2+s19+$0x0] =	vst.idx.add.f32.msk $0xffff, v1  }
0xd1: {  	v2 =	vld [tilespmem:$0x760];
	_ =	sdelay $0x7  }
0xd2: {  	[tilespmem:v2+s19+$0x0] =	vst.idx.add.f32.msk $0xffff, v1  }
0xd3: {  	v2 =	vld [tilespmem:$0x770];
	_ =	sdelay $0x7  }
0xd4: {  	[tilespmem:v2+s19+$0x0] =	vst.idx.add.f32.msk $0xffff, v1  }
0xd5: {  	[spmem:s2] =	stream.indirect.scatter.add.f32 [tilespmem:s16], [sflag:$0x3], $0x80, s5, s15, $0xb8;
	[tilespmem:$0x1F000] =	vst v63  }
0xd6: {  	_ =	swait.ge [sflag:s13], $0x4000  }
0xd7: {  	[sflag:s13] =	ssyncset.done $0x0  }
0xd8: {  	[sflag:s13] =	ssyncadd.s32 $0xFFFFC000  }
0xd9: {  	_ =	swait.ge [sflag:s20], $0x4000  }
0xda: {  	[sflag:s20] =	ssyncset.done $0x0  }
0xdb: {  	[sflag:s20] =	ssyncadd.s32 $0xFFFFC000  }
0xdc: {  	v2 =	vld [tilespmem:$0x780];
	_ =	sdelay $0x7  }
0xdd: {  	[tilespmem:v2+s19+$0x0] =	vst.idx.add.f32.msk $0xffff, v1  }
0xde: {  	v2 =	vld [tilespmem:$0x790];
	_ =	sdelay $0x7  }
0xdf: {  	[tilespmem:v2+s19+$0x0] =	vst.idx.add.f32.msk $0xffff, v1  }
0xe0: {  	v2 =	vld [tilespmem:$0x7A0];
	_ =	sdelay $0x7  }
0xe1: {  	[tilespmem:v2+s19+$0x0] =	vst.idx.add.f32.msk $0xffff, v1  }
0xe2: {  	v2 =	vld [tilespmem:$0x7B0];
	_ =	sdelay $0x7  }
0xe3: {  	[tilespmem:v2+s19+$0x0] =	vst.idx.add.f32.msk $0xffff, v1  }
0xe4: {  	v2 =	vld [tilespmem:$0x7C0];
	_ =	sdelay $0x7  }
0xe5: {  	[tilespmem:v2+s19+$0x0] =	vst.idx.add.f32.msk $0xffff, v1  }
0xe6: {  	v2 =	vld [tilespmem:$0x7D0];
	_ =	sdelay $0x7  }
0xe7: {  	[tilespmem:v2+s19+$0x0] =	vst.idx.add.f32.msk $0xffff, v1  }
0xe8: {  	v2 =	vld [tilespmem:$0x7E0];
	_ =	sdelay $0x7  }
0xe9: {  	[tilespmem:v2+s19+$0x0] =	vst.idx.add.f32.msk $0xffff, v1  }
0xea: {  	v2 =	vld [tilespmem:$0x7F0];
	_ =	sdelay $0x6  }
0xeb: {  	p0 =	sne.s32 s7, $0x1  }
.Ltmp1:
0xec: {  	[tilespmem:v2+s19+$0x0] =	vst.idx.add.f32.msk $0xffff, v1;
	(pc) =	sbr.rel @p0 .LBB2_4-.Ltmp1, $4  }
0xed: {  	[spmem:s2] =	stream.indirect.scatter.add.f32 [tilespmem:s18], [sflag:$0x3], $0x80, s8, s15, $0xb8;
	[tilespmem:$0x1F000] =	vst v63  }
0xee: {  	_ =	swait.ge [sflag:s13], $0x4000  }
0xef: {  	s11 =	sadd.s32 $0x80, s11;
	[sflag:s13] =	ssyncset.done $0x0  }
0xf0: {  	s7 =	sadd.s32 $0xFFFFFFFF, s7;
	s10 =	sadd.s32 $0x80, s10;
	[sflag:s13] =	ssyncadd.s32 $0xFFFFC000  }
0xf1: {  	[bflag:$0x0] =	sbarrier.arrive $0xFFFF  }
0xf2: {  	s7 =	rddreg [dreg:$0x8]  }
0xf3: {  	[hbm:s7], [sflag:s6] =	dma.local [spmem:s12], $0x2800  }
0xf4: {  	_ =	swait.ge [sflag:s13], $0x2800  }
0xf5: {  	[sflag:s13] =	ssyncset.done $0x0  }
0xf6: {  	s10 =	rddreg [dreg:$0x4];
	[sflag:s13] =	ssyncadd.s32 $0xFFFFD800  }
0xf7: {  	[hbm4b:s10+s15] =	stream.strided.scatter [tilespmem:s19], [sflag:$0x3], $0x2800, s14, s15, $0x38;
	[tilespmem:$0x1F000] =	vst v63  }
0xf8: {  	_ =	swait.ge [sflag:s13], $0x2800  }
0xf9: {  	s9 =	sadd.s32 $0x1, s9;
	s11 =	rddreg [dreg:$0x5]  }
0xfa: {  	p0 =	sne.s32 s9, s11  }
.Ltmp2:
0xfb: {  	_ = 	snop;
	(pc) =	sbr.rel @p0 .LBB2_1-.Ltmp2, $3  }
0xfc: {  	_ =	sdelay $0x1  }
0xfd: {  	[sflag:s13] =	ssyncset.done $0x0  }
0xfe: {  	[sflag:s13] =	ssyncadd.s32 $0xFFFFD800  }
0xff: {  	_ =	sfence.sel $0x180000  }
0x100: {  	[bflag:$0x0] =	sbarrier.arrive $0xFFFF  }
0x101: {  	_ =	strace $0x90000047  }
0x102: {  	s0 =	stileid.u32;
	[bflag:$0x2] =	sbarrier.arrive $0xFFFF  }
0x103: {  	p0 =	sne.s32 s0, $0x0;
	s0 =	rddreg [dreg:$0x2]  }
0x104: {  	s0 =	sadd.s32 @!p0 $0x100000, s0  }
0x105: {  	[sflag:s0] =	ssyncadd.tile.s32 @!p0 $0x1;
	_ =	shalt  }
.Lfunc_end2:
_tile_overlayer_lowered:
.L_overlay_start_2:
0x106: {  	(tag) =	ssettag $0x2  }
0x107: {  	s0 =	rddreg [dreg:$0x0];
	s2 =	stileid.u32  }
0x108: {  	s1 =	rddreg [dreg:$0x1];
	p0 =	sne.s32 s2, $0x0  }
0x109: {  	s3 =	rddreg [dreg:$0x2];
	[bflag:$0x3] =	sbarrier.arrive $0xFFFF;
	s2 =	simm.s32 @!p0 $0x1C03  }
0x10a: {  	[timem:s3], [sflag:s2] =	dma.local @!p0 [hbm:s0], s1  }
0x10b: {  	s0 =	simm.s32 @!p0 $0x3  }
0x10c: {  	_ =	swait.ge @!p0 [sflag:s0], s1  }
0x10d: {  	s1 =	ssub.s32 @!p0 $0x0, s1;
	[sflag:s0] =	ssyncset.done @!p0 $0x0  }
0x10e: {  	[sflag:s0] =	ssyncadd.s32 @!p0 s1  }
0x10f: {  	[bflag:$0x3] =	sbarrier.arrive $0xFFFF  }
0x110: {  	_ =	shalt  }

</sc_bundles>
